<compile_context>
chip_gen: v7x
topology: tpu7x:2x2x1
jax: 0.10.2.dev20260603
libtpu: 0.0.44.dev20260713+nightly
codegen_flags: <defaults>
</compile_context>

<pallas_src>
import functools

import jax
import jax.numpy as jnp
from jax import lax
from jax.experimental import pallas as pl
from jax.experimental.pallas import tpu as pltpu
from jax.experimental.pallas import tpu_sc as plsc

NC = 2
NS = 16
RW = 128
CH = 128
CORE0_FRAC = 0.36


def _ceil_div(a, b):
    return -(-a // b)



def _writeout(acc, out, c, s, n_rows, tile_rows):
    full = n_rows // tile_rows
    rem = n_rows % tile_rows

    @pl.when(s < full)
    def _():
        pltpu.sync_copy(acc.at[pl.ds(s * tile_rows, tile_rows)],
                        out.at[c, pl.ds(s * tile_rows, tile_rows)])

    if rem:
        @pl.when(s == full)
        def _():
            pltpu.sync_copy(acc.at[pl.ds(full * tile_rows, rem)],
                            out.at[c, pl.ds(full * tile_rows, rem)])


def _make_sc_deg(n, nacc, nch_max, nch0, nch1):
    tile_rows = nacc // NS
    zchunks = tile_rows // CH
    mesh = plsc.VectorSubcoreMesh(core_axis_name="c", subcore_axis_name="s")

    @functools.partial(
        pl.kernel, mesh=mesh,
        out_type=jax.ShapeDtypeStruct((NC, n, RW), jnp.float32),
        scratch_types=[
            pltpu.VMEM((nch_max, CH), jnp.int32),
            pltpu.VMEM((CH, RW), jnp.float32),
            pltpu.VMEM_SHARED((nacc, RW), jnp.float32),
        ],
    )
    def k(dst_hbm, out_hbm, didx, rows, acc):
        c = lax.axis_index("c")
        s = lax.axis_index("s")
        nch_c = jnp.where(c == 0, nch0, nch1)
        z = jnp.zeros((16,), jnp.float32)

        def zero_body(i, carry):
            for q in range(RW // 16):
                rows[i, pl.ds(q * 16, 16)] = z
            return carry
        lax.fori_loop(0, CH, zero_body, 0)

        for b in range(zchunks):
            pltpu.sync_copy(rows, acc.at[pl.ds(s * tile_rows + b * CH, CH)])
        plsc.subcore_barrier()

        one = jnp.ones((16,), jnp.float32)

        def ones_body(i, carry):
            rows[i, pl.ds(0, 16)] = one
            return carry
        lax.fori_loop(0, CH, ones_body, 0)

        pltpu.sync_copy(dst_hbm.at[c, s], didx)

        def edge_body(j, carry):
            pltpu.sync_copy(rows, acc.at[didx.at[j]], add=True)
            return carry
        lax.fori_loop(0, nch_c, edge_body, 0)

        plsc.subcore_barrier()
        _writeout(acc, out_hbm, c, s, n, tile_rows)

    return k


def _make_sc_agg(n, d, nacc, nch_max, nch0, nch1):
    tile_rows = nacc // NS
    zchunks = tile_rows // CH
    mesh = plsc.VectorSubcoreMesh(core_axis_name="c", subcore_axis_name="s")

    @functools.partial(
        pl.kernel, mesh=mesh,
        out_type=jax.ShapeDtypeStruct((NC, n, d), jnp.float32),
        scratch_types=[
            pltpu.VMEM((nch_max, CH), jnp.int32),
            pltpu.VMEM((nch_max, CH), jnp.int32),
            pltpu.VMEM((CH, d), jnp.float32),
            pltpu.VMEM_SHARED((nacc, d), jnp.float32),
            pltpu.SemaphoreType.DMA,
            pltpu.SemaphoreType.DMA,
            pltpu.SemaphoreType.DMA,
            pltpu.SemaphoreType.DMA,
        ],
    )
    def k(table_hbm, src_hbm, dst_hbm, out_hbm, sidx, didx, rows, acc, sem,
          sem2, sem3, sem4):
        c = lax.axis_index("c")
        s = lax.axis_index("s")
        nch_c = jnp.where(c == 0, nch0, nch1)
        z = jnp.zeros((16,), jnp.float32)

        def zero_body(i, carry):
            for q in range(d // 16):
                rows[i, pl.ds(q * 16, 16)] = z
            return carry
        lax.fori_loop(0, CH, zero_body, 0)

        for b in range(zchunks):
            pltpu.sync_copy(rows, acc.at[pl.ds(s * tile_rows + b * CH, CH)])
        plsc.subcore_barrier()

        pltpu.sync_copy(src_hbm.at[c, s], sidx)
        pltpu.sync_copy(dst_hbm.at[c, s], didx)

        h = CH // 4
        sems = None

        def edge_body(j, carry):
            cps = []
            for q, sm in enumerate((sem, sem2, sem3, sem4)):
                cps.append(pltpu.async_copy(
                    table_hbm.at[sidx.at[j, pl.ds(q * h, h)]],
                    rows.at[pl.ds(q * h, h)], sm))
            for cp in cps:
                cp.wait()
            pltpu.sync_copy(rows, acc.at[didx.at[j]], add=True)
            return carry
        lax.fori_loop(0, nch_c, edge_body, 0)

        plsc.subcore_barrier()
        _writeout(acc, out_hbm, c, s, n, tile_rows)

    return k



def _t1_body(degp, feat, fs, dinv):
    deg = degp[0, :, 0:1] + degp[1, :, 0:1] + 1.0
    di = lax.rsqrt(jnp.maximum(deg, 1.0))
    dinv[...] = di
    fs[...] = feat[...] * di


def _t2_body(aggp, fs, dinv, w1, b1, w2p, out):
    di = dinv[...]
    x = (aggp[0] + aggp[1] + fs[...]) * di
    h = jnp.maximum(jnp.dot(x, w1[...], preferred_element_type=jnp.float32)
                    + b1[...], 0.0)
    out[...] = jnp.dot(h, w2p[...], preferred_element_type=jnp.float32) * di


def _t3_body(agg2p, hw2s, dinv, b2p, out):
    t = (agg2p[0] + agg2p[1] + hw2s[...]) * dinv[...] + b2p[...]
    lg = t[:, :out.shape[1]]
    m = jnp.max(lg, axis=1, keepdims=True)
    e = jnp.exp(lg - m)
    out[...] = e / jnp.sum(e, axis=1, keepdims=True)



def kernel(feat, view, W1, b1, W2, b2):
    n, f_in = feat.shape
    e = view.shape[1]
    hid = W1.shape[1]
    c_out = W2.shape[1]
    cp = 128

    nw = NC * NS
    cg = NS * CH
    e0 = int(round(e * CORE0_FRAC / cg)) * cg
    e0 = max(cg, min(e0, (e // cg) * cg))
    e1 = e - e0
    nch0 = e0 // cg
    nch1 = _ceil_div(e1, cg)
    nch_max = max(nch0, nch1)
    nacc = _ceil_div(n + 1, NS * CH) * NS * CH

    def part(vals, pad_val):
        a = vals[:e0].reshape(NS, nch0, CH)
        a = jnp.concatenate(
            [a, jnp.full((NS, nch_max - nch0, CH), pad_val, jnp.int32)], axis=1)
        b = jnp.concatenate(
            [vals[e0:], jnp.full((nch1 * cg - e1,), pad_val, jnp.int32)])
        b = b.reshape(NS, nch1, CH)
        b = jnp.concatenate(
            [b, jnp.full((NS, nch_max - nch1, CH), pad_val, jnp.int32)], axis=1)
        return jnp.stack([a, b])

    src_p = part(view[0], 0)
    dst_p = part(view[1], n)

    w2p = jnp.concatenate(
        [W2, jnp.zeros((hid, cp - c_out), jnp.float32)], axis=1)
    b1r = b1.reshape(1, hid)
    b2p = jnp.concatenate(
        [b2, jnp.zeros((cp - c_out,), jnp.float32)]).reshape(1, cp)

    degp = _make_sc_deg(n, nacc, nch_max, nch0, nch1)(dst_p)

    r = 1000
    grid = (n // r,)
    fs, dinv = pl.pallas_call(
        _t1_body,
        grid=grid,
        in_specs=[pl.BlockSpec((NC, r, RW), lambda i: (0, i, 0)),
                  pl.BlockSpec((r, f_in), lambda i: (i, 0))],
        out_specs=[pl.BlockSpec((r, f_in), lambda i: (i, 0)),
                   pl.BlockSpec((r, 1), lambda i: (i, 0))],
        out_shape=[jax.ShapeDtypeStruct((n, f_in), jnp.float32),
                   jax.ShapeDtypeStruct((n, 1), jnp.float32)],
    )(degp, feat)

    aggp = _make_sc_agg(n, f_in, nacc, nch_max, nch0, nch1)(fs, src_p, dst_p)

    hw2s = pl.pallas_call(
        _t2_body,
        grid=grid,
        in_specs=[pl.BlockSpec((NC, r, f_in), lambda i: (0, i, 0)),
                  pl.BlockSpec((r, f_in), lambda i: (i, 0)),
                  pl.BlockSpec((r, 1), lambda i: (i, 0)),
                  pl.BlockSpec((f_in, hid), lambda i: (0, 0)),
                  pl.BlockSpec((1, hid), lambda i: (0, 0)),
                  pl.BlockSpec((hid, cp), lambda i: (0, 0))],
        out_specs=pl.BlockSpec((r, cp), lambda i: (i, 0)),
        out_shape=jax.ShapeDtypeStruct((n, cp), jnp.float32),
    )(aggp, fs, dinv, W1, b1r, w2p)

    agg2p = _make_sc_agg(n, cp, nacc, nch_max, nch0, nch1)(hw2s, src_p, dst_p)

    prob = pl.pallas_call(
        _t3_body,
        grid=grid,
        in_specs=[pl.BlockSpec((NC, r, cp), lambda i: (0, i, 0)),
                  pl.BlockSpec((r, cp), lambda i: (i, 0)),
                  pl.BlockSpec((r, 1), lambda i: (i, 0)),
                  pl.BlockSpec((1, cp), lambda i: (0, 0))],
        out_specs=pl.BlockSpec((r, c_out), lambda i: (i, 0)),
        out_shape=jax.ShapeDtypeStruct((n, c_out), jnp.float32),
    )(agg2p, hw2s, dinv, b2p)

    return prob

# --- scband reference (transcript-rebuilt; emitter-appended) ---
"""Pipeline reference for scband-classification-1778116461035 (READ-ONLY COPY).

The authoritative reference and input builder live on the scoring server;
editing this copy changes nothing except your own understanding.
"""

import jax, jax.numpy as jnp
import numpy as np

N = 10000
E = 320000
F_IN = 128
HID = 256
C = 40


def _glorot(key, fan_in, fan_out):
    limit = float(np.sqrt(6.0 / (fan_in + fan_out)))
    return jax.random.uniform(key, (fan_in, fan_out), jnp.float32, -limit, limit)


def setup_inputs(seed: int = 0) -> dict:
    key = jax.random.key(seed)
    k1, k2, k3, k4 = jax.random.split(key, 4)
    feat = jax.random.normal(k1, (N, F_IN), jnp.float32)
    view = jax.random.randint(k2, (2, E), 0, N, jnp.int32)
    W1 = _glorot(k3, F_IN, HID)
    b1 = jnp.zeros((HID,), jnp.float32)
    W2 = _glorot(k4, HID, C)
    b2 = jnp.zeros((C,), jnp.float32)
    return {"feat": feat, "view": view, "W1": W1, "b1": b1, "W2": W2, "b2": b2}


def _gcn_layer(x, edge_index, W, b):
    # GCNConv-style: linear transform, then symmetric-normalized aggregation with self-loops
    h = x @ W
    src = edge_index[0]
    dst = edge_index[1]
    loop = jnp.arange(N, dtype=src.dtype)
    src2 = jnp.concatenate([src, loop])
    dst2 = jnp.concatenate([dst, loop])
    deg = jnp.zeros((N,), jnp.float32).at[dst2].add(1.0)
    dinv = jax.lax.rsqrt(jnp.maximum(deg, 1.0))
    norm = (dinv[src2] * dinv[dst2])[:, None]
    msg = h[src2] * norm
    agg = jnp.zeros((N, h.shape[1]), jnp.float32).at[dst2].add(msg)
    return agg + b


def reference(feat, view, W1, b1, W2, b2):
    # flag == 'v1' branch; dropout omitted (eval mode)
    h = jax.nn.relu(_gcn_layer(feat, view, W1, b1))
    logits = _gcn_layer(h, view, W2, b2)
    prob = jax.nn.softmax(logits, axis=1)
    return prob

if __name__ == "__main__":
    import jax
    _d = setup_inputs()
    print(jax.jit(kernel)(*tuple(_d.values())))

</pallas_src>

<mosaic_0001>
#map = affine_map<(d0, d1) -> (0, 0, 0, 0)>
#map1 = affine_map<(d0, d1) -> (0, 0, 0)>
module attributes {stable_mosaic.version = 14 : i64} {
  func.func @k(%arg0: i32, %arg1: i32, %arg2: memref<2x16x101x128xi32, #tpu.memory_space<hbm>>, %arg3: memref<2x10000x128xf32, #tpu.memory_space<hbm>>, %arg4: memref<101x128xi32, #tpu.memory_space<vmem>>, %arg5: memref<128x128xf32, #tpu.memory_space<vmem>>, %arg6: memref<10240x128xf32, #tpu.memory_space<vmem_shared>>) attributes {dimension_semantics = [#tpu.dimension_semantics<core_parallel>, #tpu.dimension_semantics<subcore_parallel>], iteration_bounds = array<i64: 2, 16>, scalar_prefetch = 0 : i64, scratch_operands = 3 : i64, tpu.core_type = #tpu.core_type<sc_vector_subcore>, window_params = [{transform_indices = #map}, {transform_indices = #map1}]} {
    %eq3A = arith.constant 0 : i32
    %eq3A_0 = arith.cmpi eq, %arg0, %eq3A : i32
    %jit3A = arith.constant 56 : i32
    %jit3A_1 = arith.constant 101 : i32
    %select_n3A = arith.select %eq3A_0, %jit3A, %jit3A_1 : i32
    %broadcast_in_dim3A = arith.constant 0.000000e+00 : f32
    %broadcast_in_dim3A_2 = vector.broadcast %broadcast_in_dim3A : f32 to vector<16xf32>
    %scan3A = arith.constant 0 : i32
    %scan3A_3 = arith.constant 0 : i32
    %scan3A_4 = arith.constant 128 : i32
    %scan3A_5 = arith.addi %scan3A_3, %scan3A_4 : i32
    %scan3A_6 = arith.constant 1 : i32
    scf.for %scan3A_51 = %scan3A_3 to %scan3A_5 step %scan3A_6  : i32 {
      %swap3A = arith.index_cast %scan3A_51 : i32 to index
      %swap3A_52 = arith.constant 0 : index
      %swap3A_53 = tpu.vector_load %arg5[%swap3A, %swap3A_52] {strides = array<i32>} : memref<128x128xf32, #tpu.memory_space<vmem>>, vector<1x16xf32>,
      %swap3A_54 = vector.shape_cast %swap3A_53 : vector<1x16xf32> to vector<16xf32>
      %swap3A_55 = vector.shape_cast %broadcast_in_dim3A_2 : vector<16xf32> to vector<1x16xf32>
      tpu.vector_store %arg5[%swap3A, %swap3A_52], %swap3A_55 {strides = array<i32>} : memref<128x128xf32, #tpu.memory_space<vmem>>, vector<1x16xf32>,
      %swap3A_56 = arith.index_cast %scan3A_51 : i32 to index
      %swap3A_57 = arith.constant 16 : index
      %swap3A_58 = tpu.vector_load %arg5[%swap3A_56, %swap3A_57] {strides = array<i32>} : memref<128x128xf32, #tpu.memory_space<vmem>>, vector<1x16xf32>,
      %swap3A_59 = vector.shape_cast %swap3A_58 : vector<1x16xf32> to vector<16xf32>
      %swap3A_60 = vector.shape_cast %broadcast_in_dim3A_2 : vector<16xf32> to vector<1x16xf32>
      tpu.vector_store %arg5[%swap3A_56, %swap3A_57], %swap3A_60 {strides = array<i32>} : memref<128x128xf32, #tpu.memory_space<vmem>>, vector<1x16xf32>,
      %swap3A_61 = arith.index_cast %scan3A_51 : i32 to index
      %swap3A_62 = arith.constant 32 : index
      %swap3A_63 = tpu.vector_load %arg5[%swap3A_61, %swap3A_62] {strides = array<i32>} : memref<128x128xf32, #tpu.memory_space<vmem>>, vector<1x16xf32>,
      %swap3A_64 = vector.shape_cast %swap3A_63 : vector<1x16xf32> to vector<16xf32>
      %swap3A_65 = vector.shape_cast %broadcast_in_dim3A_2 : vector<16xf32> to vector<1x16xf32>
      tpu.vector_store %arg5[%swap3A_61, %swap3A_62], %swap3A_65 {strides = array<i32>} : memref<128x128xf32, #tpu.memory_space<vmem>>, vector<1x16xf32>,
      %swap3A_66 = arith.index_cast %scan3A_51 : i32 to index
      %swap3A_67 = arith.constant 48 : index
      %swap3A_68 = tpu.vector_load %arg5[%swap3A_66, %swap3A_67] {strides = array<i32>} : memref<128x128xf32, #tpu.memory_space<vmem>>, vector<1x16xf32>,
      %swap3A_69 = vector.shape_cast %swap3A_68 : vector<1x16xf32> to vector<16xf32>
      %swap3A_70 = vector.shape_cast %broadcast_in_dim3A_2 : vector<16xf32> to vector<1x16xf32>
      tpu.vector_store %arg5[%swap3A_66, %swap3A_67], %swap3A_70 {strides = array<i32>} : memref<128x128xf32, #tpu.memory_space<vmem>>, vector<1x16xf32>,
      %swap3A_71 = arith.index_cast %scan3A_51 : i32 to index
      %swap3A_72 = arith.constant 64 : index
      %swap3A_73 = tpu.vector_load %arg5[%swap3A_71, %swap3A_72] {strides = array<i32>} : memref<128x128xf32, #tpu.memory_space<vmem>>, vector<1x16xf32>,
      %swap3A_74 = vector.shape_cast %swap3A_73 : vector<1x16xf32> to vector<16xf32>
      %swap3A_75 = vector.shape_cast %broadcast_in_dim3A_2 : vector<16xf32> to vector<1x16xf32>
      tpu.vector_store %arg5[%swap3A_71, %swap3A_72], %swap3A_75 {strides = array<i32>} : memref<128x128xf32, #tpu.memory_space<vmem>>, vector<1x16xf32>,
      %swap3A_76 = arith.index_cast %scan3A_51 : i32 to index
      %swap3A_77 = arith.constant 80 : index
      %swap3A_78 = tpu.vector_load %arg5[%swap3A_76, %swap3A_77] {strides = array<i32>} : memref<128x128xf32, #tpu.memory_space<vmem>>, vector<1x16xf32>,
      %swap3A_79 = vector.shape_cast %swap3A_78 : vector<1x16xf32> to vector<16xf32>
      %swap3A_80 = vector.shape_cast %broadcast_in_dim3A_2 : vector<16xf32> to vector<1x16xf32>
      tpu.vector_store %arg5[%swap3A_76, %swap3A_77], %swap3A_80 {strides = array<i32>} : memref<128x128xf32, #tpu.memory_space<vmem>>, vector<1x16xf32>,
      %swap3A_81 = arith.index_cast %scan3A_51 : i32 to index
      %swap3A_82 = arith.constant 96 : index
      %swap3A_83 = tpu.vector_load %arg5[%swap3A_81, %swap3A_82] {strides = array<i32>} : memref<128x128xf32, #tpu.memory_space<vmem>>, vector<1x16xf32>,
      %swap3A_84 = vector.shape_cast %swap3A_83 : vector<1x16xf32> to vector<16xf32>
      %swap3A_85 = vector.shape_cast %broadcast_in_dim3A_2 : vector<16xf32> to vector<1x16xf32>
      tpu.vector_store %arg5[%swap3A_81, %swap3A_82], %swap3A_85 {strides = array<i32>} : memref<128x128xf32, #tpu.memory_space<vmem>>, vector<1x16xf32>,
      %swap3A_86 = arith.index_cast %scan3A_51 : i32 to index
      %swap3A_87 = arith.constant 112 : index
      %swap3A_88 = tpu.vector_load %arg5[%swap3A_86, %swap3A_87] {strides = array<i32>} : memref<128x128xf32, #tpu.memory_space<vmem>>, vector<1x16xf32>,
      %swap3A_89 = vector.shape_cast %swap3A_88 : vector<1x16xf32> to vector<16xf32>
      %swap3A_90 = vector.shape_cast %broadcast_in_dim3A_2 : vector<16xf32> to vector<1x16xf32>
      tpu.vector_store %arg5[%swap3A_86, %swap3A_87], %swap3A_90 {strides = array<i32>} : memref<128x128xf32, #tpu.memory_space<vmem>>, vector<1x16xf32>,
    }
    %scan3A_7 = arith.constant 128 : i32
    %mul3A = arith.constant 640 : i32
    %mul3A_8 = arith.muli %arg1, %mul3A : i32
    %add3A = arith.constant 0 : i32
    %add3A_9 = arith.addi %mul3A_8, %add3A : i32
    "tpu.region"() ({
      %run_scoped3A = tpu.sem_alloc : memref<!tpu.dma_semaphore, #tpu.memory_space<semaphore_mem>>
      %dma_start3A = arith.constant 0 : i32
      %dma_start3A_51 = tpu.memref_slice %arg6[%add3A_9, %dma_start3A] : memref<10240x128xf32, #tpu.memory_space<vmem_shared>> -> memref<128x128xf32, #tpu.memory_space<vmem_shared>>
      %dma_start3A_52 = arith.constant 0 : i32
      %dma_start3A_53 = tpu.memref_slice %arg6[%add3A_9, %dma_start3A_52] : memref<10240x128xf32, #tpu.memory_space<vmem_shared>> -> memref<128x128xf32, #tpu.memory_space<vmem_shared>>
      tpu.enqueue_dma source(%arg5 : memref<128x128xf32, #tpu.memory_space<vmem>>) target(%dma_start3A_53 : memref<128x128xf32, #tpu.memory_space<vmem_shared>>) target_semaphore(%run_scoped3A : memref<!tpu.dma_semaphore, #tpu.memory_space<semaphore_mem>>)
      %dma_wait3A = arith.constant 0 : i32
      %dma_wait3A_54 = tpu.memref_slice %arg6[%add3A_9, %dma_wait3A] : memref<10240x128xf32, #tpu.memory_space<vmem_shared>> -> memref<128x128xf32, #tpu.memory_space<vmem_shared>>
      %dma_wait3A_55 = arith.constant 0 : i32
      %dma_wait3A_56 = tpu.memref_slice %arg6[%add3A_9, %dma_wait3A_55] : memref<10240x128xf32, #tpu.memory_space<vmem_shared>> -> memref<128x128xf32, #tpu.memory_space<vmem_shared>>
      tpu.wait_dma2 semaphore(%run_scoped3A : memref<!tpu.dma_semaphore, #tpu.memory_space<semaphore_mem>>) src(%arg5 : memref<128x128xf32, #tpu.memory_space<vmem>>) dst(%dma_wait3A_56 : memref<128x128xf32, #tpu.memory_space<vmem_shared>>)
      tpu.yield
    }) : () -> ()
    %mul3A_10 = arith.constant 640 : i32
    %mul3A_11 = arith.muli %arg1, %mul3A_10 : i32
    %add3A_12 = arith.constant 128 : i32
    %add3A_13 = arith.addi %mul3A_11, %add3A_12 : i32
    "tpu.region"() ({
      %run_scoped3A = tpu.sem_alloc : memref<!tpu.dma_semaphore, #tpu.memory_space<semaphore_mem>>
      %dma_start3A = arith.constant 0 : i32
      %dma_start3A_51 = tpu.memref_slice %arg6[%add3A_13, %dma_start3A] : memref<10240x128xf32, #tpu.memory_space<vmem_shared>> -> memref<128x128xf32, #tpu.memory_space<vmem_shared>>
      %dma_start3A_52 = arith.constant 0 : i32
      %dma_start3A_53 = tpu.memref_slice %arg6[%add3A_13, %dma_start3A_52] : memref<10240x128xf32, #tpu.memory_space<vmem_shared>> -> memref<128x128xf32, #tpu.memory_space<vmem_shared>>
      tpu.enqueue_dma source(%arg5 : memref<128x128xf32, #tpu.memory_space<vmem>>) target(%dma_start3A_53 : memref<128x128xf32, #tpu.memory_space<vmem_shared>>) target_semaphore(%run_scoped3A : memref<!tpu.dma_semaphore, #tpu.memory_space<semaphore_mem>>)
      %dma_wait3A = arith.constant 0 : i32
      %dma_wait3A_54 = tpu.memref_slice %arg6[%add3A_13, %dma_wait3A] : memref<10240x128xf32, #tpu.memory_space<vmem_shared>> -> memref<128x128xf32, #tpu.memory_space<vmem_shared>>
      %dma_wait3A_55 = arith.constant 0 : i32
      %dma_wait3A_56 = tpu.memref_slice %arg6[%add3A_13, %dma_wait3A_55] : memref<10240x128xf32, #tpu.memory_space<vmem_shared>> -> memref<128x128xf32, #tpu.memory_space<vmem_shared>>
      tpu.wait_dma2 semaphore(%run_scoped3A : memref<!tpu.dma_semaphore, #tpu.memory_space<semaphore_mem>>) src(%arg5 : memref<128x128xf32, #tpu.memory_space<vmem>>) dst(%dma_wait3A_56 : memref<128x128xf32, #tpu.memory_space<vmem_shared>>)
      tpu.yield
    }) : () -> ()
    %mul3A_14 = arith.constant 640 : i32
    %mul3A_15 = arith.muli %arg1, %mul3A_14 : i32
    %add3A_16 = arith.constant 256 : i32
    %add3A_17 = arith.addi %mul3A_15, %add3A_16 : i32
    "tpu.region"() ({
      %run_scoped3A = tpu.sem_alloc : memref<!tpu.dma_semaphore, #tpu.memory_space<semaphore_mem>>
      %dma_start3A = arith.constant 0 : i32
      %dma_start3A_51 = tpu.memref_slice %arg6[%add3A_17, %dma_start3A] : memref<10240x128xf32, #tpu.memory_space<vmem_shared>> -> memref<128x128xf32, #tpu.memory_space<vmem_shared>>
      %dma_start3A_52 = arith.constant 0 : i32
      %dma_start3A_53 = tpu.memref_slice %arg6[%add3A_17, %dma_start3A_52] : memref<10240x128xf32, #tpu.memory_space<vmem_shared>> -> memref<128x128xf32, #tpu.memory_space<vmem_shared>>
      tpu.enqueue_dma source(%arg5 : memref<128x128xf32, #tpu.memory_space<vmem>>) target(%dma_start3A_53 : memref<128x128xf32, #tpu.memory_space<vmem_shared>>) target_semaphore(%run_scoped3A : memref<!tpu.dma_semaphore, #tpu.memory_space<semaphore_mem>>)
      %dma_wait3A = arith.constant 0 : i32
      %dma_wait3A_54 = tpu.memref_slice %arg6[%add3A_17, %dma_wait3A] : memref<10240x128xf32, #tpu.memory_space<vmem_shared>> -> memref<128x128xf32, #tpu.memory_space<vmem_shared>>
      %dma_wait3A_55 = arith.constant 0 : i32
      %dma_wait3A_56 = tpu.memref_slice %arg6[%add3A_17, %dma_wait3A_55] : memref<10240x128xf32, #tpu.memory_space<vmem_shared>> -> memref<128x128xf32, #tpu.memory_space<vmem_shared>>
      tpu.wait_dma2 semaphore(%run_scoped3A : memref<!tpu.dma_semaphore, #tpu.memory_space<semaphore_mem>>) src(%arg5 : memref<128x128xf32, #tpu.memory_space<vmem>>) dst(%dma_wait3A_56 : memref<128x128xf32, #tpu.memory_space<vmem_shared>>)
      tpu.yield
    }) : () -> ()
    %mul3A_18 = arith.constant 640 : i32
    %mul3A_19 = arith.muli %arg1, %mul3A_18 : i32
    %add3A_20 = arith.constant 384 : i32
    %add3A_21 = arith.addi %mul3A_19, %add3A_20 : i32
    "tpu.region"() ({
      %run_scoped3A = tpu.sem_alloc : memref<!tpu.dma_semaphore, #tpu.memory_space<semaphore_mem>>
      %dma_start3A = arith.constant 0 : i32
      %dma_start3A_51 = tpu.memref_slice %arg6[%add3A_21, %dma_start3A] : memref<10240x128xf32, #tpu.memory_space<vmem_shared>> -> memref<128x128xf32, #tpu.memory_space<vmem_shared>>
      %dma_start3A_52 = arith.constant 0 : i32
      %dma_start3A_53 = tpu.memref_slice %arg6[%add3A_21, %dma_start3A_52] : memref<10240x128xf32, #tpu.memory_space<vmem_shared>> -> memref<128x128xf32, #tpu.memory_space<vmem_shared>>
      tpu.enqueue_dma source(%arg5 : memref<128x128xf32, #tpu.memory_space<vmem>>) target(%dma_start3A_53 : memref<128x128xf32, #tpu.memory_space<vmem_shared>>) target_semaphore(%run_scoped3A : memref<!tpu.dma_semaphore, #tpu.memory_space<semaphore_mem>>)
      %dma_wait3A = arith.constant 0 : i32
      %dma_wait3A_54 = tpu.memref_slice %arg6[%add3A_21, %dma_wait3A] : memref<10240x128xf32, #tpu.memory_space<vmem_shared>> -> memref<128x128xf32, #tpu.memory_space<vmem_shared>>
      %dma_wait3A_55 = arith.constant 0 : i32
      %dma_wait3A_56 = tpu.memref_slice %arg6[%add3A_21, %dma_wait3A_55] : memref<10240x128xf32, #tpu.memory_space<vmem_shared>> -> memref<128x128xf32, #tpu.memory_space<vmem_shared>>
      tpu.wait_dma2 semaphore(%run_scoped3A : memref<!tpu.dma_semaphore, #tpu.memory_space<semaphore_mem>>) src(%arg5 : memref<128x128xf32, #tpu.memory_space<vmem>>) dst(%dma_wait3A_56 : memref<128x128xf32, #tpu.memory_space<vmem_shared>>)
      tpu.yield
    }) : () -> ()
    %mul3A_22 = arith.constant 640 : i32
    %mul3A_23 = arith.muli %arg1, %mul3A_22 : i32
    %add3A_24 = arith.constant 512 : i32
    %add3A_25 = arith.addi %mul3A_23, %add3A_24 : i32
    "tpu.region"() ({
      %run_scoped3A = tpu.sem_alloc : memref<!tpu.dma_semaphore, #tpu.memory_space<semaphore_mem>>
      %dma_start3A = arith.constant 0 : i32
      %dma_start3A_51 = tpu.memref_slice %arg6[%add3A_25, %dma_start3A] : memref<10240x128xf32, #tpu.memory_space<vmem_shared>> -> memref<128x128xf32, #tpu.memory_space<vmem_shared>>
      %dma_start3A_52 = arith.constant 0 : i32
      %dma_start3A_53 = tpu.memref_slice %arg6[%add3A_25, %dma_start3A_52] : memref<10240x128xf32, #tpu.memory_space<vmem_shared>> -> memref<128x128xf32, #tpu.memory_space<vmem_shared>>
      tpu.enqueue_dma source(%arg5 : memref<128x128xf32, #tpu.memory_space<vmem>>) target(%dma_start3A_53 : memref<128x128xf32, #tpu.memory_space<vmem_shared>>) target_semaphore(%run_scoped3A : memref<!tpu.dma_semaphore, #tpu.memory_space<semaphore_mem>>)
      %dma_wait3A = arith.constant 0 : i32
      %dma_wait3A_54 = tpu.memref_slice %arg6[%add3A_25, %dma_wait3A] : memref<10240x128xf32, #tpu.memory_space<vmem_shared>> -> memref<128x128xf32, #tpu.memory_space<vmem_shared>>
      %dma_wait3A_55 = arith.constant 0 : i32
      %dma_wait3A_56 = tpu.memref_slice %arg6[%add3A_25, %dma_wait3A_55] : memref<10240x128xf32, #tpu.memory_space<vmem_shared>> -> memref<128x128xf32, #tpu.memory_space<vmem_shared>>
      tpu.wait_dma2 semaphore(%run_scoped3A : memref<!tpu.dma_semaphore, #tpu.memory_space<semaphore_mem>>) src(%arg5 : memref<128x128xf32, #tpu.memory_space<vmem>>) dst(%dma_wait3A_56 : memref<128x128xf32, #tpu.memory_space<vmem_shared>>)
      tpu.yield
    }) : () -> ()
    %barrier3A = arith.constant 0 : index
    tpu.barrier barrier_id(%barrier3A)
    %broadcast_in_dim3A_26 = arith.constant 1.000000e+00 : f32
    %broadcast_in_dim3A_27 = vector.broadcast %broadcast_in_dim3A_26 : f32 to vector<16xf32>
    %scan3A_28 = arith.constant 0 : i32
    %scan3A_29 = arith.constant 0 : i32
    %scan3A_30 = arith.constant 128 : i32
    %scan3A_31 = arith.addi %scan3A_29, %scan3A_30 : i32
    %scan3A_32 = arith.constant 1 : i32
    scf.for %scan3A_51 = %scan3A_29 to %scan3A_31 step %scan3A_32  : i32 {
      %swap3A = arith.index_cast %scan3A_51 : i32 to index
      %swap3A_52 = arith.constant 0 : index
      %swap3A_53 = tpu.vector_load %arg5[%swap3A, %swap3A_52] {strides = array<i32>} : memref<128x128xf32, #tpu.memory_space<vmem>>, vector<1x16xf32>,
      %swap3A_54 = vector.shape_cast %swap3A_53 : vector<1x16xf32> to vector<16xf32>
      %swap3A_55 = vector.shape_cast %broadcast_in_dim3A_27 : vector<16xf32> to vector<1x16xf32>
      tpu.vector_store %arg5[%swap3A, %swap3A_52], %swap3A_55 {strides = array<i32>} : memref<128x128xf32, #tpu.memory_space<vmem>>, vector<1x16xf32>,
    }
    %scan3A_33 = arith.constant 128 : i32
    "tpu.region"() ({
      %run_scoped3A = tpu.sem_alloc : memref<!tpu.dma_semaphore, #tpu.memory_space<semaphore_mem>>
      %dma_start3A = arith.constant 0 : i32
      %dma_start3A_51 = arith.constant 0 : i32
      %dma_start3A_52 = tpu.memref_slice %arg2[%arg0, %arg1, %dma_start3A, %dma_start3A_51] : memref<2x16x101x128xi32, #tpu.memory_space<hbm>> -> memref<1x1x101x128xi32, #tpu.memory_space<hbm>>
      %dma_start3A_53 = tpu.memref_squeeze %dma_start3A_52 : memref<1x1x101x128xi32, #tpu.memory_space<hbm>> -> memref<101x128xi32, #tpu.memory_space<hbm>>
      %dma_start3A_54 = arith.constant 0 : i32
      %dma_start3A_55 = arith.constant 0 : i32
      %dma_start3A_56 = tpu.memref_slice %arg2[%arg0, %arg1, %dma_start3A_54, %dma_start3A_55] : memref<2x16x101x128xi32, #tpu.memory_space<hbm>> -> memref<1x1x101x128xi32, #tpu.memory_space<hbm>>
      %dma_start3A_57 = tpu.memref_squeeze %dma_start3A_56 : memref<1x1x101x128xi32, #tpu.memory_space<hbm>> -> memref<101x128xi32, #tpu.memory_space<hbm>>
      tpu.enqueue_dma source(%dma_start3A_57 : memref<101x128xi32, #tpu.memory_space<hbm>>) target(%arg4 : memref<101x128xi32, #tpu.memory_space<vmem>>) target_semaphore(%run_scoped3A : memref<!tpu.dma_semaphore, #tpu.memory_space<semaphore_mem>>)
      %dma_wait3A = arith.constant 0 : i32
      %dma_wait3A_58 = arith.constant 0 : i32
      %dma_wait3A_59 = tpu.memref_slice %arg2[%arg0, %arg1, %dma_wait3A, %dma_wait3A_58] : memref<2x16x101x128xi32, #tpu.memory_space<hbm>> -> memref<1x1x101x128xi32, #tpu.memory_space<hbm>>
      %dma_wait3A_60 = tpu.memref_squeeze %dma_wait3A_59 : memref<1x1x101x128xi32, #tpu.memory_space<hbm>> -> memref<101x128xi32, #tpu.memory_space<hbm>>
      %dma_wait3A_61 = arith.constant 0 : i32
      %dma_wait3A_62 = arith.constant 0 : i32
      %dma_wait3A_63 = tpu.memref_slice %arg2[%arg0, %arg1, %dma_wait3A_61, %dma_wait3A_62] : memref<2x16x101x128xi32, #tpu.memory_space<hbm>> -> memref<1x1x101x128xi32, #tpu.memory_space<hbm>>
      %dma_wait3A_64 = tpu.memref_squeeze %dma_wait3A_63 : memref<1x1x101x128xi32, #tpu.memory_space<hbm>> -> memref<101x128xi32, #tpu.memory_space<hbm>>
      tpu.wait_dma2 semaphore(%run_scoped3A : memref<!tpu.dma_semaphore, #tpu.memory_space<semaphore_mem>>) src(%dma_wait3A_64 : memref<101x128xi32, #tpu.memory_space<hbm>>) dst(%arg4 : memref<101x128xi32, #tpu.memory_space<vmem>>)
      tpu.yield
    }) : () -> ()
    %while3A = arith.constant 0 : i32
    %while3A_34 = arith.constant 0 : i32
    %while3A_35 = arith.subi %select_n3A, %while3A_34 : i32
    %while3A_36 = arith.addi %while3A_34, %while3A_35 : i32
    %while3A_37 = arith.constant 1 : i32
    %while3A_38 = arith.divsi %while3A_35, %while3A_37 : i32
    %while3A_39 = arith.muli %while3A_38, %while3A_37 : i32
    %while3A_40 = arith.addi %while3A_34, %while3A_39 : i32
    %while3A_41 = arith.constant 1 : i32
    scf.for %while3A_51 = %while3A_34 to %while3A_40 step %while3A_41  : i32 {
      "tpu.region"() ({
        %run_scoped3A = tpu.sem_alloc : memref<!tpu.dma_semaphore, #tpu.memory_space<semaphore_mem>>
        %dma_start3A = arith.constant 0 : i32
        %dma_start3A_52 = tpu.memref_slice %arg4[%while3A_51, %dma_start3A] : memref<101x128xi32, #tpu.memory_space<vmem>> -> memref<1x128xi32, #tpu.memory_space<vmem>>
        %dma_start3A_53 = tpu.memref_squeeze %dma_start3A_52 : memref<1x128xi32, #tpu.memory_space<vmem>> -> memref<128xi32, #tpu.memory_space<vmem>>
        %dma_start3A_54 = arith.constant 0 : i32
        %dma_start3A_55 = arith.constant 0 : i32
        %dma_start3A_56 = tpu.memref_slice %arg6[%dma_start3A_54, %dma_start3A_55] : memref<10240x128xf32, #tpu.memory_space<vmem_shared>> -> memref<10240x128xf32, #tpu.memory_space<vmem_shared>>
        tpu.enqueue_indirect_dma source(%arg5 : memref<128x128xf32, #tpu.memory_space<vmem>>) target(%dma_start3A_56 : memref<10240x128xf32, #tpu.memory_space<vmem_shared>>) offsets(%dma_start3A_53 : memref<128xi32, #tpu.memory_space<vmem>>) semaphore(%run_scoped3A : memref<!tpu.dma_semaphore, #tpu.memory_space<semaphore_mem>>) {add = true}
        %dma_wait3A = arith.constant 0 : i32
        %dma_wait3A_57 = tpu.memref_slice %arg4[%while3A_51, %dma_wait3A] : memref<101x128xi32, #tpu.memory_space<vmem>> -> memref<1x128xi32, #tpu.memory_space<vmem>>
        %dma_wait3A_58 = tpu.memref_squeeze %dma_wait3A_57 : memref<1x128xi32, #tpu.memory_space<vmem>> -> memref<128xi32, #tpu.memory_space<vmem>>
        %dma_wait3A_59 = arith.constant 0 : i32
        %dma_wait3A_60 = arith.constant 0 : i32
        %dma_wait3A_61 = tpu.memref_slice %arg6[%dma_wait3A_59, %dma_wait3A_60] : memref<10240x128xf32, #tpu.memory_space<vmem_shared>> -> memref<10240x128xf32, #tpu.memory_space<vmem_shared>>
        tpu.wait_indirect_dma semaphore(%run_scoped3A : memref<!tpu.dma_semaphore, #tpu.memory_space<semaphore_mem>>) src(%arg5 : memref<128x128xf32, #tpu.memory_space<vmem>>) dst(%dma_wait3A_61 : memref<10240x128xf32, #tpu.memory_space<vmem_shared>>)
        tpu.yield
      }) : () -> ()
    }
    %while3A_42 = arith.constant 1 : i32
    scf.for %while3A_51 = %while3A_40 to %while3A_36 step %while3A_42  : i32 {
      "tpu.region"() ({
        %run_scoped3A = tpu.sem_alloc : memref<!tpu.dma_semaphore, #tpu.memory_space<semaphore_mem>>
        %dma_start3A = arith.constant 0 : i32
        %dma_start3A_52 = tpu.memref_slice %arg4[%while3A_51, %dma_start3A] : memref<101x128xi32, #tpu.memory_space<vmem>> -> memref<1x128xi32, #tpu.memory_space<vmem>>
        %dma_start3A_53 = tpu.memref_squeeze %dma_start3A_52 : memref<1x128xi32, #tpu.memory_space<vmem>> -> memref<128xi32, #tpu.memory_space<vmem>>
        %dma_start3A_54 = arith.constant 0 : i32
        %dma_start3A_55 = arith.constant 0 : i32
        %dma_start3A_56 = tpu.memref_slice %arg6[%dma_start3A_54, %dma_start3A_55] : memref<10240x128xf32, #tpu.memory_space<vmem_shared>> -> memref<10240x128xf32, #tpu.memory_space<vmem_shared>>
        tpu.enqueue_indirect_dma source(%arg5 : memref<128x128xf32, #tpu.memory_space<vmem>>) target(%dma_start3A_56 : memref<10240x128xf32, #tpu.memory_space<vmem_shared>>) offsets(%dma_start3A_53 : memref<128xi32, #tpu.memory_space<vmem>>) semaphore(%run_scoped3A : memref<!tpu.dma_semaphore, #tpu.memory_space<semaphore_mem>>) {add = true}
        %dma_wait3A = arith.constant 0 : i32
        %dma_wait3A_57 = tpu.memref_slice %arg4[%while3A_51, %dma_wait3A] : memref<101x128xi32, #tpu.memory_space<vmem>> -> memref<1x128xi32, #tpu.memory_space<vmem>>
        %dma_wait3A_58 = tpu.memref_squeeze %dma_wait3A_57 : memref<1x128xi32, #tpu.memory_space<vmem>> -> memref<128xi32, #tpu.memory_space<vmem>>
        %dma_wait3A_59 = arith.constant 0 : i32
        %dma_wait3A_60 = arith.constant 0 : i32
        %dma_wait3A_61 = tpu.memref_slice %arg6[%dma_wait3A_59, %dma_wait3A_60] : memref<10240x128xf32, #tpu.memory_space<vmem_shared>> -> memref<10240x128xf32, #tpu.memory_space<vmem_shared>>
        tpu.wait_indirect_dma semaphore(%run_scoped3A : memref<!tpu.dma_semaphore, #tpu.memory_space<semaphore_mem>>) src(%arg5 : memref<128x128xf32, #tpu.memory_space<vmem>>) dst(%dma_wait3A_61 : memref<10240x128xf32, #tpu.memory_space<vmem_shared>>)
        tpu.yield
      }) : () -> ()
    }
    %barrier3A_43 = arith.constant 0 : index
    tpu.barrier barrier_id(%barrier3A_43)
    %lt3A = arith.constant 15 : i32
    %lt3A_44 = arith.cmpi slt, %arg1, %lt3A : i32
    %convert_element_type3A = arith.extui %lt3A_44 : i1 to i32
    %cond3A = arith.constant 0 : i32
    %cond3A_45 = arith.cmpi ne, %convert_element_type3A, %cond3A : i32
    scf.if %cond3A_45 {
      %mul3A_51 = arith.constant 640 : i32
      %mul3A_52 = arith.muli %arg1, %mul3A_51 : i32
      %mul3A_53 = arith.constant 640 : i32
      %mul3A_54 = arith.muli %arg1, %mul3A_53 : i32
      "tpu.region"() ({
        %run_scoped3A = tpu.sem_alloc : memref<!tpu.dma_semaphore, #tpu.memory_space<semaphore_mem>>
        %dma_start3A = arith.constant 0 : i32
        %dma_start3A_55 = tpu.memref_slice %arg3[%arg0, %mul3A_54, %dma_start3A] : memref<2x10000x128xf32, #tpu.memory_space<hbm>> -> memref<1x640x128xf32, #tpu.memory_space<hbm>>
        %dma_start3A_56 = tpu.memref_squeeze %dma_start3A_55 : memref<1x640x128xf32, #tpu.memory_space<hbm>> -> memref<640x128xf32, #tpu.memory_space<hbm>>
        %dma_start3A_57 = arith.constant 0 : i32
        %dma_start3A_58 = tpu.memref_slice %arg6[%mul3A_52, %dma_start3A_57] : memref<10240x128xf32, #tpu.memory_space<vmem_shared>> -> memref<640x128xf32, #tpu.memory_space<vmem_shared>>
        tpu.enqueue_dma source(%dma_start3A_58 : memref<640x128xf32, #tpu.memory_space<vmem_shared>>) target(%dma_start3A_56 : memref<640x128xf32, #tpu.memory_space<hbm>>) target_semaphore(%run_scoped3A : memref<!tpu.dma_semaphore, #tpu.memory_space<semaphore_mem>>)
        %dma_wait3A = arith.constant 0 : i32
        %dma_wait3A_59 = tpu.memref_slice %arg3[%arg0, %mul3A_54, %dma_wait3A] : memref<2x10000x128xf32, #tpu.memory_space<hbm>> -> memref<1x640x128xf32, #tpu.memory_space<hbm>>
        %dma_wait3A_60 = tpu.memref_squeeze %dma_wait3A_59 : memref<1x640x128xf32, #tpu.memory_space<hbm>> -> memref<640x128xf32, #tpu.memory_space<hbm>>
        %dma_wait3A_61 = arith.constant 0 : i32
        %dma_wait3A_62 = tpu.memref_slice %arg6[%mul3A_52, %dma_wait3A_61] : memref<10240x128xf32, #tpu.memory_space<vmem_shared>> -> memref<640x128xf32, #tpu.memory_space<vmem_shared>>
        tpu.wait_dma2 semaphore(%run_scoped3A : memref<!tpu.dma_semaphore, #tpu.memory_space<semaphore_mem>>) src(%dma_wait3A_62 : memref<640x128xf32, #tpu.memory_space<vmem_shared>>) dst(%dma_wait3A_60 : memref<640x128xf32, #tpu.memory_space<hbm>>)
        tpu.yield
      }) : () -> ()
    } else {
    }
    %eq3A_46 = arith.constant 15 : i32
    %eq3A_47 = arith.cmpi eq, %arg1, %eq3A_46 : i32
    %convert_element_type3A_48 = arith.extui %eq3A_47 : i1 to i32
    %cond3A_49 = arith.constant 0 : i32
    %cond3A_50 = arith.cmpi ne, %convert_element_type3A_48, %cond3A_49 : i32
    scf.if %cond3A_50 {
      "tpu.region"() ({
        %run_scoped3A = tpu.sem_alloc : memref<!tpu.dma_semaphore, #tpu.memory_space<semaphore_mem>>
        %dma_start3A = arith.constant 9600 : i32
        %dma_start3A_51 = arith.constant 0 : i32
        %dma_start3A_52 = tpu.memref_slice %arg3[%arg0, %dma_start3A, %dma_start3A_51] : memref<2x10000x128xf32, #tpu.memory_space<hbm>> -> memref<1x400x128xf32, #tpu.memory_space<hbm>>
        %dma_start3A_53 = tpu.memref_squeeze %dma_start3A_52 : memref<1x400x128xf32, #tpu.memory_space<hbm>> -> memref<400x128xf32, #tpu.memory_space<hbm>>
        %dma_start3A_54 = arith.constant 9600 : i32
        %dma_start3A_55 = arith.constant 0 : i32
        %dma_start3A_56 = tpu.memref_slice %arg6[%dma_start3A_54, %dma_start3A_55] : memref<10240x128xf32, #tpu.memory_space<vmem_shared>> -> memref<400x128xf32, #tpu.memory_space<vmem_shared>>
        tpu.enqueue_dma source(%dma_start3A_56 : memref<400x128xf32, #tpu.memory_space<vmem_shared>>) target(%dma_start3A_53 : memref<400x128xf32, #tpu.memory_space<hbm>>) target_semaphore(%run_scoped3A : memref<!tpu.dma_semaphore, #tpu.memory_space<semaphore_mem>>)
        %dma_wait3A = arith.constant 9600 : i32
        %dma_wait3A_57 = arith.constant 0 : i32
        %dma_wait3A_58 = tpu.memref_slice %arg3[%arg0, %dma_wait3A, %dma_wait3A_57] : memref<2x10000x128xf32, #tpu.memory_space<hbm>> -> memref<1x400x128xf32, #tpu.memory_space<hbm>>
        %dma_wait3A_59 = tpu.memref_squeeze %dma_wait3A_58 : memref<1x400x128xf32, #tpu.memory_space<hbm>> -> memref<400x128xf32, #tpu.memory_space<hbm>>
        %dma_wait3A_60 = arith.constant 9600 : i32
        %dma_wait3A_61 = arith.constant 0 : i32
        %dma_wait3A_62 = tpu.memref_slice %arg6[%dma_wait3A_60, %dma_wait3A_61] : memref<10240x128xf32, #tpu.memory_space<vmem_shared>> -> memref<400x128xf32, #tpu.memory_space<vmem_shared>>
        tpu.wait_dma2 semaphore(%run_scoped3A : memref<!tpu.dma_semaphore, #tpu.memory_space<semaphore_mem>>) src(%dma_wait3A_62 : memref<400x128xf32, #tpu.memory_space<vmem_shared>>) dst(%dma_wait3A_59 : memref<400x128xf32, #tpu.memory_space<hbm>>)
        tpu.yield
      }) : () -> ()
    } else {
    }
    return
  }
}

#map = affine_map<(d0, d1) -> (0, 0)>
#map1 = affine_map<(d0, d1) -> (0, 0, 0, 0)>
#map2 = affine_map<(d0, d1) -> (0, 0, 0)>
module attributes {stable_mosaic.version = 14 : i64} {
  func.func @k(%arg0: i32, %arg1: i32, %arg2: memref<10000x128xf32, #tpu.memory_space<hbm>>, %arg3: memref<2x16x101x128xi32, #tpu.memory_space<hbm>>, %arg4: memref<2x16x101x128xi32, #tpu.memory_space<hbm>>, %arg5: memref<2x10000x128xf32, #tpu.memory_space<hbm>>, %arg6: memref<101x128xi32, #tpu.memory_space<vmem>>, %arg7: memref<101x128xi32, #tpu.memory_space<vmem>>, %arg8: memref<128x128xf32, #tpu.memory_space<vmem>>, %arg9: memref<10240x128xf32, #tpu.memory_space<vmem_shared>>, %arg10: memref<!tpu.dma_semaphore, #tpu.memory_space<semaphore_mem>>, %arg11: memref<!tpu.dma_semaphore, #tpu.memory_space<semaphore_mem>>, %arg12: memref<!tpu.dma_semaphore, #tpu.memory_space<semaphore_mem>>, %arg13: memref<!tpu.dma_semaphore, #tpu.memory_space<semaphore_mem>>) attributes {dimension_semantics = [#tpu.dimension_semantics<core_parallel>, #tpu.dimension_semantics<subcore_parallel>], iteration_bounds = array<i64: 2, 16>, scalar_prefetch = 0 : i64, scratch_operands = 8 : i64, tpu.core_type = #tpu.core_type<sc_vector_subcore>, window_params = [{transform_indices = #map}, {transform_indices = #map1}, {transform_indices = #map1}, {transform_indices = #map2}]} {
    %eq3A = arith.constant 0 : i32
    %eq3A_0 = arith.cmpi eq, %arg0, %eq3A : i32
    %jit3A = arith.constant 56 : i32
    %jit3A_1 = arith.constant 101 : i32
    %select_n3A = arith.select %eq3A_0, %jit3A, %jit3A_1 : i32
    %broadcast_in_dim3A = arith.constant 0.000000e+00 : f32
    %broadcast_in_dim3A_2 = vector.broadcast %broadcast_in_dim3A : f32 to vector<16xf32>
    %scan3A = arith.constant 0 : i32
    %scan3A_3 = arith.constant 0 : i32
    %scan3A_4 = arith.constant 128 : i32
    %scan3A_5 = arith.addi %scan3A_3, %scan3A_4 : i32
    %scan3A_6 = arith.constant 1 : i32
    scf.for %scan3A_43 = %scan3A_3 to %scan3A_5 step %scan3A_6  : i32 {
      %swap3A = arith.index_cast %scan3A_43 : i32 to index
      %swap3A_44 = arith.constant 0 : index
      %swap3A_45 = tpu.vector_load %arg8[%swap3A, %swap3A_44] {strides = array<i32>} : memref<128x128xf32, #tpu.memory_space<vmem>>, vector<1x16xf32>,
      %swap3A_46 = vector.shape_cast %swap3A_45 : vector<1x16xf32> to vector<16xf32>
      %swap3A_47 = vector.shape_cast %broadcast_in_dim3A_2 : vector<16xf32> to vector<1x16xf32>
      tpu.vector_store %arg8[%swap3A, %swap3A_44], %swap3A_47 {strides = array<i32>} : memref<128x128xf32, #tpu.memory_space<vmem>>, vector<1x16xf32>,
      %swap3A_48 = arith.index_cast %scan3A_43 : i32 to index
      %swap3A_49 = arith.constant 16 : index
      %swap3A_50 = tpu.vector_load %arg8[%swap3A_48, %swap3A_49] {strides = array<i32>} : memref<128x128xf32, #tpu.memory_space<vmem>>, vector<1x16xf32>,
      %swap3A_51 = vector.shape_cast %swap3A_50 : vector<1x16xf32> to vector<16xf32>
      %swap3A_52 = vector.shape_cast %broadcast_in_dim3A_2 : vector<16xf32> to vector<1x16xf32>
      tpu.vector_store %arg8[%swap3A_48, %swap3A_49], %swap3A_52 {strides = array<i32>} : memref<128x128xf32, #tpu.memory_space<vmem>>, vector<1x16xf32>,
      %swap3A_53 = arith.index_cast %scan3A_43 : i32 to index
      %swap3A_54 = arith.constant 32 : index
      %swap3A_55 = tpu.vector_load %arg8[%swap3A_53, %swap3A_54] {strides = array<i32>} : memref<128x128xf32, #tpu.memory_space<vmem>>, vector<1x16xf32>,
      %swap3A_56 = vector.shape_cast %swap3A_55 : vector<1x16xf32> to vector<16xf32>
      %swap3A_57 = vector.shape_cast %broadcast_in_dim3A_2 : vector<16xf32> to vector<1x16xf32>
      tpu.vector_store %arg8[%swap3A_53, %swap3A_54], %swap3A_57 {strides = array<i32>} : memref<128x128xf32, #tpu.memory_space<vmem>>, vector<1x16xf32>,
      %swap3A_58 = arith.index_cast %scan3A_43 : i32 to index
      %swap3A_59 = arith.constant 48 : index
      %swap3A_60 = tpu.vector_load %arg8[%swap3A_58, %swap3A_59] {strides = array<i32>} : memref<128x128xf32, #tpu.memory_space<vmem>>, vector<1x16xf32>,
      %swap3A_61 = vector.shape_cast %swap3A_60 : vector<1x16xf32> to vector<16xf32>
      %swap3A_62 = vector.shape_cast %broadcast_in_dim3A_2 : vector<16xf32> to vector<1x16xf32>
      tpu.vector_store %arg8[%swap3A_58, %swap3A_59], %swap3A_62 {strides = array<i32>} : memref<128x128xf32, #tpu.memory_space<vmem>>, vector<1x16xf32>,
      %swap3A_63 = arith.index_cast %scan3A_43 : i32 to index
      %swap3A_64 = arith.constant 64 : index
      %swap3A_65 = tpu.vector_load %arg8[%swap3A_63, %swap3A_64] {strides = array<i32>} : memref<128x128xf32, #tpu.memory_space<vmem>>, vector<1x16xf32>,
      %swap3A_66 = vector.shape_cast %swap3A_65 : vector<1x16xf32> to vector<16xf32>
      %swap3A_67 = vector.shape_cast %broadcast_in_dim3A_2 : vector<16xf32> to vector<1x16xf32>
      tpu.vector_store %arg8[%swap3A_63, %swap3A_64], %swap3A_67 {strides = array<i32>} : memref<128x128xf32, #tpu.memory_space<vmem>>, vector<1x16xf32>,
      %swap3A_68 = arith.index_cast %scan3A_43 : i32 to index
      %swap3A_69 = arith.constant 80 : index
      %swap3A_70 = tpu.vector_load %arg8[%swap3A_68, %swap3A_69] {strides = array<i32>} : memref<128x128xf32, #tpu.memory_space<vmem>>, vector<1x16xf32>,
      %swap3A_71 = vector.shape_cast %swap3A_70 : vector<1x16xf32> to vector<16xf32>
      %swap3A_72 = vector.shape_cast %broadcast_in_dim3A_2 : vector<16xf32> to vector<1x16xf32>
      tpu.vector_store %arg8[%swap3A_68, %swap3A_69], %swap3A_72 {strides = array<i32>} : memref<128x128xf32, #tpu.memory_space<vmem>>, vector<1x16xf32>,
      %swap3A_73 = arith.index_cast %scan3A_43 : i32 to index
      %swap3A_74 = arith.constant 96 : index
      %swap3A_75 = tpu.vector_load %arg8[%swap3A_73, %swap3A_74] {strides = array<i32>} : memref<128x128xf32, #tpu.memory_space<vmem>>, vector<1x16xf32>,
      %swap3A_76 = vector.shape_cast %swap3A_75 : vector<1x16xf32> to vector<16xf32>
      %swap3A_77 = vector.shape_cast %broadcast_in_dim3A_2 : vector<16xf32> to vector<1x16xf32>
      tpu.vector_store %arg8[%swap3A_73, %swap3A_74], %swap3A_77 {strides = array<i32>} : memref<128x128xf32, #tpu.memory_space<vmem>>, vector<1x16xf32>,
      %swap3A_78 = arith.index_cast %scan3A_43 : i32 to index
      %swap3A_79 = arith.constant 112 : index
      %swap3A_80 = tpu.vector_load %arg8[%swap3A_78, %swap3A_79] {strides = array<i32>} : memref<128x128xf32, #tpu.memory_space<vmem>>, vector<1x16xf32>,
      %swap3A_81 = vector.shape_cast %swap3A_80 : vector<1x16xf32> to vector<16xf32>
      %swap3A_82 = vector.shape_cast %broadcast_in_dim3A_2 : vector<16xf32> to vector<1x16xf32>
      tpu.vector_store %arg8[%swap3A_78, %swap3A_79], %swap3A_82 {strides = array<i32>} : memref<128x128xf32, #tpu.memory_space<vmem>>, vector<1x16xf32>,
    }
    %scan3A_7 = arith.constant 128 : i32
    %mul3A = arith.constant 640 : i32
    %mul3A_8 = arith.muli %arg1, %mul3A : i32
    %add3A = arith.constant 0 : i32
    %add3A_9 = arith.addi %mul3A_8, %add3A : i32
    "tpu.region"() ({
      %run_scoped3A = tpu.sem_alloc : memref<!tpu.dma_semaphore, #tpu.memory_space<semaphore_mem>>
      %dma_start3A = arith.constant 0 : i32
      %dma_start3A_43 = tpu.memref_slice %arg9[%add3A_9, %dma_start3A] : memref<10240x128xf32, #tpu.memory_space<vmem_shared>> -> memref<128x128xf32, #tpu.memory_space<vmem_shared>>
      %dma_start3A_44 = arith.constant 0 : i32
      %dma_start3A_45 = tpu.memref_slice %arg9[%add3A_9, %dma_start3A_44] : memref<10240x128xf32, #tpu.memory_space<vmem_shared>> -> memref<128x128xf32, #tpu.memory_space<vmem_shared>>
      tpu.enqueue_dma source(%arg8 : memref<128x128xf32, #tpu.memory_space<vmem>>) target(%dma_start3A_45 : memref<128x128xf32, #tpu.memory_space<vmem_shared>>) target_semaphore(%run_scoped3A : memref<!tpu.dma_semaphore, #tpu.memory_space<semaphore_mem>>)
      %dma_wait3A = arith.constant 0 : i32
      %dma_wait3A_46 = tpu.memref_slice %arg9[%add3A_9, %dma_wait3A] : memref<10240x128xf32, #tpu.memory_space<vmem_shared>> -> memref<128x128xf32, #tpu.memory_space<vmem_shared>>
      %dma_wait3A_47 = arith.constant 0 : i32
      %dma_wait3A_48 = tpu.memref_slice %arg9[%add3A_9, %dma_wait3A_47] : memref<10240x128xf32, #tpu.memory_space<vmem_shared>> -> memref<128x128xf32, #tpu.memory_space<vmem_shared>>
      tpu.wait_dma2 semaphore(%run_scoped3A : memref<!tpu.dma_semaphore, #tpu.memory_space<semaphore_mem>>) src(%arg8 : memref<128x128xf32, #tpu.memory_space<vmem>>) dst(%dma_wait3A_48 : memref<128x128xf32, #tpu.memory_space<vmem_shared>>)
      tpu.yield
    }) : () -> ()
    %mul3A_10 = arith.constant 640 : i32
    %mul3A_11 = arith.muli %arg1, %mul3A_10 : i32
    %add3A_12 = arith.constant 128 : i32
    %add3A_13 = arith.addi %mul3A_11, %add3A_12 : i32
    "tpu.region"() ({
      %run_scoped3A = tpu.sem_alloc : memref<!tpu.dma_semaphore, #tpu.memory_space<semaphore_mem>>
      %dma_start3A = arith.constant 0 : i32
      %dma_start3A_43 = tpu.memref_slice %arg9[%add3A_13, %dma_start3A] : memref<10240x128xf32, #tpu.memory_space<vmem_shared>> -> memref<128x128xf32, #tpu.memory_space<vmem_shared>>
      %dma_start3A_44 = arith.constant 0 : i32
      %dma_start3A_45 = tpu.memref_slice %arg9[%add3A_13, %dma_start3A_44] : memref<10240x128xf32, #tpu.memory_space<vmem_shared>> -> memref<128x128xf32, #tpu.memory_space<vmem_shared>>
      tpu.enqueue_dma source(%arg8 : memref<128x128xf32, #tpu.memory_space<vmem>>) target(%dma_start3A_45 : memref<128x128xf32, #tpu.memory_space<vmem_shared>>) target_semaphore(%run_scoped3A : memref<!tpu.dma_semaphore, #tpu.memory_space<semaphore_mem>>)
      %dma_wait3A = arith.constant 0 : i32
      %dma_wait3A_46 = tpu.memref_slice %arg9[%add3A_13, %dma_wait3A] : memref<10240x128xf32, #tpu.memory_space<vmem_shared>> -> memref<128x128xf32, #tpu.memory_space<vmem_shared>>
      %dma_wait3A_47 = arith.constant 0 : i32
      %dma_wait3A_48 = tpu.memref_slice %arg9[%add3A_13, %dma_wait3A_47] : memref<10240x128xf32, #tpu.memory_space<vmem_shared>> -> memref<128x128xf32, #tpu.memory_space<vmem_shared>>
      tpu.wait_dma2 semaphore(%run_scoped3A : memref<!tpu.dma_semaphore, #tpu.memory_space<semaphore_mem>>) src(%arg8 : memref<128x128xf32, #tpu.memory_space<vmem>>) dst(%dma_wait3A_48 : memref<128x128xf32, #tpu.memory_space<vmem_shared>>)
      tpu.yield
    }) : () -> ()
    %mul3A_14 = arith.constant 640 : i32
    %mul3A_15 = arith.muli %arg1, %mul3A_14 : i32
    %add3A_16 = arith.constant 256 : i32
    %add3A_17 = arith.addi %mul3A_15, %add3A_16 : i32
    "tpu.region"() ({
      %run_scoped3A = tpu.sem_alloc : memref<!tpu.dma_semaphore, #tpu.memory_space<semaphore_mem>>
      %dma_start3A = arith.constant 0 : i32
      %dma_start3A_43 = tpu.memref_slice %arg9[%add3A_17, %dma_start3A] : memref<10240x128xf32, #tpu.memory_space<vmem_shared>> -> memref<128x128xf32, #tpu.memory_space<vmem_shared>>
      %dma_start3A_44 = arith.constant 0 : i32
      %dma_start3A_45 = tpu.memref_slice %arg9[%add3A_17, %dma_start3A_44] : memref<10240x128xf32, #tpu.memory_space<vmem_shared>> -> memref<128x128xf32, #tpu.memory_space<vmem_shared>>
      tpu.enqueue_dma source(%arg8 : memref<128x128xf32, #tpu.memory_space<vmem>>) target(%dma_start3A_45 : memref<128x128xf32, #tpu.memory_space<vmem_shared>>) target_semaphore(%run_scoped3A : memref<!tpu.dma_semaphore, #tpu.memory_space<semaphore_mem>>)
      %dma_wait3A = arith.constant 0 : i32
      %dma_wait3A_46 = tpu.memref_slice %arg9[%add3A_17, %dma_wait3A] : memref<10240x128xf32, #tpu.memory_space<vmem_shared>> -> memref<128x128xf32, #tpu.memory_space<vmem_shared>>
      %dma_wait3A_47 = arith.constant 0 : i32
      %dma_wait3A_48 = tpu.memref_slice %arg9[%add3A_17, %dma_wait3A_47] : memref<10240x128xf32, #tpu.memory_space<vmem_shared>> -> memref<128x128xf32, #tpu.memory_space<vmem_shared>>
      tpu.wait_dma2 semaphore(%run_scoped3A : memref<!tpu.dma_semaphore, #tpu.memory_space<semaphore_mem>>) src(%arg8 : memref<128x128xf32, #tpu.memory_space<vmem>>) dst(%dma_wait3A_48 : memref<128x128xf32, #tpu.memory_space<vmem_shared>>)
      tpu.yield
    }) : () -> ()
    %mul3A_18 = arith.constant 640 : i32
    %mul3A_19 = arith.muli %arg1, %mul3A_18 : i32
    %add3A_20 = arith.constant 384 : i32
    %add3A_21 = arith.addi %mul3A_19, %add3A_20 : i32
    "tpu.region"() ({
      %run_scoped3A = tpu.sem_alloc : memref<!tpu.dma_semaphore, #tpu.memory_space<semaphore_mem>>
      %dma_start3A = arith.constant 0 : i32
      %dma_start3A_43 = tpu.memref_slice %arg9[%add3A_21, %dma_start3A] : memref<10240x128xf32, #tpu.memory_space<vmem_shared>> -> memref<128x128xf32, #tpu.memory_space<vmem_shared>>
      %dma_start3A_44 = arith.constant 0 : i32
      %dma_start3A_45 = tpu.memref_slice %arg9[%add3A_21, %dma_start3A_44] : memref<10240x128xf32, #tpu.memory_space<vmem_shared>> -> memref<128x128xf32, #tpu.memory_space<vmem_shared>>
      tpu.enqueue_dma source(%arg8 : memref<128x128xf32, #tpu.memory_space<vmem>>) target(%dma_start3A_45 : memref<128x128xf32, #tpu.memory_space<vmem_shared>>) target_semaphore(%run_scoped3A : memref<!tpu.dma_semaphore, #tpu.memory_space<semaphore_mem>>)
      %dma_wait3A = arith.constant 0 : i32
      %dma_wait3A_46 = tpu.memref_slice %arg9[%add3A_21, %dma_wait3A] : memref<10240x128xf32, #tpu.memory_space<vmem_shared>> -> memref<128x128xf32, #tpu.memory_space<vmem_shared>>
      %dma_wait3A_47 = arith.constant 0 : i32
      %dma_wait3A_48 = tpu.memref_slice %arg9[%add3A_21, %dma_wait3A_47] : memref<10240x128xf32, #tpu.memory_space<vmem_shared>> -> memref<128x128xf32, #tpu.memory_space<vmem_shared>>
      tpu.wait_dma2 semaphore(%run_scoped3A : memref<!tpu.dma_semaphore, #tpu.memory_space<semaphore_mem>>) src(%arg8 : memref<128x128xf32, #tpu.memory_space<vmem>>) dst(%dma_wait3A_48 : memref<128x128xf32, #tpu.memory_space<vmem_shared>>)
      tpu.yield
    }) : () -> ()
    %mul3A_22 = arith.constant 640 : i32
    %mul3A_23 = arith.muli %arg1, %mul3A_22 : i32
    %add3A_24 = arith.constant 512 : i32
    %add3A_25 = arith.addi %mul3A_23, %add3A_24 : i32
    "tpu.region"() ({
      %run_scoped3A = tpu.sem_alloc : memref<!tpu.dma_semaphore, #tpu.memory_space<semaphore_mem>>
      %dma_start3A = arith.constant 0 : i32
      %dma_start3A_43 = tpu.memref_slice %arg9[%add3A_25, %dma_start3A] : memref<10240x128xf32, #tpu.memory_space<vmem_shared>> -> memref<128x128xf32, #tpu.memory_space<vmem_shared>>
      %dma_start3A_44 = arith.constant 0 : i32
      %dma_start3A_45 = tpu.memref_slice %arg9[%add3A_25, %dma_start3A_44] : memref<10240x128xf32, #tpu.memory_space<vmem_shared>> -> memref<128x128xf32, #tpu.memory_space<vmem_shared>>
      tpu.enqueue_dma source(%arg8 : memref<128x128xf32, #tpu.memory_space<vmem>>) target(%dma_start3A_45 : memref<128x128xf32, #tpu.memory_space<vmem_shared>>) target_semaphore(%run_scoped3A : memref<!tpu.dma_semaphore, #tpu.memory_space<semaphore_mem>>)
      %dma_wait3A = arith.constant 0 : i32
      %dma_wait3A_46 = tpu.memref_slice %arg9[%add3A_25, %dma_wait3A] : memref<10240x128xf32, #tpu.memory_space<vmem_shared>> -> memref<128x128xf32, #tpu.memory_space<vmem_shared>>
      %dma_wait3A_47 = arith.constant 0 : i32
      %dma_wait3A_48 = tpu.memref_slice %arg9[%add3A_25, %dma_wait3A_47] : memref<10240x128xf32, #tpu.memory_space<vmem_shared>> -> memref<128x128xf32, #tpu.memory_space<vmem_shared>>
      tpu.wait_dma2 semaphore(%run_scoped3A : memref<!tpu.dma_semaphore, #tpu.memory_space<semaphore_mem>>) src(%arg8 : memref<128x128xf32, #tpu.memory_space<vmem>>) dst(%dma_wait3A_48 : memref<128x128xf32, #tpu.memory_space<vmem_shared>>)
      tpu.yield
    }) : () -> ()
    %barrier3A = arith.constant 0 : index
    tpu.barrier barrier_id(%barrier3A)
    "tpu.region"() ({
      %run_scoped3A = tpu.sem_alloc : memref<!tpu.dma_semaphore, #tpu.memory_space<semaphore_mem>>
      %dma_start3A = arith.constant 0 : i32
      %dma_start3A_43 = arith.constant 0 : i32
      %dma_start3A_44 = tpu.memref_slice %arg3[%arg0, %arg1, %dma_start3A, %dma_start3A_43] : memref<2x16x101x128xi32, #tpu.memory_space<hbm>> -> memref<1x1x101x128xi32, #tpu.memory_space<hbm>>
      %dma_start3A_45 = tpu.memref_squeeze %dma_start3A_44 : memref<1x1x101x128xi32, #tpu.memory_space<hbm>> -> memref<101x128xi32, #tpu.memory_space<hbm>>
      %dma_start3A_46 = arith.constant 0 : i32
      %dma_start3A_47 = arith.constant 0 : i32
      %dma_start3A_48 = tpu.memref_slice %arg3[%arg0, %arg1, %dma_start3A_46, %dma_start3A_47] : memref<2x16x101x128xi32, #tpu.memory_space<hbm>> -> memref<1x1x101x128xi32, #tpu.memory_space<hbm>>
      %dma_start3A_49 = tpu.memref_squeeze %dma_start3A_48 : memref<1x1x101x128xi32, #tpu.memory_space<hbm>> -> memref<101x128xi32, #tpu.memory_space<hbm>>
      tpu.enqueue_dma source(%dma_start3A_49 : memref<101x128xi32, #tpu.memory_space<hbm>>) target(%arg6 : memref<101x128xi32, #tpu.memory_space<vmem>>) target_semaphore(%run_scoped3A : memref<!tpu.dma_semaphore, #tpu.memory_space<semaphore_mem>>)
      %dma_wait3A = arith.constant 0 : i32
      %dma_wait3A_50 = arith.constant 0 : i32
      %dma_wait3A_51 = tpu.memref_slice %arg3[%arg0, %arg1, %dma_wait3A, %dma_wait3A_50] : memref<2x16x101x128xi32, #tpu.memory_space<hbm>> -> memref<1x1x101x128xi32, #tpu.memory_space<hbm>>
      %dma_wait3A_52 = tpu.memref_squeeze %dma_wait3A_51 : memref<1x1x101x128xi32, #tpu.memory_space<hbm>> -> memref<101x128xi32, #tpu.memory_space<hbm>>
      %dma_wait3A_53 = arith.constant 0 : i32
      %dma_wait3A_54 = arith.constant 0 : i32
      %dma_wait3A_55 = tpu.memref_slice %arg3[%arg0, %arg1, %dma_wait3A_53, %dma_wait3A_54] : memref<2x16x101x128xi32, #tpu.memory_space<hbm>> -> memref<1x1x101x128xi32, #tpu.memory_space<hbm>>
      %dma_wait3A_56 = tpu.memref_squeeze %dma_wait3A_55 : memref<1x1x101x128xi32, #tpu.memory_space<hbm>> -> memref<101x128xi32, #tpu.memory_space<hbm>>
      tpu.wait_dma2 semaphore(%run_scoped3A : memref<!tpu.dma_semaphore, #tpu.memory_space<semaphore_mem>>) src(%dma_wait3A_56 : memref<101x128xi32, #tpu.memory_space<hbm>>) dst(%arg6 : memref<101x128xi32, #tpu.memory_space<vmem>>)
      tpu.yield
    }) : () -> ()
    "tpu.region"() ({
      %run_scoped3A = tpu.sem_alloc : memref<!tpu.dma_semaphore, #tpu.memory_space<semaphore_mem>>
      %dma_start3A = arith.constant 0 : i32
      %dma_start3A_43 = arith.constant 0 : i32
      %dma_start3A_44 = tpu.memref_slice %arg4[%arg0, %arg1, %dma_start3A, %dma_start3A_43] : memref<2x16x101x128xi32, #tpu.memory_space<hbm>> -> memref<1x1x101x128xi32, #tpu.memory_space<hbm>>
      %dma_start3A_45 = tpu.memref_squeeze %dma_start3A_44 : memref<1x1x101x128xi32, #tpu.memory_space<hbm>> -> memref<101x128xi32, #tpu.memory_space<hbm>>
      %dma_start3A_46 = arith.constant 0 : i32
      %dma_start3A_47 = arith.constant 0 : i32
      %dma_start3A_48 = tpu.memref_slice %arg4[%arg0, %arg1, %dma_start3A_46, %dma_start3A_47] : memref<2x16x101x128xi32, #tpu.memory_space<hbm>> -> memref<1x1x101x128xi32, #tpu.memory_space<hbm>>
      %dma_start3A_49 = tpu.memref_squeeze %dma_start3A_48 : memref<1x1x101x128xi32, #tpu.memory_space<hbm>> -> memref<101x128xi32, #tpu.memory_space<hbm>>
      tpu.enqueue_dma source(%dma_start3A_49 : memref<101x128xi32, #tpu.memory_space<hbm>>) target(%arg7 : memref<101x128xi32, #tpu.memory_space<vmem>>) target_semaphore(%run_scoped3A : memref<!tpu.dma_semaphore, #tpu.memory_space<semaphore_mem>>)
      %dma_wait3A = arith.constant 0 : i32
      %dma_wait3A_50 = arith.constant 0 : i32
      %dma_wait3A_51 = tpu.memref_slice %arg4[%arg0, %arg1, %dma_wait3A, %dma_wait3A_50] : memref<2x16x101x128xi32, #tpu.memory_space<hbm>> -> memref<1x1x101x128xi32, #tpu.memory_space<hbm>>
      %dma_wait3A_52 = tpu.memref_squeeze %dma_wait3A_51 : memref<1x1x101x128xi32, #tpu.memory_space<hbm>> -> memref<101x128xi32, #tpu.memory_space<hbm>>
      %dma_wait3A_53 = arith.constant 0 : i32
      %dma_wait3A_54 = arith.constant 0 : i32
      %dma_wait3A_55 = tpu.memref_slice %arg4[%arg0, %arg1, %dma_wait3A_53, %dma_wait3A_54] : memref<2x16x101x128xi32, #tpu.memory_space<hbm>> -> memref<1x1x101x128xi32, #tpu.memory_space<hbm>>
      %dma_wait3A_56 = tpu.memref_squeeze %dma_wait3A_55 : memref<1x1x101x128xi32, #tpu.memory_space<hbm>> -> memref<101x128xi32, #tpu.memory_space<hbm>>
      tpu.wait_dma2 semaphore(%run_scoped3A : memref<!tpu.dma_semaphore, #tpu.memory_space<semaphore_mem>>) src(%dma_wait3A_56 : memref<101x128xi32, #tpu.memory_space<hbm>>) dst(%arg7 : memref<101x128xi32, #tpu.memory_space<vmem>>)
      tpu.yield
    }) : () -> ()
    %while3A = arith.constant 0 : i32
    %while3A_26 = arith.constant 0 : i32
    %while3A_27 = arith.subi %select_n3A, %while3A_26 : i32
    %while3A_28 = arith.addi %while3A_26, %while3A_27 : i32
    %while3A_29 = arith.constant 1 : i32
    %while3A_30 = arith.divsi %while3A_27, %while3A_29 : i32
    %while3A_31 = arith.muli %while3A_30, %while3A_29 : i32
    %while3A_32 = arith.addi %while3A_26, %while3A_31 : i32
    %while3A_33 = arith.constant 1 : i32
    scf.for %while3A_43 = %while3A_26 to %while3A_32 step %while3A_33  : i32 {
      %dma_start3A = arith.constant 0 : i32
      %dma_start3A_44 = arith.constant 0 : i32
      %dma_start3A_45 = tpu.memref_slice %arg8[%dma_start3A, %dma_start3A_44] : memref<128x128xf32, #tpu.memory_space<vmem>> -> memref<32x128xf32, #tpu.memory_space<vmem>>
      %dma_start3A_46 = arith.constant 0 : i32
      %dma_start3A_47 = tpu.memref_slice %arg6[%while3A_43, %dma_start3A_46] : memref<101x128xi32, #tpu.memory_space<vmem>> -> memref<1x32xi32, #tpu.memory_space<vmem>>
      %dma_start3A_48 = tpu.memref_squeeze %dma_start3A_47 : memref<1x32xi32, #tpu.memory_space<vmem>> -> memref<32xi32, #tpu.memory_space<vmem>>
      %dma_start3A_49 = arith.constant 0 : i32
      %dma_start3A_50 = arith.constant 0 : i32
      %dma_start3A_51 = tpu.memref_slice %arg2[%dma_start3A_49, %dma_start3A_50] : memref<10000x128xf32, #tpu.memory_space<hbm>> -> memref<10000x128xf32, #tpu.memory_space<hbm>>
      tpu.enqueue_indirect_dma source(%dma_start3A_51 : memref<10000x128xf32, #tpu.memory_space<hbm>>) target(%dma_start3A_45 : memref<32x128xf32, #tpu.memory_space<vmem>>) offsets(%dma_start3A_48 : memref<32xi32, #tpu.memory_space<vmem>>) semaphore(%arg10 : memref<!tpu.dma_semaphore, #tpu.memory_space<semaphore_mem>>)
      %dma_start3A_52 = arith.constant 32 : i32
      %dma_start3A_53 = arith.constant 0 : i32
      %dma_start3A_54 = tpu.memref_slice %arg8[%dma_start3A_52, %dma_start3A_53] : memref<128x128xf32, #tpu.memory_space<vmem>> -> memref<32x128xf32, #tpu.memory_space<vmem>>
      %dma_start3A_55 = arith.constant 32 : i32
      %dma_start3A_56 = tpu.memref_slice %arg6[%while3A_43, %dma_start3A_55] : memref<101x128xi32, #tpu.memory_space<vmem>> -> memref<1x32xi32, #tpu.memory_space<vmem>>
      %dma_start3A_57 = tpu.memref_squeeze %dma_start3A_56 : memref<1x32xi32, #tpu.memory_space<vmem>> -> memref<32xi32, #tpu.memory_space<vmem>>
      %dma_start3A_58 = arith.constant 0 : i32
      %dma_start3A_59 = arith.constant 0 : i32
      %dma_start3A_60 = tpu.memref_slice %arg2[%dma_start3A_58, %dma_start3A_59] : memref<10000x128xf32, #tpu.memory_space<hbm>> -> memref<10000x128xf32, #tpu.memory_space<hbm>>
      tpu.enqueue_indirect_dma source(%dma_start3A_60 : memref<10000x128xf32, #tpu.memory_space<hbm>>) target(%dma_start3A_54 : memref<32x128xf32, #tpu.memory_space<vmem>>) offsets(%dma_start3A_57 : memref<32xi32, #tpu.memory_space<vmem>>) semaphore(%arg11 : memref<!tpu.dma_semaphore, #tpu.memory_space<semaphore_mem>>)
      %dma_start3A_61 = arith.constant 64 : i32
      %dma_start3A_62 = arith.constant 0 : i32
      %dma_start3A_63 = tpu.memref_slice %arg8[%dma_start3A_61, %dma_start3A_62] : memref<128x128xf32, #tpu.memory_space<vmem>> -> memref<32x128xf32, #tpu.memory_space<vmem>>
      %dma_start3A_64 = arith.constant 64 : i32
      %dma_start3A_65 = tpu.memref_slice %arg6[%while3A_43, %dma_start3A_64] : memref<101x128xi32, #tpu.memory_space<vmem>> -> memref<1x32xi32, #tpu.memory_space<vmem>>
      %dma_start3A_66 = tpu.memref_squeeze %dma_start3A_65 : memref<1x32xi32, #tpu.memory_space<vmem>> -> memref<32xi32, #tpu.memory_space<vmem>>
      %dma_start3A_67 = arith.constant 0 : i32
      %dma_start3A_68 = arith.constant 0 : i32
      %dma_start3A_69 = tpu.memref_slice %arg2[%dma_start3A_67, %dma_start3A_68] : memref<10000x128xf32, #tpu.memory_space<hbm>> -> memref<10000x128xf32, #tpu.memory_space<hbm>>
      tpu.enqueue_indirect_dma source(%dma_start3A_69 : memref<10000x128xf32, #tpu.memory_space<hbm>>) target(%dma_start3A_63 : memref<32x128xf32, #tpu.memory_space<vmem>>) offsets(%dma_start3A_66 : memref<32xi32, #tpu.memory_space<vmem>>) semaphore(%arg12 : memref<!tpu.dma_semaphore, #tpu.memory_space<semaphore_mem>>)
      %dma_start3A_70 = arith.constant 96 : i32
      %dma_start3A_71 = arith.constant 0 : i32
      %dma_start3A_72 = tpu.memref_slice %arg8[%dma_start3A_70, %dma_start3A_71] : memref<128x128xf32, #tpu.memory_space<vmem>> -> memref<32x128xf32, #tpu.memory_space<vmem>>
      %dma_start3A_73 = arith.constant 96 : i32
      %dma_start3A_74 = tpu.memref_slice %arg6[%while3A_43, %dma_start3A_73] : memref<101x128xi32, #tpu.memory_space<vmem>> -> memref<1x32xi32, #tpu.memory_space<vmem>>
      %dma_start3A_75 = tpu.memref_squeeze %dma_start3A_74 : memref<1x32xi32, #tpu.memory_space<vmem>> -> memref<32xi32, #tpu.memory_space<vmem>>
      %dma_start3A_76 = arith.constant 0 : i32
      %dma_start3A_77 = arith.constant 0 : i32
      %dma_start3A_78 = tpu.memref_slice %arg2[%dma_start3A_76, %dma_start3A_77] : memref<10000x128xf32, #tpu.memory_space<hbm>> -> memref<10000x128xf32, #tpu.memory_space<hbm>>
      tpu.enqueue_indirect_dma source(%dma_start3A_78 : memref<10000x128xf32, #tpu.memory_space<hbm>>) target(%dma_start3A_72 : memref<32x128xf32, #tpu.memory_space<vmem>>) offsets(%dma_start3A_75 : memref<32xi32, #tpu.memory_space<vmem>>) semaphore(%arg13 : memref<!tpu.dma_semaphore, #tpu.memory_space<semaphore_mem>>)
      %dma_wait3A = arith.constant 0 : i32
      %dma_wait3A_79 = arith.constant 0 : i32
      %dma_wait3A_80 = tpu.memref_slice %arg8[%dma_wait3A, %dma_wait3A_79] : memref<128x128xf32, #tpu.memory_space<vmem>> -> memref<32x128xf32, #tpu.memory_space<vmem>>
      %dma_wait3A_81 = arith.constant 0 : i32
      %dma_wait3A_82 = tpu.memref_slice %arg6[%while3A_43, %dma_wait3A_81] : memref<101x128xi32, #tpu.memory_space<vmem>> -> memref<1x32xi32, #tpu.memory_space<vmem>>
      %dma_wait3A_83 = tpu.memref_squeeze %dma_wait3A_82 : memref<1x32xi32, #tpu.memory_space<vmem>> -> memref<32xi32, #tpu.memory_space<vmem>>
      %dma_wait3A_84 = arith.constant 0 : i32
      %dma_wait3A_85 = arith.constant 0 : i32
      %dma_wait3A_86 = tpu.memref_slice %arg2[%dma_wait3A_84, %dma_wait3A_85] : memref<10000x128xf32, #tpu.memory_space<hbm>> -> memref<10000x128xf32, #tpu.memory_space<hbm>>
      tpu.wait_indirect_dma semaphore(%arg10 : memref<!tpu.dma_semaphore, #tpu.memory_space<semaphore_mem>>) src(%dma_wait3A_86 : memref<10000x128xf32, #tpu.memory_space<hbm>>) dst(%dma_wait3A_80 : memref<32x128xf32, #tpu.memory_space<vmem>>)
      %dma_wait3A_87 = arith.constant 32 : i32
      %dma_wait3A_88 = arith.constant 0 : i32
      %dma_wait3A_89 = tpu.memref_slice %arg8[%dma_wait3A_87, %dma_wait3A_88] : memref<128x128xf32, #tpu.memory_space<vmem>> -> memref<32x128xf32, #tpu.memory_space<vmem>>
      %dma_wait3A_90 = arith.constant 32 : i32
      %dma_wait3A_91 = tpu.memref_slice %arg6[%while3A_43, %dma_wait3A_90] : memref<101x128xi32, #tpu.memory_space<vmem>> -> memref<1x32xi32, #tpu.memory_space<vmem>>
      %dma_wait3A_92 = tpu.memref_squeeze %dma_wait3A_91 : memref<1x32xi32, #tpu.memory_space<vmem>> -> memref<32xi32, #tpu.memory_space<vmem>>
      %dma_wait3A_93 = arith.constant 0 : i32
      %dma_wait3A_94 = arith.constant 0 : i32
      %dma_wait3A_95 = tpu.memref_slice %arg2[%dma_wait3A_93, %dma_wait3A_94] : memref<10000x128xf32, #tpu.memory_space<hbm>> -> memref<10000x128xf32, #tpu.memory_space<hbm>>
      tpu.wait_indirect_dma semaphore(%arg11 : memref<!tpu.dma_semaphore, #tpu.memory_space<semaphore_mem>>) src(%dma_wait3A_95 : memref<10000x128xf32, #tpu.memory_space<hbm>>) dst(%dma_wait3A_89 : memref<32x128xf32, #tpu.memory_space<vmem>>)
      %dma_wait3A_96 = arith.constant 64 : i32
      %dma_wait3A_97 = arith.constant 0 : i32
      %dma_wait3A_98 = tpu.memref_slice %arg8[%dma_wait3A_96, %dma_wait3A_97] : memref<128x128xf32, #tpu.memory_space<vmem>> -> memref<32x128xf32, #tpu.memory_space<vmem>>
      %dma_wait3A_99 = arith.constant 64 : i32
      %dma_wait3A_100 = tpu.memref_slice %arg6[%while3A_43, %dma_wait3A_99] : memref<101x128xi32, #tpu.memory_space<vmem>> -> memref<1x32xi32, #tpu.memory_space<vmem>>
      %dma_wait3A_101 = tpu.memref_squeeze %dma_wait3A_100 : memref<1x32xi32, #tpu.memory_space<vmem>> -> memref<32xi32, #tpu.memory_space<vmem>>
      %dma_wait3A_102 = arith.constant 0 : i32
      %dma_wait3A_103 = arith.constant 0 : i32
      %dma_wait3A_104 = tpu.memref_slice %arg2[%dma_wait3A_102, %dma_wait3A_103] : memref<10000x128xf32, #tpu.memory_space<hbm>> -> memref<10000x128xf32, #tpu.memory_space<hbm>>
      tpu.wait_indirect_dma semaphore(%arg12 : memref<!tpu.dma_semaphore, #tpu.memory_space<semaphore_mem>>) src(%dma_wait3A_104 : memref<10000x128xf32, #tpu.memory_space<hbm>>) dst(%dma_wait3A_98 : memref<32x128xf32, #tpu.memory_space<vmem>>)
      %dma_wait3A_105 = arith.constant 96 : i32
      %dma_wait3A_106 = arith.constant 0 : i32
      %dma_wait3A_107 = tpu.memref_slice %arg8[%dma_wait3A_105, %dma_wait3A_106] : memref<128x128xf32, #tpu.memory_space<vmem>> -> memref<32x128xf32, #tpu.memory_space<vmem>>
      %dma_wait3A_108 = arith.constant 96 : i32
      %dma_wait3A_109 = tpu.memref_slice %arg6[%while3A_43, %dma_wait3A_108] : memref<101x128xi32, #tpu.memory_space<vmem>> -> memref<1x32xi32, #tpu.memory_space<vmem>>
      %dma_wait3A_110 = tpu.memref_squeeze %dma_wait3A_109 : memref<1x32xi32, #tpu.memory_space<vmem>> -> memref<32xi32, #tpu.memory_space<vmem>>
      %dma_wait3A_111 = arith.constant 0 : i32
      %dma_wait3A_112 = arith.constant 0 : i32
      %dma_wait3A_113 = tpu.memref_slice %arg2[%dma_wait3A_111, %dma_wait3A_112] : memref<10000x128xf32, #tpu.memory_space<hbm>> -> memref<10000x128xf32, #tpu.memory_space<hbm>>
      tpu.wait_indirect_dma semaphore(%arg13 : memref<!tpu.dma_semaphore, #tpu.memory_space<semaphore_mem>>) src(%dma_wait3A_113 : memref<10000x128xf32, #tpu.memory_space<hbm>>) dst(%dma_wait3A_107 : memref<32x128xf32, #tpu.memory_space<vmem>>)
      "tpu.region"() ({
        %run_scoped3A = tpu.sem_alloc : memref<!tpu.dma_semaphore, #tpu.memory_space<semaphore_mem>>
        %dma_start3A_114 = arith.constant 0 : i32
        %dma_start3A_115 = tpu.memref_slice %arg7[%while3A_43, %dma_start3A_114] : memref<101x128xi32, #tpu.memory_space<vmem>> -> memref<1x128xi32, #tpu.memory_space<vmem>>
        %dma_start3A_116 = tpu.memref_squeeze %dma_start3A_115 : memref<1x128xi32, #tpu.memory_space<vmem>> -> memref<128xi32, #tpu.memory_space<vmem>>
        %dma_start3A_117 = arith.constant 0 : i32
        %dma_start3A_118 = arith.constant 0 : i32
        %dma_start3A_119 = tpu.memref_slice %arg9[%dma_start3A_117, %dma_start3A_118] : memref<10240x128xf32, #tpu.memory_space<vmem_shared>> -> memref<10240x128xf32, #tpu.memory_space<vmem_shared>>
        tpu.enqueue_indirect_dma source(%arg8 : memref<128x128xf32, #tpu.memory_space<vmem>>) target(%dma_start3A_119 : memref<10240x128xf32, #tpu.memory_space<vmem_shared>>) offsets(%dma_start3A_116 : memref<128xi32, #tpu.memory_space<vmem>>) semaphore(%run_scoped3A : memref<!tpu.dma_semaphore, #tpu.memory_space<semaphore_mem>>) {add = true}
        %dma_wait3A_120 = arith.constant 0 : i32
        %dma_wait3A_121 = tpu.memref_slice %arg7[%while3A_43, %dma_wait3A_120] : memref<101x128xi32, #tpu.memory_space<vmem>> -> memref<1x128xi32, #tpu.memory_space<vmem>>
        %dma_wait3A_122 = tpu.memref_squeeze %dma_wait3A_121 : memref<1x128xi32, #tpu.memory_space<vmem>> -> memref<128xi32, #tpu.memory_space<vmem>>
        %dma_wait3A_123 = arith.constant 0 : i32
        %dma_wait3A_124 = arith.constant 0 : i32
        %dma_wait3A_125 = tpu.memref_slice %arg9[%dma_wait3A_123, %dma_wait3A_124] : memref<10240x128xf32, #tpu.memory_space<vmem_shared>> -> memref<10240x128xf32, #tpu.memory_space<vmem_shared>>
        tpu.wait_indirect_dma semaphore(%run_scoped3A : memref<!tpu.dma_semaphore, #tpu.memory_space<semaphore_mem>>) src(%arg8 : memref<128x128xf32, #tpu.memory_space<vmem>>) dst(%dma_wait3A_125 : memref<10240x128xf32, #tpu.memory_space<vmem_shared>>)
        tpu.yield
      }) : () -> ()
    }
    %while3A_34 = arith.constant 1 : i32
    scf.for %while3A_43 = %while3A_32 to %while3A_28 step %while3A_34  : i32 {
      %dma_start3A = arith.constant 0 : i32
      %dma_start3A_44 = arith.constant 0 : i32
      %dma_start3A_45 = tpu.memref_slice %arg8[%dma_start3A, %dma_start3A_44] : memref<128x128xf32, #tpu.memory_space<vmem>> -> memref<32x128xf32, #tpu.memory_space<vmem>>
      %dma_start3A_46 = arith.constant 0 : i32
      %dma_start3A_47 = tpu.memref_slice %arg6[%while3A_43, %dma_start3A_46] : memref<101x128xi32, #tpu.memory_space<vmem>> -> memref<1x32xi32, #tpu.memory_space<vmem>>
      %dma_start3A_48 = tpu.memref_squeeze %dma_start3A_47 : memref<1x32xi32, #tpu.memory_space<vmem>> -> memref<32xi32, #tpu.memory_space<vmem>>
      %dma_start3A_49 = arith.constant 0 : i32
      %dma_start3A_50 = arith.constant 0 : i32
      %dma_start3A_51 = tpu.memref_slice %arg2[%dma_start3A_49, %dma_start3A_50] : memref<10000x128xf32, #tpu.memory_space<hbm>> -> memref<10000x128xf32, #tpu.memory_space<hbm>>
      tpu.enqueue_indirect_dma source(%dma_start3A_51 : memref<10000x128xf32, #tpu.memory_space<hbm>>) target(%dma_start3A_45 : memref<32x128xf32, #tpu.memory_space<vmem>>) offsets(%dma_start3A_48 : memref<32xi32, #tpu.memory_space<vmem>>) semaphore(%arg10 : memref<!tpu.dma_semaphore, #tpu.memory_space<semaphore_mem>>)
      %dma_start3A_52 = arith.constant 32 : i32
      %dma_start3A_53 = arith.constant 0 : i32
      %dma_start3A_54 = tpu.memref_slice %arg8[%dma_start3A_52, %dma_start3A_53] : memref<128x128xf32, #tpu.memory_space<vmem>> -> memref<32x128xf32, #tpu.memory_space<vmem>>
      %dma_start3A_55 = arith.constant 32 : i32
      %dma_start3A_56 = tpu.memref_slice %arg6[%while3A_43, %dma_start3A_55] : memref<101x128xi32, #tpu.memory_space<vmem>> -> memref<1x32xi32, #tpu.memory_space<vmem>>
      %dma_start3A_57 = tpu.memref_squeeze %dma_start3A_56 : memref<1x32xi32, #tpu.memory_space<vmem>> -> memref<32xi32, #tpu.memory_space<vmem>>
      %dma_start3A_58 = arith.constant 0 : i32
      %dma_start3A_59 = arith.constant 0 : i32
      %dma_start3A_60 = tpu.memref_slice %arg2[%dma_start3A_58, %dma_start3A_59] : memref<10000x128xf32, #tpu.memory_space<hbm>> -> memref<10000x128xf32, #tpu.memory_space<hbm>>
      tpu.enqueue_indirect_dma source(%dma_start3A_60 : memref<10000x128xf32, #tpu.memory_space<hbm>>) target(%dma_start3A_54 : memref<32x128xf32, #tpu.memory_space<vmem>>) offsets(%dma_start3A_57 : memref<32xi32, #tpu.memory_space<vmem>>) semaphore(%arg11 : memref<!tpu.dma_semaphore, #tpu.memory_space<semaphore_mem>>)
      %dma_start3A_61 = arith.constant 64 : i32
      %dma_start3A_62 = arith.constant 0 : i32
      %dma_start3A_63 = tpu.memref_slice %arg8[%dma_start3A_61, %dma_start3A_62] : memref<128x128xf32, #tpu.memory_space<vmem>> -> memref<32x128xf32, #tpu.memory_space<vmem>>
      %dma_start3A_64 = arith.constant 64 : i32
      %dma_start3A_65 = tpu.memref_slice %arg6[%while3A_43, %dma_start3A_64] : memref<101x128xi32, #tpu.memory_space<vmem>> -> memref<1x32xi32, #tpu.memory_space<vmem>>
      %dma_start3A_66 = tpu.memref_squeeze %dma_start3A_65 : memref<1x32xi32, #tpu.memory_space<vmem>> -> memref<32xi32, #tpu.memory_space<vmem>>
      %dma_start3A_67 = arith.constant 0 : i32
      %dma_start3A_68 = arith.constant 0 : i32
      %dma_start3A_69 = tpu.memref_slice %arg2[%dma_start3A_67, %dma_start3A_68] : memref<10000x128xf32, #tpu.memory_space<hbm>> -> memref<10000x128xf32, #tpu.memory_space<hbm>>
      tpu.enqueue_indirect_dma source(%dma_start3A_69 : memref<10000x128xf32, #tpu.memory_space<hbm>>) target(%dma_start3A_63 : memref<32x128xf32, #tpu.memory_space<vmem>>) offsets(%dma_start3A_66 : memref<32xi32, #tpu.memory_space<vmem>>) semaphore(%arg12 : memref<!tpu.dma_semaphore, #tpu.memory_space<semaphore_mem>>)
      %dma_start3A_70 = arith.constant 96 : i32
      %dma_start3A_71 = arith.constant 0 : i32
      %dma_start3A_72 = tpu.memref_slice %arg8[%dma_start3A_70, %dma_start3A_71] : memref<128x128xf32, #tpu.memory_space<vmem>> -> memref<32x128xf32, #tpu.memory_space<vmem>>
      %dma_start3A_73 = arith.constant 96 : i32
      %dma_start3A_74 = tpu.memref_slice %arg6[%while3A_43, %dma_start3A_73] : memref<101x128xi32, #tpu.memory_space<vmem>> -> memref<1x32xi32, #tpu.memory_space<vmem>>
      %dma_start3A_75 = tpu.memref_squeeze %dma_start3A_74 : memref<1x32xi32, #tpu.memory_space<vmem>> -> memref<32xi32, #tpu.memory_space<vmem>>
      %dma_start3A_76 = arith.constant 0 : i32
      %dma_start3A_77 = arith.constant 0 : i32
      %dma_start3A_78 = tpu.memref_slice %arg2[%dma_start3A_76, %dma_start3A_77] : memref<10000x128xf32, #tpu.memory_space<hbm>> -> memref<10000x128xf32, #tpu.memory_space<hbm>>
      tpu.enqueue_indirect_dma source(%dma_start3A_78 : memref<10000x128xf32, #tpu.memory_space<hbm>>) target(%dma_start3A_72 : memref<32x128xf32, #tpu.memory_space<vmem>>) offsets(%dma_start3A_75 : memref<32xi32, #tpu.memory_space<vmem>>) semaphore(%arg13 : memref<!tpu.dma_semaphore, #tpu.memory_space<semaphore_mem>>)
      %dma_wait3A = arith.constant 0 : i32
      %dma_wait3A_79 = arith.constant 0 : i32
      %dma_wait3A_80 = tpu.memref_slice %arg8[%dma_wait3A, %dma_wait3A_79] : memref<128x128xf32, #tpu.memory_space<vmem>> -> memref<32x128xf32, #tpu.memory_space<vmem>>
      %dma_wait3A_81 = arith.constant 0 : i32
      %dma_wait3A_82 = tpu.memref_slice %arg6[%while3A_43, %dma_wait3A_81] : memref<101x128xi32, #tpu.memory_space<vmem>> -> memref<1x32xi32, #tpu.memory_space<vmem>>
      %dma_wait3A_83 = tpu.memref_squeeze %dma_wait3A_82 : memref<1x32xi32, #tpu.memory_space<vmem>> -> memref<32xi32, #tpu.memory_space<vmem>>
      %dma_wait3A_84 = arith.constant 0 : i32
      %dma_wait3A_85 = arith.constant 0 : i32
      %dma_wait3A_86 = tpu.memref_slice %arg2[%dma_wait3A_84, %dma_wait3A_85] : memref<10000x128xf32, #tpu.memory_space<hbm>> -> memref<10000x128xf32, #tpu.memory_space<hbm>>
      tpu.wait_indirect_dma semaphore(%arg10 : memref<!tpu.dma_semaphore, #tpu.memory_space<semaphore_mem>>) src(%dma_wait3A_86 : memref<10000x128xf32, #tpu.memory_space<hbm>>) dst(%dma_wait3A_80 : memref<32x128xf32, #tpu.memory_space<vmem>>)
      %dma_wait3A_87 = arith.constant 32 : i32
      %dma_wait3A_88 = arith.constant 0 : i32
      %dma_wait3A_89 = tpu.memref_slice %arg8[%dma_wait3A_87, %dma_wait3A_88] : memref<128x128xf32, #tpu.memory_space<vmem>> -> memref<32x128xf32, #tpu.memory_space<vmem>>
      %dma_wait3A_90 = arith.constant 32 : i32
      %dma_wait3A_91 = tpu.memref_slice %arg6[%while3A_43, %dma_wait3A_90] : memref<101x128xi32, #tpu.memory_space<vmem>> -> memref<1x32xi32, #tpu.memory_space<vmem>>
      %dma_wait3A_92 = tpu.memref_squeeze %dma_wait3A_91 : memref<1x32xi32, #tpu.memory_space<vmem>> -> memref<32xi32, #tpu.memory_space<vmem>>
      %dma_wait3A_93 = arith.constant 0 : i32
      %dma_wait3A_94 = arith.constant 0 : i32
      %dma_wait3A_95 = tpu.memref_slice %arg2[%dma_wait3A_93, %dma_wait3A_94] : memref<10000x128xf32, #tpu.memory_space<hbm>> -> memref<10000x128xf32, #tpu.memory_space<hbm>>
      tpu.wait_indirect_dma semaphore(%arg11 : memref<!tpu.dma_semaphore, #tpu.memory_space<semaphore_mem>>) src(%dma_wait3A_95 : memref<10000x128xf32, #tpu.memory_space<hbm>>) dst(%dma_wait3A_89 : memref<32x128xf32, #tpu.memory_space<vmem>>)
      %dma_wait3A_96 = arith.constant 64 : i32
      %dma_wait3A_97 = arith.constant 0 : i32
      %dma_wait3A_98 = tpu.memref_slice %arg8[%dma_wait3A_96, %dma_wait3A_97] : memref<128x128xf32, #tpu.memory_space<vmem>> -> memref<32x128xf32, #tpu.memory_space<vmem>>
      %dma_wait3A_99 = arith.constant 64 : i32
      %dma_wait3A_100 = tpu.memref_slice %arg6[%while3A_43, %dma_wait3A_99] : memref<101x128xi32, #tpu.memory_space<vmem>> -> memref<1x32xi32, #tpu.memory_space<vmem>>
      %dma_wait3A_101 = tpu.memref_squeeze %dma_wait3A_100 : memref<1x32xi32, #tpu.memory_space<vmem>> -> memref<32xi32, #tpu.memory_space<vmem>>
      %dma_wait3A_102 = arith.constant 0 : i32
      %dma_wait3A_103 = arith.constant 0 : i32
      %dma_wait3A_104 = tpu.memref_slice %arg2[%dma_wait3A_102, %dma_wait3A_103] : memref<10000x128xf32, #tpu.memory_space<hbm>> -> memref<10000x128xf32, #tpu.memory_space<hbm>>
      tpu.wait_indirect_dma semaphore(%arg12 : memref<!tpu.dma_semaphore, #tpu.memory_space<semaphore_mem>>) src(%dma_wait3A_104 : memref<10000x128xf32, #tpu.memory_space<hbm>>) dst(%dma_wait3A_98 : memref<32x128xf32, #tpu.memory_space<vmem>>)
      %dma_wait3A_105 = arith.constant 96 : i32
      %dma_wait3A_106 = arith.constant 0 : i32
      %dma_wait3A_107 = tpu.memref_slice %arg8[%dma_wait3A_105, %dma_wait3A_106] : memref<128x128xf32, #tpu.memory_space<vmem>> -> memref<32x128xf32, #tpu.memory_space<vmem>>
      %dma_wait3A_108 = arith.constant 96 : i32
      %dma_wait3A_109 = tpu.memref_slice %arg6[%while3A_43, %dma_wait3A_108] : memref<101x128xi32, #tpu.memory_space<vmem>> -> memref<1x32xi32, #tpu.memory_space<vmem>>
      %dma_wait3A_110 = tpu.memref_squeeze %dma_wait3A_109 : memref<1x32xi32, #tpu.memory_space<vmem>> -> memref<32xi32, #tpu.memory_space<vmem>>
      %dma_wait3A_111 = arith.constant 0 : i32
      %dma_wait3A_112 = arith.constant 0 : i32
      %dma_wait3A_113 = tpu.memref_slice %arg2[%dma_wait3A_111, %dma_wait3A_112] : memref<10000x128xf32, #tpu.memory_space<hbm>> -> memref<10000x128xf32, #tpu.memory_space<hbm>>
      tpu.wait_indirect_dma semaphore(%arg13 : memref<!tpu.dma_semaphore, #tpu.memory_space<semaphore_mem>>) src(%dma_wait3A_113 : memref<10000x128xf32, #tpu.memory_space<hbm>>) dst(%dma_wait3A_107 : memref<32x128xf32, #tpu.memory_space<vmem>>)
      "tpu.region"() ({
        %run_scoped3A = tpu.sem_alloc : memref<!tpu.dma_semaphore, #tpu.memory_space<semaphore_mem>>
        %dma_start3A_114 = arith.constant 0 : i32
        %dma_start3A_115 = tpu.memref_slice %arg7[%while3A_43, %dma_start3A_114] : memref<101x128xi32, #tpu.memory_space<vmem>> -> memref<1x128xi32, #tpu.memory_space<vmem>>
        %dma_start3A_116 = tpu.memref_squeeze %dma_start3A_115 : memref<1x128xi32, #tpu.memory_space<vmem>> -> memref<128xi32, #tpu.memory_space<vmem>>
        %dma_start3A_117 = arith.constant 0 : i32
        %dma_start3A_118 = arith.constant 0 : i32
        %dma_start3A_119 = tpu.memref_slice %arg9[%dma_start3A_117, %dma_start3A_118] : memref<10240x128xf32, #tpu.memory_space<vmem_shared>> -> memref<10240x128xf32, #tpu.memory_space<vmem_shared>>
        tpu.enqueue_indirect_dma source(%arg8 : memref<128x128xf32, #tpu.memory_space<vmem>>) target(%dma_start3A_119 : memref<10240x128xf32, #tpu.memory_space<vmem_shared>>) offsets(%dma_start3A_116 : memref<128xi32, #tpu.memory_space<vmem>>) semaphore(%run_scoped3A : memref<!tpu.dma_semaphore, #tpu.memory_space<semaphore_mem>>) {add = true}
        %dma_wait3A_120 = arith.constant 0 : i32
        %dma_wait3A_121 = tpu.memref_slice %arg7[%while3A_43, %dma_wait3A_120] : memref<101x128xi32, #tpu.memory_space<vmem>> -> memref<1x128xi32, #tpu.memory_space<vmem>>
        %dma_wait3A_122 = tpu.memref_squeeze %dma_wait3A_121 : memref<1x128xi32, #tpu.memory_space<vmem>> -> memref<128xi32, #tpu.memory_space<vmem>>
        %dma_wait3A_123 = arith.constant 0 : i32
        %dma_wait3A_124 = arith.constant 0 : i32
        %dma_wait3A_125 = tpu.memref_slice %arg9[%dma_wait3A_123, %dma_wait3A_124] : memref<10240x128xf32, #tpu.memory_space<vmem_shared>> -> memref<10240x128xf32, #tpu.memory_space<vmem_shared>>
        tpu.wait_indirect_dma semaphore(%run_scoped3A : memref<!tpu.dma_semaphore, #tpu.memory_space<semaphore_mem>>) src(%arg8 : memref<128x128xf32, #tpu.memory_space<vmem>>) dst(%dma_wait3A_125 : memref<10240x128xf32, #tpu.memory_space<vmem_shared>>)
        tpu.yield
      }) : () -> ()
    }
    %barrier3A_35 = arith.constant 0 : index
    tpu.barrier barrier_id(%barrier3A_35)
    %lt3A = arith.constant 15 : i32
    %lt3A_36 = arith.cmpi slt, %arg1, %lt3A : i32
    %convert_element_type3A = arith.extui %lt3A_36 : i1 to i32
    %cond3A = arith.constant 0 : i32
    %cond3A_37 = arith.cmpi ne, %convert_element_type3A, %cond3A : i32
    scf.if %cond3A_37 {
      %mul3A_43 = arith.constant 640 : i32
      %mul3A_44 = arith.muli %arg1, %mul3A_43 : i32
      %mul3A_45 = arith.constant 640 : i32
      %mul3A_46 = arith.muli %arg1, %mul3A_45 : i32
      "tpu.region"() ({
        %run_scoped3A = tpu.sem_alloc : memref<!tpu.dma_semaphore, #tpu.memory_space<semaphore_mem>>
        %dma_start3A = arith.constant 0 : i32
        %dma_start3A_47 = tpu.memref_slice %arg5[%arg0, %mul3A_46, %dma_start3A] : memref<2x10000x128xf32, #tpu.memory_space<hbm>> -> memref<1x640x128xf32, #tpu.memory_space<hbm>>
        %dma_start3A_48 = tpu.memref_squeeze %dma_start3A_47 : memref<1x640x128xf32, #tpu.memory_space<hbm>> -> memref<640x128xf32, #tpu.memory_space<hbm>>
        %dma_start3A_49 = arith.constant 0 : i32
        %dma_start3A_50 = tpu.memref_slice %arg9[%mul3A_44, %dma_start3A_49] : memref<10240x128xf32, #tpu.memory_space<vmem_shared>> -> memref<640x128xf32, #tpu.memory_space<vmem_shared>>
        tpu.enqueue_dma source(%dma_start3A_50 : memref<640x128xf32, #tpu.memory_space<vmem_shared>>) target(%dma_start3A_48 : memref<640x128xf32, #tpu.memory_space<hbm>>) target_semaphore(%run_scoped3A : memref<!tpu.dma_semaphore, #tpu.memory_space<semaphore_mem>>)
        %dma_wait3A = arith.constant 0 : i32
        %dma_wait3A_51 = tpu.memref_slice %arg5[%arg0, %mul3A_46, %dma_wait3A] : memref<2x10000x128xf32, #tpu.memory_space<hbm>> -> memref<1x640x128xf32, #tpu.memory_space<hbm>>
        %dma_wait3A_52 = tpu.memref_squeeze %dma_wait3A_51 : memref<1x640x128xf32, #tpu.memory_space<hbm>> -> memref<640x128xf32, #tpu.memory_space<hbm>>
        %dma_wait3A_53 = arith.constant 0 : i32
        %dma_wait3A_54 = tpu.memref_slice %arg9[%mul3A_44, %dma_wait3A_53] : memref<10240x128xf32, #tpu.memory_space<vmem_shared>> -> memref<640x128xf32, #tpu.memory_space<vmem_shared>>
        tpu.wait_dma2 semaphore(%run_scoped3A : memref<!tpu.dma_semaphore, #tpu.memory_space<semaphore_mem>>) src(%dma_wait3A_54 : memref<640x128xf32, #tpu.memory_space<vmem_shared>>) dst(%dma_wait3A_52 : memref<640x128xf32, #tpu.memory_space<hbm>>)
        tpu.yield
      }) : () -> ()
    } else {
    }
    %eq3A_38 = arith.constant 15 : i32
    %eq3A_39 = arith.cmpi eq, %arg1, %eq3A_38 : i32
    %convert_element_type3A_40 = arith.extui %eq3A_39 : i1 to i32
    %cond3A_41 = arith.constant 0 : i32
    %cond3A_42 = arith.cmpi ne, %convert_element_type3A_40, %cond3A_41 : i32
    scf.if %cond3A_42 {
      "tpu.region"() ({
        %run_scoped3A = tpu.sem_alloc : memref<!tpu.dma_semaphore, #tpu.memory_space<semaphore_mem>>
        %dma_start3A = arith.constant 9600 : i32
        %dma_start3A_43 = arith.constant 0 : i32
        %dma_start3A_44 = tpu.memref_slice %arg5[%arg0, %dma_start3A, %dma_start3A_43] : memref<2x10000x128xf32, #tpu.memory_space<hbm>> -> memref<1x400x128xf32, #tpu.memory_space<hbm>>
        %dma_start3A_45 = tpu.memref_squeeze %dma_start3A_44 : memref<1x400x128xf32, #tpu.memory_space<hbm>> -> memref<400x128xf32, #tpu.memory_space<hbm>>
        %dma_start3A_46 = arith.constant 9600 : i32
        %dma_start3A_47 = arith.constant 0 : i32
        %dma_start3A_48 = tpu.memref_slice %arg9[%dma_start3A_46, %dma_start3A_47] : memref<10240x128xf32, #tpu.memory_space<vmem_shared>> -> memref<400x128xf32, #tpu.memory_space<vmem_shared>>
        tpu.enqueue_dma source(%dma_start3A_48 : memref<400x128xf32, #tpu.memory_space<vmem_shared>>) target(%dma_start3A_45 : memref<400x128xf32, #tpu.memory_space<hbm>>) target_semaphore(%run_scoped3A : memref<!tpu.dma_semaphore, #tpu.memory_space<semaphore_mem>>)
        %dma_wait3A = arith.constant 9600 : i32
        %dma_wait3A_49 = arith.constant 0 : i32
        %dma_wait3A_50 = tpu.memref_slice %arg5[%arg0, %dma_wait3A, %dma_wait3A_49] : memref<2x10000x128xf32, #tpu.memory_space<hbm>> -> memref<1x400x128xf32, #tpu.memory_space<hbm>>
        %dma_wait3A_51 = tpu.memref_squeeze %dma_wait3A_50 : memref<1x400x128xf32, #tpu.memory_space<hbm>> -> memref<400x128xf32, #tpu.memory_space<hbm>>
        %dma_wait3A_52 = arith.constant 9600 : i32
        %dma_wait3A_53 = arith.constant 0 : i32
        %dma_wait3A_54 = tpu.memref_slice %arg9[%dma_wait3A_52, %dma_wait3A_53] : memref<10240x128xf32, #tpu.memory_space<vmem_shared>> -> memref<400x128xf32, #tpu.memory_space<vmem_shared>>
        tpu.wait_dma2 semaphore(%run_scoped3A : memref<!tpu.dma_semaphore, #tpu.memory_space<semaphore_mem>>) src(%dma_wait3A_54 : memref<400x128xf32, #tpu.memory_space<vmem_shared>>) dst(%dma_wait3A_51 : memref<400x128xf32, #tpu.memory_space<hbm>>)
        tpu.yield
      }) : () -> ()
    } else {
    }
    return
  }
}

#map = affine_map<(d0, d1) -> (0, 0)>
#map1 = affine_map<(d0, d1) -> (0, 0, 0, 0)>
#map2 = affine_map<(d0, d1) -> (0, 0, 0)>
module attributes {stable_mosaic.version = 14 : i64} {
  func.func @k(%arg0: i32, %arg1: i32, %arg2: memref<10000x128xf32, #tpu.memory_space<hbm>>, %arg3: memref<2x16x101x128xi32, #tpu.memory_space<hbm>>, %arg4: memref<2x16x101x128xi32, #tpu.memory_space<hbm>>, %arg5: memref<2x10000x128xf32, #tpu.memory_space<hbm>>, %arg6: memref<101x128xi32, #tpu.memory_space<vmem>>, %arg7: memref<101x128xi32, #tpu.memory_space<vmem>>, %arg8: memref<128x128xf32, #tpu.memory_space<vmem>>, %arg9: memref<10240x128xf32, #tpu.memory_space<vmem_shared>>, %arg10: memref<!tpu.dma_semaphore, #tpu.memory_space<semaphore_mem>>, %arg11: memref<!tpu.dma_semaphore, #tpu.memory_space<semaphore_mem>>, %arg12: memref<!tpu.dma_semaphore, #tpu.memory_space<semaphore_mem>>, %arg13: memref<!tpu.dma_semaphore, #tpu.memory_space<semaphore_mem>>) attributes {dimension_semantics = [#tpu.dimension_semantics<core_parallel>, #tpu.dimension_semantics<subcore_parallel>], iteration_bounds = array<i64: 2, 16>, scalar_prefetch = 0 : i64, scratch_operands = 8 : i64, tpu.core_type = #tpu.core_type<sc_vector_subcore>, window_params = [{transform_indices = #map}, {transform_indices = #map1}, {transform_indices = #map1}, {transform_indices = #map2}]} {
    %eq3A = arith.constant 0 : i32
    %eq3A_0 = arith.cmpi eq, %arg0, %eq3A : i32
    %jit3A = arith.constant 56 : i32
    %jit3A_1 = arith.constant 101 : i32
    %select_n3A = arith.select %eq3A_0, %jit3A, %jit3A_1 : i32
    %broadcast_in_dim3A = arith.constant 0.000000e+00 : f32
    %broadcast_in_dim3A_2 = vector.broadcast %broadcast_in_dim3A : f32 to vector<16xf32>
    %scan3A = arith.constant 0 : i32
    %scan3A_3 = arith.constant 0 : i32
    %scan3A_4 = arith.constant 128 : i32
    %scan3A_5 = arith.addi %scan3A_3, %scan3A_4 : i32
    %scan3A_6 = arith.constant 1 : i32
    scf.for %scan3A_43 = %scan3A_3 to %scan3A_5 step %scan3A_6  : i32 {
      %swap3A = arith.index_cast %scan3A_43 : i32 to index
      %swap3A_44 = arith.constant 0 : index
      %swap3A_45 = tpu.vector_load %arg8[%swap3A, %swap3A_44] {strides = array<i32>} : memref<128x128xf32, #tpu.memory_space<vmem>>, vector<1x16xf32>,
      %swap3A_46 = vector.shape_cast %swap3A_45 : vector<1x16xf32> to vector<16xf32>
      %swap3A_47 = vector.shape_cast %broadcast_in_dim3A_2 : vector<16xf32> to vector<1x16xf32>
      tpu.vector_store %arg8[%swap3A, %swap3A_44], %swap3A_47 {strides = array<i32>} : memref<128x128xf32, #tpu.memory_space<vmem>>, vector<1x16xf32>,
      %swap3A_48 = arith.index_cast %scan3A_43 : i32 to index
      %swap3A_49 = arith.constant 16 : index
      %swap3A_50 = tpu.vector_load %arg8[%swap3A_48, %swap3A_49] {strides = array<i32>} : memref<128x128xf32, #tpu.memory_space<vmem>>, vector<1x16xf32>,
      %swap3A_51 = vector.shape_cast %swap3A_50 : vector<1x16xf32> to vector<16xf32>
      %swap3A_52 = vector.shape_cast %broadcast_in_dim3A_2 : vector<16xf32> to vector<1x16xf32>
      tpu.vector_store %arg8[%swap3A_48, %swap3A_49], %swap3A_52 {strides = array<i32>} : memref<128x128xf32, #tpu.memory_space<vmem>>, vector<1x16xf32>,
      %swap3A_53 = arith.index_cast %scan3A_43 : i32 to index
      %swap3A_54 = arith.constant 32 : index
      %swap3A_55 = tpu.vector_load %arg8[%swap3A_53, %swap3A_54] {strides = array<i32>} : memref<128x128xf32, #tpu.memory_space<vmem>>, vector<1x16xf32>,
      %swap3A_56 = vector.shape_cast %swap3A_55 : vector<1x16xf32> to vector<16xf32>
      %swap3A_57 = vector.shape_cast %broadcast_in_dim3A_2 : vector<16xf32> to vector<1x16xf32>
      tpu.vector_store %arg8[%swap3A_53, %swap3A_54], %swap3A_57 {strides = array<i32>} : memref<128x128xf32, #tpu.memory_space<vmem>>, vector<1x16xf32>,
      %swap3A_58 = arith.index_cast %scan3A_43 : i32 to index
      %swap3A_59 = arith.constant 48 : index
      %swap3A_60 = tpu.vector_load %arg8[%swap3A_58, %swap3A_59] {strides = array<i32>} : memref<128x128xf32, #tpu.memory_space<vmem>>, vector<1x16xf32>,
      %swap3A_61 = vector.shape_cast %swap3A_60 : vector<1x16xf32> to vector<16xf32>
      %swap3A_62 = vector.shape_cast %broadcast_in_dim3A_2 : vector<16xf32> to vector<1x16xf32>
      tpu.vector_store %arg8[%swap3A_58, %swap3A_59], %swap3A_62 {strides = array<i32>} : memref<128x128xf32, #tpu.memory_space<vmem>>, vector<1x16xf32>,
      %swap3A_63 = arith.index_cast %scan3A_43 : i32 to index
      %swap3A_64 = arith.constant 64 : index
      %swap3A_65 = tpu.vector_load %arg8[%swap3A_63, %swap3A_64] {strides = array<i32>} : memref<128x128xf32, #tpu.memory_space<vmem>>, vector<1x16xf32>,
      %swap3A_66 = vector.shape_cast %swap3A_65 : vector<1x16xf32> to vector<16xf32>
      %swap3A_67 = vector.shape_cast %broadcast_in_dim3A_2 : vector<16xf32> to vector<1x16xf32>
      tpu.vector_store %arg8[%swap3A_63, %swap3A_64], %swap3A_67 {strides = array<i32>} : memref<128x128xf32, #tpu.memory_space<vmem>>, vector<1x16xf32>,
      %swap3A_68 = arith.index_cast %scan3A_43 : i32 to index
      %swap3A_69 = arith.constant 80 : index
      %swap3A_70 = tpu.vector_load %arg8[%swap3A_68, %swap3A_69] {strides = array<i32>} : memref<128x128xf32, #tpu.memory_space<vmem>>, vector<1x16xf32>,
      %swap3A_71 = vector.shape_cast %swap3A_70 : vector<1x16xf32> to vector<16xf32>
      %swap3A_72 = vector.shape_cast %broadcast_in_dim3A_2 : vector<16xf32> to vector<1x16xf32>
      tpu.vector_store %arg8[%swap3A_68, %swap3A_69], %swap3A_72 {strides = array<i32>} : memref<128x128xf32, #tpu.memory_space<vmem>>, vector<1x16xf32>,
      %swap3A_73 = arith.index_cast %scan3A_43 : i32 to index
      %swap3A_74 = arith.constant 96 : index
      %swap3A_75 = tpu.vector_load %arg8[%swap3A_73, %swap3A_74] {strides = array<i32>} : memref<128x128xf32, #tpu.memory_space<vmem>>, vector<1x16xf32>,
      %swap3A_76 = vector.shape_cast %swap3A_75 : vector<1x16xf32> to vector<16xf32>
      %swap3A_77 = vector.shape_cast %broadcast_in_dim3A_2 : vector<16xf32> to vector<1x16xf32>
      tpu.vector_store %arg8[%swap3A_73, %swap3A_74], %swap3A_77 {strides = array<i32>} : memref<128x128xf32, #tpu.memory_space<vmem>>, vector<1x16xf32>,
      %swap3A_78 = arith.index_cast %scan3A_43 : i32 to index
      %swap3A_79 = arith.constant 112 : index
      %swap3A_80 = tpu.vector_load %arg8[%swap3A_78, %swap3A_79] {strides = array<i32>} : memref<128x128xf32, #tpu.memory_space<vmem>>, vector<1x16xf32>,
      %swap3A_81 = vector.shape_cast %swap3A_80 : vector<1x16xf32> to vector<16xf32>
      %swap3A_82 = vector.shape_cast %broadcast_in_dim3A_2 : vector<16xf32> to vector<1x16xf32>
      tpu.vector_store %arg8[%swap3A_78, %swap3A_79], %swap3A_82 {strides = array<i32>} : memref<128x128xf32, #tpu.memory_space<vmem>>, vector<1x16xf32>,
    }
    %scan3A_7 = arith.constant 128 : i32
    %mul3A = arith.constant 640 : i32
    %mul3A_8 = arith.muli %arg1, %mul3A : i32
    %add3A = arith.constant 0 : i32
    %add3A_9 = arith.addi %mul3A_8, %add3A : i32
    "tpu.region"() ({
      %run_scoped3A = tpu.sem_alloc : memref<!tpu.dma_semaphore, #tpu.memory_space<semaphore_mem>>
      %dma_start3A = arith.constant 0 : i32
      %dma_start3A_43 = tpu.memref_slice %arg9[%add3A_9, %dma_start3A] : memref<10240x128xf32, #tpu.memory_space<vmem_shared>> -> memref<128x128xf32, #tpu.memory_space<vmem_shared>>
      %dma_start3A_44 = arith.constant 0 : i32
      %dma_start3A_45 = tpu.memref_slice %arg9[%add3A_9, %dma_start3A_44] : memref<10240x128xf32, #tpu.memory_space<vmem_shared>> -> memref<128x128xf32, #tpu.memory_space<vmem_shared>>
      tpu.enqueue_dma source(%arg8 : memref<128x128xf32, #tpu.memory_space<vmem>>) target(%dma_start3A_45 : memref<128x128xf32, #tpu.memory_space<vmem_shared>>) target_semaphore(%run_scoped3A : memref<!tpu.dma_semaphore, #tpu.memory_space<semaphore_mem>>)
      %dma_wait3A = arith.constant 0 : i32
      %dma_wait3A_46 = tpu.memref_slice %arg9[%add3A_9, %dma_wait3A] : memref<10240x128xf32, #tpu.memory_space<vmem_shared>> -> memref<128x128xf32, #tpu.memory_space<vmem_shared>>
      %dma_wait3A_47 = arith.constant 0 : i32
      %dma_wait3A_48 = tpu.memref_slice %arg9[%add3A_9, %dma_wait3A_47] : memref<10240x128xf32, #tpu.memory_space<vmem_shared>> -> memref<128x128xf32, #tpu.memory_space<vmem_shared>>
      tpu.wait_dma2 semaphore(%run_scoped3A : memref<!tpu.dma_semaphore, #tpu.memory_space<semaphore_mem>>) src(%arg8 : memref<128x128xf32, #tpu.memory_space<vmem>>) dst(%dma_wait3A_48 : memref<128x128xf32, #tpu.memory_space<vmem_shared>>)
      tpu.yield
    }) : () -> ()
    %mul3A_10 = arith.constant 640 : i32
    %mul3A_11 = arith.muli %arg1, %mul3A_10 : i32
    %add3A_12 = arith.constant 128 : i32
    %add3A_13 = arith.addi %mul3A_11, %add3A_12 : i32
    "tpu.region"() ({
      %run_scoped3A = tpu.sem_alloc : memref<!tpu.dma_semaphore, #tpu.memory_space<semaphore_mem>>
      %dma_start3A = arith.constant 0 : i32
      %dma_start3A_43 = tpu.memref_slice %arg9[%add3A_13, %dma_start3A] : memref<10240x128xf32, #tpu.memory_space<vmem_shared>> -> memref<128x128xf32, #tpu.memory_space<vmem_shared>>
      %dma_start3A_44 = arith.constant 0 : i32
      %dma_start3A_45 = tpu.memref_slice %arg9[%add3A_13, %dma_start3A_44] : memref<10240x128xf32, #tpu.memory_space<vmem_shared>> -> memref<128x128xf32, #tpu.memory_space<vmem_shared>>
      tpu.enqueue_dma source(%arg8 : memref<128x128xf32, #tpu.memory_space<vmem>>) target(%dma_start3A_45 : memref<128x128xf32, #tpu.memory_space<vmem_shared>>) target_semaphore(%run_scoped3A : memref<!tpu.dma_semaphore, #tpu.memory_space<semaphore_mem>>)
      %dma_wait3A = arith.constant 0 : i32
      %dma_wait3A_46 = tpu.memref_slice %arg9[%add3A_13, %dma_wait3A] : memref<10240x128xf32, #tpu.memory_space<vmem_shared>> -> memref<128x128xf32, #tpu.memory_space<vmem_shared>>
      %dma_wait3A_47 = arith.constant 0 : i32
      %dma_wait3A_48 = tpu.memref_slice %arg9[%add3A_13, %dma_wait3A_47] : memref<10240x128xf32, #tpu.memory_space<vmem_shared>> -> memref<128x128xf32, #tpu.memory_space<vmem_shared>>
      tpu.wait_dma2 semaphore(%run_scoped3A : memref<!tpu.dma_semaphore, #tpu.memory_space<semaphore_mem>>) src(%arg8 : memref<128x128xf32, #tpu.memory_space<vmem>>) dst(%dma_wait3A_48 : memref<128x128xf32, #tpu.memory_space<vmem_shared>>)
      tpu.yield
    }) : () -> ()
    %mul3A_14 = arith.constant 640 : i32
    %mul3A_15 = arith.muli %arg1, %mul3A_14 : i32
    %add3A_16 = arith.constant 256 : i32
    %add3A_17 = arith.addi %mul3A_15, %add3A_16 : i32
    "tpu.region"() ({
      %run_scoped3A = tpu.sem_alloc : memref<!tpu.dma_semaphore, #tpu.memory_space<semaphore_mem>>
      %dma_start3A = arith.constant 0 : i32
      %dma_start3A_43 = tpu.memref_slice %arg9[%add3A_17, %dma_start3A] : memref<10240x128xf32, #tpu.memory_space<vmem_shared>> -> memref<128x128xf32, #tpu.memory_space<vmem_shared>>
      %dma_start3A_44 = arith.constant 0 : i32
      %dma_start3A_45 = tpu.memref_slice %arg9[%add3A_17, %dma_start3A_44] : memref<10240x128xf32, #tpu.memory_space<vmem_shared>> -> memref<128x128xf32, #tpu.memory_space<vmem_shared>>
      tpu.enqueue_dma source(%arg8 : memref<128x128xf32, #tpu.memory_space<vmem>>) target(%dma_start3A_45 : memref<128x128xf32, #tpu.memory_space<vmem_shared>>) target_semaphore(%run_scoped3A : memref<!tpu.dma_semaphore, #tpu.memory_space<semaphore_mem>>)
      %dma_wait3A = arith.constant 0 : i32
      %dma_wait3A_46 = tpu.memref_slice %arg9[%add3A_17, %dma_wait3A] : memref<10240x128xf32, #tpu.memory_space<vmem_shared>> -> memref<128x128xf32, #tpu.memory_space<vmem_shared>>
      %dma_wait3A_47 = arith.constant 0 : i32
      %dma_wait3A_48 = tpu.memref_slice %arg9[%add3A_17, %dma_wait3A_47] : memref<10240x128xf32, #tpu.memory_space<vmem_shared>> -> memref<128x128xf32, #tpu.memory_space<vmem_shared>>
      tpu.wait_dma2 semaphore(%run_scoped3A : memref<!tpu.dma_semaphore, #tpu.memory_space<semaphore_mem>>) src(%arg8 : memref<128x128xf32, #tpu.memory_space<vmem>>) dst(%dma_wait3A_48 : memref<128x128xf32, #tpu.memory_space<vmem_shared>>)
      tpu.yield
    }) : () -> ()
    %mul3A_18 = arith.constant 640 : i32
    %mul3A_19 = arith.muli %arg1, %mul3A_18 : i32
    %add3A_20 = arith.constant 384 : i32
    %add3A_21 = arith.addi %mul3A_19, %add3A_20 : i32
    "tpu.region"() ({
      %run_scoped3A = tpu.sem_alloc : memref<!tpu.dma_semaphore, #tpu.memory_space<semaphore_mem>>
      %dma_start3A = arith.constant 0 : i32
      %dma_start3A_43 = tpu.memref_slice %arg9[%add3A_21, %dma_start3A] : memref<10240x128xf32, #tpu.memory_space<vmem_shared>> -> memref<128x128xf32, #tpu.memory_space<vmem_shared>>
      %dma_start3A_44 = arith.constant 0 : i32
      %dma_start3A_45 = tpu.memref_slice %arg9[%add3A_21, %dma_start3A_44] : memref<10240x128xf32, #tpu.memory_space<vmem_shared>> -> memref<128x128xf32, #tpu.memory_space<vmem_shared>>
      tpu.enqueue_dma source(%arg8 : memref<128x128xf32, #tpu.memory_space<vmem>>) target(%dma_start3A_45 : memref<128x128xf32, #tpu.memory_space<vmem_shared>>) target_semaphore(%run_scoped3A : memref<!tpu.dma_semaphore, #tpu.memory_space<semaphore_mem>>)
      %dma_wait3A = arith.constant 0 : i32
      %dma_wait3A_46 = tpu.memref_slice %arg9[%add3A_21, %dma_wait3A] : memref<10240x128xf32, #tpu.memory_space<vmem_shared>> -> memref<128x128xf32, #tpu.memory_space<vmem_shared>>
      %dma_wait3A_47 = arith.constant 0 : i32
      %dma_wait3A_48 = tpu.memref_slice %arg9[%add3A_21, %dma_wait3A_47] : memref<10240x128xf32, #tpu.memory_space<vmem_shared>> -> memref<128x128xf32, #tpu.memory_space<vmem_shared>>
      tpu.wait_dma2 semaphore(%run_scoped3A : memref<!tpu.dma_semaphore, #tpu.memory_space<semaphore_mem>>) src(%arg8 : memref<128x128xf32, #tpu.memory_space<vmem>>) dst(%dma_wait3A_48 : memref<128x128xf32, #tpu.memory_space<vmem_shared>>)
      tpu.yield
    }) : () -> ()
    %mul3A_22 = arith.constant 640 : i32
    %mul3A_23 = arith.muli %arg1, %mul3A_22 : i32
    %add3A_24 = arith.constant 512 : i32
    %add3A_25 = arith.addi %mul3A_23, %add3A_24 : i32
    "tpu.region"() ({
      %run_scoped3A = tpu.sem_alloc : memref<!tpu.dma_semaphore, #tpu.memory_space<semaphore_mem>>
      %dma_start3A = arith.constant 0 : i32
      %dma_start3A_43 = tpu.memref_slice %arg9[%add3A_25, %dma_start3A] : memref<10240x128xf32, #tpu.memory_space<vmem_shared>> -> memref<128x128xf32, #tpu.memory_space<vmem_shared>>
      %dma_start3A_44 = arith.constant 0 : i32
      %dma_start3A_45 = tpu.memref_slice %arg9[%add3A_25, %dma_start3A_44] : memref<10240x128xf32, #tpu.memory_space<vmem_shared>> -> memref<128x128xf32, #tpu.memory_space<vmem_shared>>
      tpu.enqueue_dma source(%arg8 : memref<128x128xf32, #tpu.memory_space<vmem>>) target(%dma_start3A_45 : memref<128x128xf32, #tpu.memory_space<vmem_shared>>) target_semaphore(%run_scoped3A : memref<!tpu.dma_semaphore, #tpu.memory_space<semaphore_mem>>)
      %dma_wait3A = arith.constant 0 : i32
      %dma_wait3A_46 = tpu.memref_slice %arg9[%add3A_25, %dma_wait3A] : memref<10240x128xf32, #tpu.memory_space<vmem_shared>> -> memref<128x128xf32, #tpu.memory_space<vmem_shared>>
      %dma_wait3A_47 = arith.constant 0 : i32
      %dma_wait3A_48 = tpu.memref_slice %arg9[%add3A_25, %dma_wait3A_47] : memref<10240x128xf32, #tpu.memory_space<vmem_shared>> -> memref<128x128xf32, #tpu.memory_space<vmem_shared>>
      tpu.wait_dma2 semaphore(%run_scoped3A : memref<!tpu.dma_semaphore, #tpu.memory_space<semaphore_mem>>) src(%arg8 : memref<128x128xf32, #tpu.memory_space<vmem>>) dst(%dma_wait3A_48 : memref<128x128xf32, #tpu.memory_space<vmem_shared>>)
      tpu.yield
    }) : () -> ()
    %barrier3A = arith.constant 0 : index
    tpu.barrier barrier_id(%barrier3A)
    "tpu.region"() ({
      %run_scoped3A = tpu.sem_alloc : memref<!tpu.dma_semaphore, #tpu.memory_space<semaphore_mem>>
      %dma_start3A = arith.constant 0 : i32
      %dma_start3A_43 = arith.constant 0 : i32
      %dma_start3A_44 = tpu.memref_slice %arg3[%arg0, %arg1, %dma_start3A, %dma_start3A_43] : memref<2x16x101x128xi32, #tpu.memory_space<hbm>> -> memref<1x1x101x128xi32, #tpu.memory_space<hbm>>
      %dma_start3A_45 = tpu.memref_squeeze %dma_start3A_44 : memref<1x1x101x128xi32, #tpu.memory_space<hbm>> -> memref<101x128xi32, #tpu.memory_space<hbm>>
      %dma_start3A_46 = arith.constant 0 : i32
      %dma_start3A_47 = arith.constant 0 : i32
      %dma_start3A_48 = tpu.memref_slice %arg3[%arg0, %arg1, %dma_start3A_46, %dma_start3A_47] : memref<2x16x101x128xi32, #tpu.memory_space<hbm>> -> memref<1x1x101x128xi32, #tpu.memory_space<hbm>>
      %dma_start3A_49 = tpu.memref_squeeze %dma_start3A_48 : memref<1x1x101x128xi32, #tpu.memory_space<hbm>> -> memref<101x128xi32, #tpu.memory_space<hbm>>
      tpu.enqueue_dma source(%dma_start3A_49 : memref<101x128xi32, #tpu.memory_space<hbm>>) target(%arg6 : memref<101x128xi32, #tpu.memory_space<vmem>>) target_semaphore(%run_scoped3A : memref<!tpu.dma_semaphore, #tpu.memory_space<semaphore_mem>>)
      %dma_wait3A = arith.constant 0 : i32
      %dma_wait3A_50 = arith.constant 0 : i32
      %dma_wait3A_51 = tpu.memref_slice %arg3[%arg0, %arg1, %dma_wait3A, %dma_wait3A_50] : memref<2x16x101x128xi32, #tpu.memory_space<hbm>> -> memref<1x1x101x128xi32, #tpu.memory_space<hbm>>
      %dma_wait3A_52 = tpu.memref_squeeze %dma_wait3A_51 : memref<1x1x101x128xi32, #tpu.memory_space<hbm>> -> memref<101x128xi32, #tpu.memory_space<hbm>>
      %dma_wait3A_53 = arith.constant 0 : i32
      %dma_wait3A_54 = arith.constant 0 : i32
      %dma_wait3A_55 = tpu.memref_slice %arg3[%arg0, %arg1, %dma_wait3A_53, %dma_wait3A_54] : memref<2x16x101x128xi32, #tpu.memory_space<hbm>> -> memref<1x1x101x128xi32, #tpu.memory_space<hbm>>
      %dma_wait3A_56 = tpu.memref_squeeze %dma_wait3A_55 : memref<1x1x101x128xi32, #tpu.memory_space<hbm>> -> memref<101x128xi32, #tpu.memory_space<hbm>>
      tpu.wait_dma2 semaphore(%run_scoped3A : memref<!tpu.dma_semaphore, #tpu.memory_space<semaphore_mem>>) src(%dma_wait3A_56 : memref<101x128xi32, #tpu.memory_space<hbm>>) dst(%arg6 : memref<101x128xi32, #tpu.memory_space<vmem>>)
      tpu.yield
    }) : () -> ()
    "tpu.region"() ({
      %run_scoped3A = tpu.sem_alloc : memref<!tpu.dma_semaphore, #tpu.memory_space<semaphore_mem>>
      %dma_start3A = arith.constant 0 : i32
      %dma_start3A_43 = arith.constant 0 : i32
      %dma_start3A_44 = tpu.memref_slice %arg4[%arg0, %arg1, %dma_start3A, %dma_start3A_43] : memref<2x16x101x128xi32, #tpu.memory_space<hbm>> -> memref<1x1x101x128xi32, #tpu.memory_space<hbm>>
      %dma_start3A_45 = tpu.memref_squeeze %dma_start3A_44 : memref<1x1x101x128xi32, #tpu.memory_space<hbm>> -> memref<101x128xi32, #tpu.memory_space<hbm>>
      %dma_start3A_46 = arith.constant 0 : i32
      %dma_start3A_47 = arith.constant 0 : i32
      %dma_start3A_48 = tpu.memref_slice %arg4[%arg0, %arg1, %dma_start3A_46, %dma_start3A_47] : memref<2x16x101x128xi32, #tpu.memory_space<hbm>> -> memref<1x1x101x128xi32, #tpu.memory_space<hbm>>
      %dma_start3A_49 = tpu.memref_squeeze %dma_start3A_48 : memref<1x1x101x128xi32, #tpu.memory_space<hbm>> -> memref<101x128xi32, #tpu.memory_space<hbm>>
      tpu.enqueue_dma source(%dma_start3A_49 : memref<101x128xi32, #tpu.memory_space<hbm>>) target(%arg7 : memref<101x128xi32, #tpu.memory_space<vmem>>) target_semaphore(%run_scoped3A : memref<!tpu.dma_semaphore, #tpu.memory_space<semaphore_mem>>)
      %dma_wait3A = arith.constant 0 : i32
      %dma_wait3A_50 = arith.constant 0 : i32
      %dma_wait3A_51 = tpu.memref_slice %arg4[%arg0, %arg1, %dma_wait3A, %dma_wait3A_50] : memref<2x16x101x128xi32, #tpu.memory_space<hbm>> -> memref<1x1x101x128xi32, #tpu.memory_space<hbm>>
      %dma_wait3A_52 = tpu.memref_squeeze %dma_wait3A_51 : memref<1x1x101x128xi32, #tpu.memory_space<hbm>> -> memref<101x128xi32, #tpu.memory_space<hbm>>
      %dma_wait3A_53 = arith.constant 0 : i32
      %dma_wait3A_54 = arith.constant 0 : i32
      %dma_wait3A_55 = tpu.memref_slice %arg4[%arg0, %arg1, %dma_wait3A_53, %dma_wait3A_54] : memref<2x16x101x128xi32, #tpu.memory_space<hbm>> -> memref<1x1x101x128xi32, #tpu.memory_space<hbm>>
      %dma_wait3A_56 = tpu.memref_squeeze %dma_wait3A_55 : memref<1x1x101x128xi32, #tpu.memory_space<hbm>> -> memref<101x128xi32, #tpu.memory_space<hbm>>
      tpu.wait_dma2 semaphore(%run_scoped3A : memref<!tpu.dma_semaphore, #tpu.memory_space<semaphore_mem>>) src(%dma_wait3A_56 : memref<101x128xi32, #tpu.memory_space<hbm>>) dst(%arg7 : memref<101x128xi32, #tpu.memory_space<vmem>>)
      tpu.yield
    }) : () -> ()
    %while3A = arith.constant 0 : i32
    %while3A_26 = arith.constant 0 : i32
    %while3A_27 = arith.subi %select_n3A, %while3A_26 : i32
    %while3A_28 = arith.addi %while3A_26, %while3A_27 : i32
    %while3A_29 = arith.constant 1 : i32
    %while3A_30 = arith.divsi %while3A_27, %while3A_29 : i32
    %while3A_31 = arith.muli %while3A_30, %while3A_29 : i32
    %while3A_32 = arith.addi %while3A_26, %while3A_31 : i32
    %while3A_33 = arith.constant 1 : i32
    scf.for %while3A_43 = %while3A_26 to %while3A_32 step %while3A_33  : i32 {
      %dma_start3A = arith.constant 0 : i32
      %dma_start3A_44 = arith.constant 0 : i32
      %dma_start3A_45 = tpu.memref_slice %arg8[%dma_start3A, %dma_start3A_44] : memref<128x128xf32, #tpu.memory_space<vmem>> -> memref<32x128xf32, #tpu.memory_space<vmem>>
      %dma_start3A_46 = arith.constant 0 : i32
      %dma_start3A_47 = tpu.memref_slice %arg6[%while3A_43, %dma_start3A_46] : memref<101x128xi32, #tpu.memory_space<vmem>> -> memref<1x32xi32, #tpu.memory_space<vmem>>
      %dma_start3A_48 = tpu.memref_squeeze %dma_start3A_47 : memref<1x32xi32, #tpu.memory_space<vmem>> -> memref<32xi32, #tpu.memory_space<vmem>>
      %dma_start3A_49 = arith.constant 0 : i32
      %dma_start3A_50 = arith.constant 0 : i32
      %dma_start3A_51 = tpu.memref_slice %arg2[%dma_start3A_49, %dma_start3A_50] : memref<10000x128xf32, #tpu.memory_space<hbm>> -> memref<10000x128xf32, #tpu.memory_space<hbm>>
      tpu.enqueue_indirect_dma source(%dma_start3A_51 : memref<10000x128xf32, #tpu.memory_space<hbm>>) target(%dma_start3A_45 : memref<32x128xf32, #tpu.memory_space<vmem>>) offsets(%dma_start3A_48 : memref<32xi32, #tpu.memory_space<vmem>>) semaphore(%arg10 : memref<!tpu.dma_semaphore, #tpu.memory_space<semaphore_mem>>)
      %dma_start3A_52 = arith.constant 32 : i32
      %dma_start3A_53 = arith.constant 0 : i32
      %dma_start3A_54 = tpu.memref_slice %arg8[%dma_start3A_52, %dma_start3A_53] : memref<128x128xf32, #tpu.memory_space<vmem>> -> memref<32x128xf32, #tpu.memory_space<vmem>>
      %dma_start3A_55 = arith.constant 32 : i32
      %dma_start3A_56 = tpu.memref_slice %arg6[%while3A_43, %dma_start3A_55] : memref<101x128xi32, #tpu.memory_space<vmem>> -> memref<1x32xi32, #tpu.memory_space<vmem>>
      %dma_start3A_57 = tpu.memref_squeeze %dma_start3A_56 : memref<1x32xi32, #tpu.memory_space<vmem>> -> memref<32xi32, #tpu.memory_space<vmem>>
      %dma_start3A_58 = arith.constant 0 : i32
      %dma_start3A_59 = arith.constant 0 : i32
      %dma_start3A_60 = tpu.memref_slice %arg2[%dma_start3A_58, %dma_start3A_59] : memref<10000x128xf32, #tpu.memory_space<hbm>> -> memref<10000x128xf32, #tpu.memory_space<hbm>>
      tpu.enqueue_indirect_dma source(%dma_start3A_60 : memref<10000x128xf32, #tpu.memory_space<hbm>>) target(%dma_start3A_54 : memref<32x128xf32, #tpu.memory_space<vmem>>) offsets(%dma_start3A_57 : memref<32xi32, #tpu.memory_space<vmem>>) semaphore(%arg11 : memref<!tpu.dma_semaphore, #tpu.memory_space<semaphore_mem>>)
      %dma_start3A_61 = arith.constant 64 : i32
      %dma_start3A_62 = arith.constant 0 : i32
      %dma_start3A_63 = tpu.memref_slice %arg8[%dma_start3A_61, %dma_start3A_62] : memref<128x128xf32, #tpu.memory_space<vmem>> -> memref<32x128xf32, #tpu.memory_space<vmem>>
      %dma_start3A_64 = arith.constant 64 : i32
      %dma_start3A_65 = tpu.memref_slice %arg6[%while3A_43, %dma_start3A_64] : memref<101x128xi32, #tpu.memory_space<vmem>> -> memref<1x32xi32, #tpu.memory_space<vmem>>
      %dma_start3A_66 = tpu.memref_squeeze %dma_start3A_65 : memref<1x32xi32, #tpu.memory_space<vmem>> -> memref<32xi32, #tpu.memory_space<vmem>>
      %dma_start3A_67 = arith.constant 0 : i32
      %dma_start3A_68 = arith.constant 0 : i32
      %dma_start3A_69 = tpu.memref_slice %arg2[%dma_start3A_67, %dma_start3A_68] : memref<10000x128xf32, #tpu.memory_space<hbm>> -> memref<10000x128xf32, #tpu.memory_space<hbm>>
      tpu.enqueue_indirect_dma source(%dma_start3A_69 : memref<10000x128xf32, #tpu.memory_space<hbm>>) target(%dma_start3A_63 : memref<32x128xf32, #tpu.memory_space<vmem>>) offsets(%dma_start3A_66 : memref<32xi32, #tpu.memory_space<vmem>>) semaphore(%arg12 : memref<!tpu.dma_semaphore, #tpu.memory_space<semaphore_mem>>)
      %dma_start3A_70 = arith.constant 96 : i32
      %dma_start3A_71 = arith.constant 0 : i32
      %dma_start3A_72 = tpu.memref_slice %arg8[%dma_start3A_70, %dma_start3A_71] : memref<128x128xf32, #tpu.memory_space<vmem>> -> memref<32x128xf32, #tpu.memory_space<vmem>>
      %dma_start3A_73 = arith.constant 96 : i32
      %dma_start3A_74 = tpu.memref_slice %arg6[%while3A_43, %dma_start3A_73] : memref<101x128xi32, #tpu.memory_space<vmem>> -> memref<1x32xi32, #tpu.memory_space<vmem>>
      %dma_start3A_75 = tpu.memref_squeeze %dma_start3A_74 : memref<1x32xi32, #tpu.memory_space<vmem>> -> memref<32xi32, #tpu.memory_space<vmem>>
      %dma_start3A_76 = arith.constant 0 : i32
      %dma_start3A_77 = arith.constant 0 : i32
      %dma_start3A_78 = tpu.memref_slice %arg2[%dma_start3A_76, %dma_start3A_77] : memref<10000x128xf32, #tpu.memory_space<hbm>> -> memref<10000x128xf32, #tpu.memory_space<hbm>>
      tpu.enqueue_indirect_dma source(%dma_start3A_78 : memref<10000x128xf32, #tpu.memory_space<hbm>>) target(%dma_start3A_72 : memref<32x128xf32, #tpu.memory_space<vmem>>) offsets(%dma_start3A_75 : memref<32xi32, #tpu.memory_space<vmem>>) semaphore(%arg13 : memref<!tpu.dma_semaphore, #tpu.memory_space<semaphore_mem>>)
      %dma_wait3A = arith.constant 0 : i32
      %dma_wait3A_79 = arith.constant 0 : i32
      %dma_wait3A_80 = tpu.memref_slice %arg8[%dma_wait3A, %dma_wait3A_79] : memref<128x128xf32, #tpu.memory_space<vmem>> -> memref<32x128xf32, #tpu.memory_space<vmem>>
      %dma_wait3A_81 = arith.constant 0 : i32
      %dma_wait3A_82 = tpu.memref_slice %arg6[%while3A_43, %dma_wait3A_81] : memref<101x128xi32, #tpu.memory_space<vmem>> -> memref<1x32xi32, #tpu.memory_space<vmem>>
      %dma_wait3A_83 = tpu.memref_squeeze %dma_wait3A_82 : memref<1x32xi32, #tpu.memory_space<vmem>> -> memref<32xi32, #tpu.memory_space<vmem>>
      %dma_wait3A_84 = arith.constant 0 : i32
      %dma_wait3A_85 = arith.constant 0 : i32
      %dma_wait3A_86 = tpu.memref_slice %arg2[%dma_wait3A_84, %dma_wait3A_85] : memref<10000x128xf32, #tpu.memory_space<hbm>> -> memref<10000x128xf32, #tpu.memory_space<hbm>>
      tpu.wait_indirect_dma semaphore(%arg10 : memref<!tpu.dma_semaphore, #tpu.memory_space<semaphore_mem>>) src(%dma_wait3A_86 : memref<10000x128xf32, #tpu.memory_space<hbm>>) dst(%dma_wait3A_80 : memref<32x128xf32, #tpu.memory_space<vmem>>)
      %dma_wait3A_87 = arith.constant 32 : i32
      %dma_wait3A_88 = arith.constant 0 : i32
      %dma_wait3A_89 = tpu.memref_slice %arg8[%dma_wait3A_87, %dma_wait3A_88] : memref<128x128xf32, #tpu.memory_space<vmem>> -> memref<32x128xf32, #tpu.memory_space<vmem>>
      %dma_wait3A_90 = arith.constant 32 : i32
      %dma_wait3A_91 = tpu.memref_slice %arg6[%while3A_43, %dma_wait3A_90] : memref<101x128xi32, #tpu.memory_space<vmem>> -> memref<1x32xi32, #tpu.memory_space<vmem>>
      %dma_wait3A_92 = tpu.memref_squeeze %dma_wait3A_91 : memref<1x32xi32, #tpu.memory_space<vmem>> -> memref<32xi32, #tpu.memory_space<vmem>>
      %dma_wait3A_93 = arith.constant 0 : i32
      %dma_wait3A_94 = arith.constant 0 : i32
      %dma_wait3A_95 = tpu.memref_slice %arg2[%dma_wait3A_93, %dma_wait3A_94] : memref<10000x128xf32, #tpu.memory_space<hbm>> -> memref<10000x128xf32, #tpu.memory_space<hbm>>
      tpu.wait_indirect_dma semaphore(%arg11 : memref<!tpu.dma_semaphore, #tpu.memory_space<semaphore_mem>>) src(%dma_wait3A_95 : memref<10000x128xf32, #tpu.memory_space<hbm>>) dst(%dma_wait3A_89 : memref<32x128xf32, #tpu.memory_space<vmem>>)
      %dma_wait3A_96 = arith.constant 64 : i32
      %dma_wait3A_97 = arith.constant 0 : i32
      %dma_wait3A_98 = tpu.memref_slice %arg8[%dma_wait3A_96, %dma_wait3A_97] : memref<128x128xf32, #tpu.memory_space<vmem>> -> memref<32x128xf32, #tpu.memory_space<vmem>>
      %dma_wait3A_99 = arith.constant 64 : i32
      %dma_wait3A_100 = tpu.memref_slice %arg6[%while3A_43, %dma_wait3A_99] : memref<101x128xi32, #tpu.memory_space<vmem>> -> memref<1x32xi32, #tpu.memory_space<vmem>>
      %dma_wait3A_101 = tpu.memref_squeeze %dma_wait3A_100 : memref<1x32xi32, #tpu.memory_space<vmem>> -> memref<32xi32, #tpu.memory_space<vmem>>
      %dma_wait3A_102 = arith.constant 0 : i32
      %dma_wait3A_103 = arith.constant 0 : i32
      %dma_wait3A_104 = tpu.memref_slice %arg2[%dma_wait3A_102, %dma_wait3A_103] : memref<10000x128xf32, #tpu.memory_space<hbm>> -> memref<10000x128xf32, #tpu.memory_space<hbm>>
      tpu.wait_indirect_dma semaphore(%arg12 : memref<!tpu.dma_semaphore, #tpu.memory_space<semaphore_mem>>) src(%dma_wait3A_104 : memref<10000x128xf32, #tpu.memory_space<hbm>>) dst(%dma_wait3A_98 : memref<32x128xf32, #tpu.memory_space<vmem>>)
      %dma_wait3A_105 = arith.constant 96 : i32
      %dma_wait3A_106 = arith.constant 0 : i32
      %dma_wait3A_107 = tpu.memref_slice %arg8[%dma_wait3A_105, %dma_wait3A_106] : memref<128x128xf32, #tpu.memory_space<vmem>> -> memref<32x128xf32, #tpu.memory_space<vmem>>
      %dma_wait3A_108 = arith.constant 96 : i32
      %dma_wait3A_109 = tpu.memref_slice %arg6[%while3A_43, %dma_wait3A_108] : memref<101x128xi32, #tpu.memory_space<vmem>> -> memref<1x32xi32, #tpu.memory_space<vmem>>
      %dma_wait3A_110 = tpu.memref_squeeze %dma_wait3A_109 : memref<1x32xi32, #tpu.memory_space<vmem>> -> memref<32xi32, #tpu.memory_space<vmem>>
      %dma_wait3A_111 = arith.constant 0 : i32
      %dma_wait3A_112 = arith.constant 0 : i32
      %dma_wait3A_113 = tpu.memref_slice %arg2[%dma_wait3A_111, %dma_wait3A_112] : memref<10000x128xf32, #tpu.memory_space<hbm>> -> memref<10000x128xf32, #tpu.memory_space<hbm>>
      tpu.wait_indirect_dma semaphore(%arg13 : memref<!tpu.dma_semaphore, #tpu.memory_space<semaphore_mem>>) src(%dma_wait3A_113 : memref<10000x128xf32, #tpu.memory_space<hbm>>) dst(%dma_wait3A_107 : memref<32x128xf32, #tpu.memory_space<vmem>>)
      "tpu.region"() ({
        %run_scoped3A = tpu.sem_alloc : memref<!tpu.dma_semaphore, #tpu.memory_space<semaphore_mem>>
        %dma_start3A_114 = arith.constant 0 : i32
        %dma_start3A_115 = tpu.memref_slice %arg7[%while3A_43, %dma_start3A_114] : memref<101x128xi32, #tpu.memory_space<vmem>> -> memref<1x128xi32, #tpu.memory_space<vmem>>
        %dma_start3A_116 = tpu.memref_squeeze %dma_start3A_115 : memref<1x128xi32, #tpu.memory_space<vmem>> -> memref<128xi32, #tpu.memory_space<vmem>>
        %dma_start3A_117 = arith.constant 0 : i32
        %dma_start3A_118 = arith.constant 0 : i32
        %dma_start3A_119 = tpu.memref_slice %arg9[%dma_start3A_117, %dma_start3A_118] : memref<10240x128xf32, #tpu.memory_space<vmem_shared>> -> memref<10240x128xf32, #tpu.memory_space<vmem_shared>>
        tpu.enqueue_indirect_dma source(%arg8 : memref<128x128xf32, #tpu.memory_space<vmem>>) target(%dma_start3A_119 : memref<10240x128xf32, #tpu.memory_space<vmem_shared>>) offsets(%dma_start3A_116 : memref<128xi32, #tpu.memory_space<vmem>>) semaphore(%run_scoped3A : memref<!tpu.dma_semaphore, #tpu.memory_space<semaphore_mem>>) {add = true}
        %dma_wait3A_120 = arith.constant 0 : i32
        %dma_wait3A_121 = tpu.memref_slice %arg7[%while3A_43, %dma_wait3A_120] : memref<101x128xi32, #tpu.memory_space<vmem>> -> memref<1x128xi32, #tpu.memory_space<vmem>>
        %dma_wait3A_122 = tpu.memref_squeeze %dma_wait3A_121 : memref<1x128xi32, #tpu.memory_space<vmem>> -> memref<128xi32, #tpu.memory_space<vmem>>
        %dma_wait3A_123 = arith.constant 0 : i32
        %dma_wait3A_124 = arith.constant 0 : i32
        %dma_wait3A_125 = tpu.memref_slice %arg9[%dma_wait3A_123, %dma_wait3A_124] : memref<10240x128xf32, #tpu.memory_space<vmem_shared>> -> memref<10240x128xf32, #tpu.memory_space<vmem_shared>>
        tpu.wait_indirect_dma semaphore(%run_scoped3A : memref<!tpu.dma_semaphore, #tpu.memory_space<semaphore_mem>>) src(%arg8 : memref<128x128xf32, #tpu.memory_space<vmem>>) dst(%dma_wait3A_125 : memref<10240x128xf32, #tpu.memory_space<vmem_shared>>)
        tpu.yield
      }) : () -> ()
    }
    %while3A_34 = arith.constant 1 : i32
    scf.for %while3A_43 = %while3A_32 to %while3A_28 step %while3A_34  : i32 {
      %dma_start3A = arith.constant 0 : i32
      %dma_start3A_44 = arith.constant 0 : i32
      %dma_start3A_45 = tpu.memref_slice %arg8[%dma_start3A, %dma_start3A_44] : memref<128x128xf32, #tpu.memory_space<vmem>> -> memref<32x128xf32, #tpu.memory_space<vmem>>
      %dma_start3A_46 = arith.constant 0 : i32
      %dma_start3A_47 = tpu.memref_slice %arg6[%while3A_43, %dma_start3A_46] : memref<101x128xi32, #tpu.memory_space<vmem>> -> memref<1x32xi32, #tpu.memory_space<vmem>>
      %dma_start3A_48 = tpu.memref_squeeze %dma_start3A_47 : memref<1x32xi32, #tpu.memory_space<vmem>> -> memref<32xi32, #tpu.memory_space<vmem>>
      %dma_start3A_49 = arith.constant 0 : i32
      %dma_start3A_50 = arith.constant 0 : i32
      %dma_start3A_51 = tpu.memref_slice %arg2[%dma_start3A_49, %dma_start3A_50] : memref<10000x128xf32, #tpu.memory_space<hbm>> -> memref<10000x128xf32, #tpu.memory_space<hbm>>
      tpu.enqueue_indirect_dma source(%dma_start3A_51 : memref<10000x128xf32, #tpu.memory_space<hbm>>) target(%dma_start3A_45 : memref<32x128xf32, #tpu.memory_space<vmem>>) offsets(%dma_start3A_48 : memref<32xi32, #tpu.memory_space<vmem>>) semaphore(%arg10 : memref<!tpu.dma_semaphore, #tpu.memory_space<semaphore_mem>>)
      %dma_start3A_52 = arith.constant 32 : i32
      %dma_start3A_53 = arith.constant 0 : i32
      %dma_start3A_54 = tpu.memref_slice %arg8[%dma_start3A_52, %dma_start3A_53] : memref<128x128xf32, #tpu.memory_space<vmem>> -> memref<32x128xf32, #tpu.memory_space<vmem>>
      %dma_start3A_55 = arith.constant 32 : i32
      %dma_start3A_56 = tpu.memref_slice %arg6[%while3A_43, %dma_start3A_55] : memref<101x128xi32, #tpu.memory_space<vmem>> -> memref<1x32xi32, #tpu.memory_space<vmem>>
      %dma_start3A_57 = tpu.memref_squeeze %dma_start3A_56 : memref<1x32xi32, #tpu.memory_space<vmem>> -> memref<32xi32, #tpu.memory_space<vmem>>
      %dma_start3A_58 = arith.constant 0 : i32
      %dma_start3A_59 = arith.constant 0 : i32
      %dma_start3A_60 = tpu.memref_slice %arg2[%dma_start3A_58, %dma_start3A_59] : memref<10000x128xf32, #tpu.memory_space<hbm>> -> memref<10000x128xf32, #tpu.memory_space<hbm>>
      tpu.enqueue_indirect_dma source(%dma_start3A_60 : memref<10000x128xf32, #tpu.memory_space<hbm>>) target(%dma_start3A_54 : memref<32x128xf32, #tpu.memory_space<vmem>>) offsets(%dma_start3A_57 : memref<32xi32, #tpu.memory_space<vmem>>) semaphore(%arg11 : memref<!tpu.dma_semaphore, #tpu.memory_space<semaphore_mem>>)
      %dma_start3A_61 = arith.constant 64 : i32
      %dma_start3A_62 = arith.constant 0 : i32
      %dma_start3A_63 = tpu.memref_slice %arg8[%dma_start3A_61, %dma_start3A_62] : memref<128x128xf32, #tpu.memory_space<vmem>> -> memref<32x128xf32, #tpu.memory_space<vmem>>
      %dma_start3A_64 = arith.constant 64 : i32
      %dma_start3A_65 = tpu.memref_slice %arg6[%while3A_43, %dma_start3A_64] : memref<101x128xi32, #tpu.memory_space<vmem>> -> memref<1x32xi32, #tpu.memory_space<vmem>>
      %dma_start3A_66 = tpu.memref_squeeze %dma_start3A_65 : memref<1x32xi32, #tpu.memory_space<vmem>> -> memref<32xi32, #tpu.memory_space<vmem>>
      %dma_start3A_67 = arith.constant 0 : i32
      %dma_start3A_68 = arith.constant 0 : i32
      %dma_start3A_69 = tpu.memref_slice %arg2[%dma_start3A_67, %dma_start3A_68] : memref<10000x128xf32, #tpu.memory_space<hbm>> -> memref<10000x128xf32, #tpu.memory_space<hbm>>
      tpu.enqueue_indirect_dma source(%dma_start3A_69 : memref<10000x128xf32, #tpu.memory_space<hbm>>) target(%dma_start3A_63 : memref<32x128xf32, #tpu.memory_space<vmem>>) offsets(%dma_start3A_66 : memref<32xi32, #tpu.memory_space<vmem>>) semaphore(%arg12 : memref<!tpu.dma_semaphore, #tpu.memory_space<semaphore_mem>>)
      %dma_start3A_70 = arith.constant 96 : i32
      %dma_start3A_71 = arith.constant 0 : i32
      %dma_start3A_72 = tpu.memref_slice %arg8[%dma_start3A_70, %dma_start3A_71] : memref<128x128xf32, #tpu.memory_space<vmem>> -> memref<32x128xf32, #tpu.memory_space<vmem>>
      %dma_start3A_73 = arith.constant 96 : i32
      %dma_start3A_74 = tpu.memref_slice %arg6[%while3A_43, %dma_start3A_73] : memref<101x128xi32, #tpu.memory_space<vmem>> -> memref<1x32xi32, #tpu.memory_space<vmem>>
      %dma_start3A_75 = tpu.memref_squeeze %dma_start3A_74 : memref<1x32xi32, #tpu.memory_space<vmem>> -> memref<32xi32, #tpu.memory_space<vmem>>
      %dma_start3A_76 = arith.constant 0 : i32
      %dma_start3A_77 = arith.constant 0 : i32
      %dma_start3A_78 = tpu.memref_slice %arg2[%dma_start3A_76, %dma_start3A_77] : memref<10000x128xf32, #tpu.memory_space<hbm>> -> memref<10000x128xf32, #tpu.memory_space<hbm>>
      tpu.enqueue_indirect_dma source(%dma_start3A_78 : memref<10000x128xf32, #tpu.memory_space<hbm>>) target(%dma_start3A_72 : memref<32x128xf32, #tpu.memory_space<vmem>>) offsets(%dma_start3A_75 : memref<32xi32, #tpu.memory_space<vmem>>) semaphore(%arg13 : memref<!tpu.dma_semaphore, #tpu.memory_space<semaphore_mem>>)
      %dma_wait3A = arith.constant 0 : i32
      %dma_wait3A_79 = arith.constant 0 : i32
      %dma_wait3A_80 = tpu.memref_slice %arg8[%dma_wait3A, %dma_wait3A_79] : memref<128x128xf32, #tpu.memory_space<vmem>> -> memref<32x128xf32, #tpu.memory_space<vmem>>
      %dma_wait3A_81 = arith.constant 0 : i32
      %dma_wait3A_82 = tpu.memref_slice %arg6[%while3A_43, %dma_wait3A_81] : memref<101x128xi32, #tpu.memory_space<vmem>> -> memref<1x32xi32, #tpu.memory_space<vmem>>
      %dma_wait3A_83 = tpu.memref_squeeze %dma_wait3A_82 : memref<1x32xi32, #tpu.memory_space<vmem>> -> memref<32xi32, #tpu.memory_space<vmem>>
      %dma_wait3A_84 = arith.constant 0 : i32
      %dma_wait3A_85 = arith.constant 0 : i32
      %dma_wait3A_86 = tpu.memref_slice %arg2[%dma_wait3A_84, %dma_wait3A_85] : memref<10000x128xf32, #tpu.memory_space<hbm>> -> memref<10000x128xf32, #tpu.memory_space<hbm>>
      tpu.wait_indirect_dma semaphore(%arg10 : memref<!tpu.dma_semaphore, #tpu.memory_space<semaphore_mem>>) src(%dma_wait3A_86 : memref<10000x128xf32, #tpu.memory_space<hbm>>) dst(%dma_wait3A_80 : memref<32x128xf32, #tpu.memory_space<vmem>>)
      %dma_wait3A_87 = arith.constant 32 : i32
      %dma_wait3A_88 = arith.constant 0 : i32
      %dma_wait3A_89 = tpu.memref_slice %arg8[%dma_wait3A_87, %dma_wait3A_88] : memref<128x128xf32, #tpu.memory_space<vmem>> -> memref<32x128xf32, #tpu.memory_space<vmem>>
      %dma_wait3A_90 = arith.constant 32 : i32
      %dma_wait3A_91 = tpu.memref_slice %arg6[%while3A_43, %dma_wait3A_90] : memref<101x128xi32, #tpu.memory_space<vmem>> -> memref<1x32xi32, #tpu.memory_space<vmem>>
      %dma_wait3A_92 = tpu.memref_squeeze %dma_wait3A_91 : memref<1x32xi32, #tpu.memory_space<vmem>> -> memref<32xi32, #tpu.memory_space<vmem>>
      %dma_wait3A_93 = arith.constant 0 : i32
      %dma_wait3A_94 = arith.constant 0 : i32
      %dma_wait3A_95 = tpu.memref_slice %arg2[%dma_wait3A_93, %dma_wait3A_94] : memref<10000x128xf32, #tpu.memory_space<hbm>> -> memref<10000x128xf32, #tpu.memory_space<hbm>>
      tpu.wait_indirect_dma semaphore(%arg11 : memref<!tpu.dma_semaphore, #tpu.memory_space<semaphore_mem>>) src(%dma_wait3A_95 : memref<10000x128xf32, #tpu.memory_space<hbm>>) dst(%dma_wait3A_89 : memref<32x128xf32, #tpu.memory_space<vmem>>)
      %dma_wait3A_96 = arith.constant 64 : i32
      %dma_wait3A_97 = arith.constant 0 : i32
      %dma_wait3A_98 = tpu.memref_slice %arg8[%dma_wait3A_96, %dma_wait3A_97] : memref<128x128xf32, #tpu.memory_space<vmem>> -> memref<32x128xf32, #tpu.memory_space<vmem>>
      %dma_wait3A_99 = arith.constant 64 : i32
      %dma_wait3A_100 = tpu.memref_slice %arg6[%while3A_43, %dma_wait3A_99] : memref<101x128xi32, #tpu.memory_space<vmem>> -> memref<1x32xi32, #tpu.memory_space<vmem>>
      %dma_wait3A_101 = tpu.memref_squeeze %dma_wait3A_100 : memref<1x32xi32, #tpu.memory_space<vmem>> -> memref<32xi32, #tpu.memory_space<vmem>>
      %dma_wait3A_102 = arith.constant 0 : i32
      %dma_wait3A_103 = arith.constant 0 : i32
      %dma_wait3A_104 = tpu.memref_slice %arg2[%dma_wait3A_102, %dma_wait3A_103] : memref<10000x128xf32, #tpu.memory_space<hbm>> -> memref<10000x128xf32, #tpu.memory_space<hbm>>
      tpu.wait_indirect_dma semaphore(%arg12 : memref<!tpu.dma_semaphore, #tpu.memory_space<semaphore_mem>>) src(%dma_wait3A_104 : memref<10000x128xf32, #tpu.memory_space<hbm>>) dst(%dma_wait3A_98 : memref<32x128xf32, #tpu.memory_space<vmem>>)
      %dma_wait3A_105 = arith.constant 96 : i32
      %dma_wait3A_106 = arith.constant 0 : i32
      %dma_wait3A_107 = tpu.memref_slice %arg8[%dma_wait3A_105, %dma_wait3A_106] : memref<128x128xf32, #tpu.memory_space<vmem>> -> memref<32x128xf32, #tpu.memory_space<vmem>>
      %dma_wait3A_108 = arith.constant 96 : i32
      %dma_wait3A_109 = tpu.memref_slice %arg6[%while3A_43, %dma_wait3A_108] : memref<101x128xi32, #tpu.memory_space<vmem>> -> memref<1x32xi32, #tpu.memory_space<vmem>>
      %dma_wait3A_110 = tpu.memref_squeeze %dma_wait3A_109 : memref<1x32xi32, #tpu.memory_space<vmem>> -> memref<32xi32, #tpu.memory_space<vmem>>
      %dma_wait3A_111 = arith.constant 0 : i32
      %dma_wait3A_112 = arith.constant 0 : i32
      %dma_wait3A_113 = tpu.memref_slice %arg2[%dma_wait3A_111, %dma_wait3A_112] : memref<10000x128xf32, #tpu.memory_space<hbm>> -> memref<10000x128xf32, #tpu.memory_space<hbm>>
      tpu.wait_indirect_dma semaphore(%arg13 : memref<!tpu.dma_semaphore, #tpu.memory_space<semaphore_mem>>) src(%dma_wait3A_113 : memref<10000x128xf32, #tpu.memory_space<hbm>>) dst(%dma_wait3A_107 : memref<32x128xf32, #tpu.memory_space<vmem>>)
      "tpu.region"() ({
        %run_scoped3A = tpu.sem_alloc : memref<!tpu.dma_semaphore, #tpu.memory_space<semaphore_mem>>
        %dma_start3A_114 = arith.constant 0 : i32
        %dma_start3A_115 = tpu.memref_slice %arg7[%while3A_43, %dma_start3A_114] : memref<101x128xi32, #tpu.memory_space<vmem>> -> memref<1x128xi32, #tpu.memory_space<vmem>>
        %dma_start3A_116 = tpu.memref_squeeze %dma_start3A_115 : memref<1x128xi32, #tpu.memory_space<vmem>> -> memref<128xi32, #tpu.memory_space<vmem>>
        %dma_start3A_117 = arith.constant 0 : i32
        %dma_start3A_118 = arith.constant 0 : i32
        %dma_start3A_119 = tpu.memref_slice %arg9[%dma_start3A_117, %dma_start3A_118] : memref<10240x128xf32, #tpu.memory_space<vmem_shared>> -> memref<10240x128xf32, #tpu.memory_space<vmem_shared>>
        tpu.enqueue_indirect_dma source(%arg8 : memref<128x128xf32, #tpu.memory_space<vmem>>) target(%dma_start3A_119 : memref<10240x128xf32, #tpu.memory_space<vmem_shared>>) offsets(%dma_start3A_116 : memref<128xi32, #tpu.memory_space<vmem>>) semaphore(%run_scoped3A : memref<!tpu.dma_semaphore, #tpu.memory_space<semaphore_mem>>) {add = true}
        %dma_wait3A_120 = arith.constant 0 : i32
        %dma_wait3A_121 = tpu.memref_slice %arg7[%while3A_43, %dma_wait3A_120] : memref<101x128xi32, #tpu.memory_space<vmem>> -> memref<1x128xi32, #tpu.memory_space<vmem>>
        %dma_wait3A_122 = tpu.memref_squeeze %dma_wait3A_121 : memref<1x128xi32, #tpu.memory_space<vmem>> -> memref<128xi32, #tpu.memory_space<vmem>>
        %dma_wait3A_123 = arith.constant 0 : i32
        %dma_wait3A_124 = arith.constant 0 : i32
        %dma_wait3A_125 = tpu.memref_slice %arg9[%dma_wait3A_123, %dma_wait3A_124] : memref<10240x128xf32, #tpu.memory_space<vmem_shared>> -> memref<10240x128xf32, #tpu.memory_space<vmem_shared>>
        tpu.wait_indirect_dma semaphore(%run_scoped3A : memref<!tpu.dma_semaphore, #tpu.memory_space<semaphore_mem>>) src(%arg8 : memref<128x128xf32, #tpu.memory_space<vmem>>) dst(%dma_wait3A_125 : memref<10240x128xf32, #tpu.memory_space<vmem_shared>>)
        tpu.yield
      }) : () -> ()
    }
    %barrier3A_35 = arith.constant 0 : index
    tpu.barrier barrier_id(%barrier3A_35)
    %lt3A = arith.constant 15 : i32
    %lt3A_36 = arith.cmpi slt, %arg1, %lt3A : i32
    %convert_element_type3A = arith.extui %lt3A_36 : i1 to i32
    %cond3A = arith.constant 0 : i32
    %cond3A_37 = arith.cmpi ne, %convert_element_type3A, %cond3A : i32
    scf.if %cond3A_37 {
      %mul3A_43 = arith.constant 640 : i32
      %mul3A_44 = arith.muli %arg1, %mul3A_43 : i32
      %mul3A_45 = arith.constant 640 : i32
      %mul3A_46 = arith.muli %arg1, %mul3A_45 : i32
      "tpu.region"() ({
        %run_scoped3A = tpu.sem_alloc : memref<!tpu.dma_semaphore, #tpu.memory_space<semaphore_mem>>
        %dma_start3A = arith.constant 0 : i32
        %dma_start3A_47 = tpu.memref_slice %arg5[%arg0, %mul3A_46, %dma_start3A] : memref<2x10000x128xf32, #tpu.memory_space<hbm>> -> memref<1x640x128xf32, #tpu.memory_space<hbm>>
        %dma_start3A_48 = tpu.memref_squeeze %dma_start3A_47 : memref<1x640x128xf32, #tpu.memory_space<hbm>> -> memref<640x128xf32, #tpu.memory_space<hbm>>
        %dma_start3A_49 = arith.constant 0 : i32
        %dma_start3A_50 = tpu.memref_slice %arg9[%mul3A_44, %dma_start3A_49] : memref<10240x128xf32, #tpu.memory_space<vmem_shared>> -> memref<640x128xf32, #tpu.memory_space<vmem_shared>>
        tpu.enqueue_dma source(%dma_start3A_50 : memref<640x128xf32, #tpu.memory_space<vmem_shared>>) target(%dma_start3A_48 : memref<640x128xf32, #tpu.memory_space<hbm>>) target_semaphore(%run_scoped3A : memref<!tpu.dma_semaphore, #tpu.memory_space<semaphore_mem>>)
        %dma_wait3A = arith.constant 0 : i32
        %dma_wait3A_51 = tpu.memref_slice %arg5[%arg0, %mul3A_46, %dma_wait3A] : memref<2x10000x128xf32, #tpu.memory_space<hbm>> -> memref<1x640x128xf32, #tpu.memory_space<hbm>>
        %dma_wait3A_52 = tpu.memref_squeeze %dma_wait3A_51 : memref<1x640x128xf32, #tpu.memory_space<hbm>> -> memref<640x128xf32, #tpu.memory_space<hbm>>
        %dma_wait3A_53 = arith.constant 0 : i32
        %dma_wait3A_54 = tpu.memref_slice %arg9[%mul3A_44, %dma_wait3A_53] : memref<10240x128xf32, #tpu.memory_space<vmem_shared>> -> memref<640x128xf32, #tpu.memory_space<vmem_shared>>
        tpu.wait_dma2 semaphore(%run_scoped3A : memref<!tpu.dma_semaphore, #tpu.memory_space<semaphore_mem>>) src(%dma_wait3A_54 : memref<640x128xf32, #tpu.memory_space<vmem_shared>>) dst(%dma_wait3A_52 : memref<640x128xf32, #tpu.memory_space<hbm>>)
        tpu.yield
      }) : () -> ()
    } else {
    }
    %eq3A_38 = arith.constant 15 : i32
    %eq3A_39 = arith.cmpi eq, %arg1, %eq3A_38 : i32
    %convert_element_type3A_40 = arith.extui %eq3A_39 : i1 to i32
    %cond3A_41 = arith.constant 0 : i32
    %cond3A_42 = arith.cmpi ne, %convert_element_type3A_40, %cond3A_41 : i32
    scf.if %cond3A_42 {
      "tpu.region"() ({
        %run_scoped3A = tpu.sem_alloc : memref<!tpu.dma_semaphore, #tpu.memory_space<semaphore_mem>>
        %dma_start3A = arith.constant 9600 : i32
        %dma_start3A_43 = arith.constant 0 : i32
        %dma_start3A_44 = tpu.memref_slice %arg5[%arg0, %dma_start3A, %dma_start3A_43] : memref<2x10000x128xf32, #tpu.memory_space<hbm>> -> memref<1x400x128xf32, #tpu.memory_space<hbm>>
        %dma_start3A_45 = tpu.memref_squeeze %dma_start3A_44 : memref<1x400x128xf32, #tpu.memory_space<hbm>> -> memref<400x128xf32, #tpu.memory_space<hbm>>
        %dma_start3A_46 = arith.constant 9600 : i32
        %dma_start3A_47 = arith.constant 0 : i32
        %dma_start3A_48 = tpu.memref_slice %arg9[%dma_start3A_46, %dma_start3A_47] : memref<10240x128xf32, #tpu.memory_space<vmem_shared>> -> memref<400x128xf32, #tpu.memory_space<vmem_shared>>
        tpu.enqueue_dma source(%dma_start3A_48 : memref<400x128xf32, #tpu.memory_space<vmem_shared>>) target(%dma_start3A_45 : memref<400x128xf32, #tpu.memory_space<hbm>>) target_semaphore(%run_scoped3A : memref<!tpu.dma_semaphore, #tpu.memory_space<semaphore_mem>>)
        %dma_wait3A = arith.constant 9600 : i32
        %dma_wait3A_49 = arith.constant 0 : i32
        %dma_wait3A_50 = tpu.memref_slice %arg5[%arg0, %dma_wait3A, %dma_wait3A_49] : memref<2x10000x128xf32, #tpu.memory_space<hbm>> -> memref<1x400x128xf32, #tpu.memory_space<hbm>>
        %dma_wait3A_51 = tpu.memref_squeeze %dma_wait3A_50 : memref<1x400x128xf32, #tpu.memory_space<hbm>> -> memref<400x128xf32, #tpu.memory_space<hbm>>
        %dma_wait3A_52 = arith.constant 9600 : i32
        %dma_wait3A_53 = arith.constant 0 : i32
        %dma_wait3A_54 = tpu.memref_slice %arg9[%dma_wait3A_52, %dma_wait3A_53] : memref<10240x128xf32, #tpu.memory_space<vmem_shared>> -> memref<400x128xf32, #tpu.memory_space<vmem_shared>>
        tpu.wait_dma2 semaphore(%run_scoped3A : memref<!tpu.dma_semaphore, #tpu.memory_space<semaphore_mem>>) src(%dma_wait3A_54 : memref<400x128xf32, #tpu.memory_space<vmem_shared>>) dst(%dma_wait3A_51 : memref<400x128xf32, #tpu.memory_space<hbm>>)
        tpu.yield
      }) : () -> ()
    } else {
    }
    return
  }
}

module attributes {stable_mosaic.version = 14 : i64} {
  func.func @_t1_body(%arg0: i32, %arg1: memref<2x1000x128xf32, #tpu.memory_space<vmem>>, %arg2: memref<1000x128xf32, #tpu.memory_space<vmem>>, %arg3: memref<1000x128xf32, #tpu.memory_space<vmem>>, %arg4: memref<1000x1xf32, #tpu.memory_space<vmem>>) attributes {dimension_semantics = [#tpu.dimension_semantics<arbitrary>], iteration_bounds = array<i64: 10>, scalar_prefetch = 0 : i64, scratch_operands = 0 : i64, tpu.core_type = #tpu.core_type<tc>, window_params = [{transform_indices = @transform_0, window_bounds = array<i64: 2, 1000, 128>}, {transform_indices = @transform_1, window_bounds = array<i64: 1000, 128>}, {transform_indices = @transform_2, window_bounds = array<i64: 1000, 128>}, {transform_indices = @transform_3, window_bounds = array<i64: 1000, 1>}]} {
    %get3A = arith.constant 0 : index
    %get3A_0 = arith.constant 0 : index
    %get3A_1 = arith.constant 0 : index
    %get3A_2 = vector.load %arg1[%get3A, %get3A_0, %get3A_1] : memref<2x1000x128xf32, #tpu.memory_space<vmem>>, vector<1x1000x1xf32>
    %get3A_3 = vector.shape_cast %get3A_2 : vector<1x1000x1xf32> to vector<1000x1xf32>
    %get3A_4 = arith.constant 1 : index
    %get3A_5 = arith.constant 0 : index
    %get3A_6 = arith.constant 0 : index
    %get3A_7 = vector.load %arg1[%get3A_4, %get3A_5, %get3A_6] : memref<2x1000x128xf32, #tpu.memory_space<vmem>>, vector<1x1000x1xf32>
    %get3A_8 = vector.shape_cast %get3A_7 : vector<1x1000x1xf32> to vector<1000x1xf32>
    %add3A = arith.addf %get3A_3, %get3A_8 : vector<1000x1xf32>
    %add3A_9 = arith.constant 1.000000e+00 : f32
    %add3A_10 = vector.broadcast %add3A_9 : f32 to vector<1000x1xf32>
    %add3A_11 = arith.addf %add3A, %add3A_10 : vector<1000x1xf32>
    %max3A = arith.constant 1.000000e+00 : f32
    %max3A_12 = vector.broadcast %max3A : f32 to vector<1000x1xf32>
    %max3A_13 = arith.maximumf %add3A_11, %max3A_12 : vector<1000x1xf32>
    %rsqrt3A = math.rsqrt %max3A_13 : vector<1000x1xf32>
    %swap3A = arith.constant 0 : index
    %swap3A_14 = arith.constant 0 : index
    %swap3A_15 = vector.load %arg4[%swap3A, %swap3A_14] : memref<1000x1xf32, #tpu.memory_space<vmem>>, vector<1000x1xf32>
    tpu.vector_store %arg4[%swap3A, %swap3A_14], %rsqrt3A {strides = array<i32>} : memref<1000x1xf32, #tpu.memory_space<vmem>>, vector<1000x1xf32>,
    %get3A_16 = arith.constant 0 : index
    %get3A_17 = arith.constant 0 : index
    %get3A_18 = vector.load %arg2[%get3A_16, %get3A_17] : memref<1000x128xf32, #tpu.memory_space<vmem>>, vector<1000x128xf32>
    %mul3A = vector.broadcast %rsqrt3A : vector<1000x1xf32> to vector<1000x128xf32>
    %mul3A_19 = arith.mulf %get3A_18, %mul3A : vector<1000x128xf32>
    %swap3A_20 = arith.constant 0 : index
    %swap3A_21 = arith.constant 0 : index
    %swap3A_22 = vector.load %arg3[%swap3A_20, %swap3A_21] : memref<1000x128xf32, #tpu.memory_space<vmem>>, vector<1000x128xf32>
    tpu.vector_store %arg3[%swap3A_20, %swap3A_21], %mul3A_19 {strides = array<i32>} : memref<1000x128xf32, #tpu.memory_space<vmem>>, vector<1000x128xf32>,
    return
  }
  func.func @transform_0(%arg0: i32) -> (i32, i32, i32) {
    %c0_i32 = arith.constant 0 : i32
    %c0_i32_0 = arith.constant 0 : i32
    %c0_i32_1 = arith.constant 0 : i32
    return %c0_i32, %arg0, %c0_i32_0 : i32, i32, i32
  }
  func.func @transform_1(%arg0: i32) -> (i32, i32) {
    %c0_i32 = arith.constant 0 : i32
    %c0_i32_0 = arith.constant 0 : i32
    return %arg0, %c0_i32 : i32, i32
  }
  func.func @transform_2(%arg0: i32) -> (i32, i32) {
    %c0_i32 = arith.constant 0 : i32
    %c0_i32_0 = arith.constant 0 : i32
    return %arg0, %c0_i32 : i32, i32
  }
  func.func @transform_3(%arg0: i32) -> (i32, i32) {
    %c0_i32 = arith.constant 0 : i32
    %c0_i32_0 = arith.constant 0 : i32
    return %arg0, %c0_i32 : i32, i32
  }
}

module attributes {stable_mosaic.version = 14 : i64} {
  func.func @_t2_body(%arg0: i32, %arg1: memref<2x1000x128xf32, #tpu.memory_space<vmem>>, %arg2: memref<1000x128xf32, #tpu.memory_space<vmem>>, %arg3: memref<1000x1xf32, #tpu.memory_space<vmem>>, %arg4: memref<128x256xf32, #tpu.memory_space<vmem>>, %arg5: memref<1x256xf32, #tpu.memory_space<vmem>>, %arg6: memref<256x128xf32, #tpu.memory_space<vmem>>, %arg7: memref<1000x128xf32, #tpu.memory_space<vmem>>) attributes {dimension_semantics = [#tpu.dimension_semantics<arbitrary>], iteration_bounds = array<i64: 10>, scalar_prefetch = 0 : i64, scratch_operands = 0 : i64, tpu.core_type = #tpu.core_type<tc>, window_params = [{transform_indices = @transform_0, window_bounds = array<i64: 2, 1000, 128>}, {transform_indices = @transform_1, window_bounds = array<i64: 1000, 128>}, {transform_indices = @transform_2, window_bounds = array<i64: 1000, 1>}, {pipeline_mode = #tpu.pipeline_mode<synchronous>, transform_indices = @transform_3, window_bounds = array<i64: 128, 256>}, {pipeline_mode = #tpu.pipeline_mode<synchronous>, transform_indices = @transform_4, window_bounds = array<i64: 1, 256>}, {pipeline_mode = #tpu.pipeline_mode<synchronous>, transform_indices = @transform_5, window_bounds = array<i64: 256, 128>}, {transform_indices = @transform_6, window_bounds = array<i64: 1000, 128>}]} {
    %get3A = arith.constant 0 : index
    %get3A_0 = arith.constant 0 : index
    %get3A_1 = vector.load %arg3[%get3A, %get3A_0] : memref<1000x1xf32, #tpu.memory_space<vmem>>, vector<1000x1xf32>
    %get3A_2 = arith.constant 0 : index
    %get3A_3 = arith.constant 0 : index
    %get3A_4 = arith.constant 0 : index
    %get3A_5 = vector.load %arg1[%get3A_2, %get3A_3, %get3A_4] : memref<2x1000x128xf32, #tpu.memory_space<vmem>>, vector<1x1000x128xf32>
    %get3A_6 = vector.shape_cast %get3A_5 : vector<1x1000x128xf32> to vector<1000x128xf32>
    %get3A_7 = arith.constant 1 : index
    %get3A_8 = arith.constant 0 : index
    %get3A_9 = arith.constant 0 : index
    %get3A_10 = vector.load %arg1[%get3A_7, %get3A_8, %get3A_9] : memref<2x1000x128xf32, #tpu.memory_space<vmem>>, vector<1x1000x128xf32>
    %get3A_11 = vector.shape_cast %get3A_10 : vector<1x1000x128xf32> to vector<1000x128xf32>
    %add3A = arith.addf %get3A_6, %get3A_11 : vector<1000x128xf32>
    %get3A_12 = arith.constant 0 : index
    %get3A_13 = arith.constant 0 : index
    %get3A_14 = vector.load %arg2[%get3A_12, %get3A_13] : memref<1000x128xf32, #tpu.memory_space<vmem>>, vector<1000x128xf32>
    %add3A_15 = arith.addf %add3A, %get3A_14 : vector<1000x128xf32>
    %mul3A = vector.broadcast %get3A_1 : vector<1000x1xf32> to vector<1000x128xf32>
    %mul3A_16 = arith.mulf %add3A_15, %mul3A : vector<1000x128xf32>
    %get3A_17 = arith.constant 0 : index
    %get3A_18 = arith.constant 0 : index
    %get3A_19 = vector.load %arg4[%get3A_17, %get3A_18] : memref<128x256xf32, #tpu.memory_space<vmem>>, vector<128x256xf32>
    %dot_general3A = arith.constant dense<0.000000e+00> : vector<1000x256xf32>
    %dot_general3A_20 = tpu.matmul %mul3A_16, %get3A_19, %dot_general3A {dimension_numbers = #tpu.dot_dimension_numbers<[1], [0], [0], [1], [0, 0, 1, 1], [], []>, transpose_lhs_hint = false} : vector<1000x128xf32>, vector<128x256xf32>, vector<1000x256xf32> -> vector<1000x256xf32>
    %get3A_21 = arith.constant 0 : index
    %get3A_22 = arith.constant 0 : index
    %get3A_23 = vector.load %arg5[%get3A_21, %get3A_22] : memref<1x256xf32, #tpu.memory_space<vmem>>, vector<1x256xf32>
    %add3A_24 = vector.broadcast %get3A_23 : vector<1x256xf32> to vector<1000x256xf32>
    %add3A_25 = arith.addf %dot_general3A_20, %add3A_24 : vector<1000x256xf32>
    %max3A = arith.constant 0.000000e+00 : f32
    %max3A_26 = vector.broadcast %max3A : f32 to vector<1000x256xf32>
    %max3A_27 = arith.maximumf %add3A_25, %max3A_26 : vector<1000x256xf32>
    %get3A_28 = arith.constant 0 : index
    %get3A_29 = arith.constant 0 : index
    %get3A_30 = vector.load %arg6[%get3A_28, %get3A_29] : memref<256x128xf32, #tpu.memory_space<vmem>>, vector<256x128xf32>
    %dot_general3A_31 = arith.constant dense<0.000000e+00> : vector<1000x128xf32>
    %dot_general3A_32 = tpu.matmul %max3A_27, %get3A_30, %dot_general3A_31 {dimension_numbers = #tpu.dot_dimension_numbers<[1], [0], [0], [1], [0, 0, 1, 1], [], []>, transpose_lhs_hint = false} : vector<1000x256xf32>, vector<256x128xf32>, vector<1000x128xf32> -> vector<1000x128xf32>
    %mul3A_33 = vector.broadcast %get3A_1 : vector<1000x1xf32> to vector<1000x128xf32>
    %mul3A_34 = arith.mulf %dot_general3A_32, %mul3A_33 : vector<1000x128xf32>
    %swap3A = arith.constant 0 : index
    %swap3A_35 = arith.constant 0 : index
    %swap3A_36 = vector.load %arg7[%swap3A, %swap3A_35] : memref<1000x128xf32, #tpu.memory_space<vmem>>, vector<1000x128xf32>
    tpu.vector_store %arg7[%swap3A, %swap3A_35], %mul3A_34 {strides = array<i32>} : memref<1000x128xf32, #tpu.memory_space<vmem>>, vector<1000x128xf32>,
    return
  }
  func.func @transform_0(%arg0: i32) -> (i32, i32, i32) {
    %c0_i32 = arith.constant 0 : i32
    %c0_i32_0 = arith.constant 0 : i32
    %c0_i32_1 = arith.constant 0 : i32
    return %c0_i32, %arg0, %c0_i32_0 : i32, i32, i32
  }
  func.func @transform_1(%arg0: i32) -> (i32, i32) {
    %c0_i32 = arith.constant 0 : i32
    %c0_i32_0 = arith.constant 0 : i32
    return %arg0, %c0_i32 : i32, i32
  }
  func.func @transform_2(%arg0: i32) -> (i32, i32) {
    %c0_i32 = arith.constant 0 : i32
    %c0_i32_0 = arith.constant 0 : i32
    return %arg0, %c0_i32 : i32, i32
  }
  func.func @transform_3(%arg0: i32) -> (i32, i32) {
    %c0_i32 = arith.constant 0 : i32
    %c0_i32_0 = arith.constant 0 : i32
    %c0_i32_1 = arith.constant 0 : i32
    return %c0_i32, %c0_i32_0 : i32, i32
  }
  func.func @transform_4(%arg0: i32) -> (i32, i32) {
    %c0_i32 = arith.constant 0 : i32
    %c0_i32_0 = arith.constant 0 : i32
    %c0_i32_1 = arith.constant 0 : i32
    return %c0_i32, %c0_i32_0 : i32, i32
  }
  func.func @transform_5(%arg0: i32) -> (i32, i32) {
    %c0_i32 = arith.constant 0 : i32
    %c0_i32_0 = arith.constant 0 : i32
    %c0_i32_1 = arith.constant 0 : i32
    return %c0_i32, %c0_i32_0 : i32, i32
  }
  func.func @transform_6(%arg0: i32) -> (i32, i32) {
    %c0_i32 = arith.constant 0 : i32
    %c0_i32_0 = arith.constant 0 : i32
    return %arg0, %c0_i32 : i32, i32
  }
}

module attributes {stable_mosaic.version = 14 : i64} {
  func.func @_t3_body(%arg0: i32, %arg1: memref<2x1000x128xf32, #tpu.memory_space<vmem>>, %arg2: memref<1000x128xf32, #tpu.memory_space<vmem>>, %arg3: memref<1000x1xf32, #tpu.memory_space<vmem>>, %arg4: memref<1x128xf32, #tpu.memory_space<vmem>>, %arg5: memref<1000x40xf32, #tpu.memory_space<vmem>>) attributes {dimension_semantics = [#tpu.dimension_semantics<arbitrary>], iteration_bounds = array<i64: 10>, scalar_prefetch = 0 : i64, scratch_operands = 0 : i64, tpu.core_type = #tpu.core_type<tc>, window_params = [{transform_indices = @transform_0, window_bounds = array<i64: 2, 1000, 128>}, {transform_indices = @transform_1, window_bounds = array<i64: 1000, 128>}, {transform_indices = @transform_2, window_bounds = array<i64: 1000, 1>}, {pipeline_mode = #tpu.pipeline_mode<synchronous>, transform_indices = @transform_3, window_bounds = array<i64: 1, 128>}, {transform_indices = @transform_4, window_bounds = array<i64: 1000, 40>}]} {
    %get3A = arith.constant 0 : index
    %get3A_0 = arith.constant 0 : index
    %get3A_1 = arith.constant 0 : index
    %get3A_2 = vector.load %arg1[%get3A, %get3A_0, %get3A_1] : memref<2x1000x128xf32, #tpu.memory_space<vmem>>, vector<1x1000x128xf32>
    %get3A_3 = vector.shape_cast %get3A_2 : vector<1x1000x128xf32> to vector<1000x128xf32>
    %get3A_4 = arith.constant 1 : index
    %get3A_5 = arith.constant 0 : index
    %get3A_6 = arith.constant 0 : index
    %get3A_7 = vector.load %arg1[%get3A_4, %get3A_5, %get3A_6] : memref<2x1000x128xf32, #tpu.memory_space<vmem>>, vector<1x1000x128xf32>
    %get3A_8 = vector.shape_cast %get3A_7 : vector<1x1000x128xf32> to vector<1000x128xf32>
    %add3A = arith.addf %get3A_3, %get3A_8 : vector<1000x128xf32>
    %get3A_9 = arith.constant 0 : index
    %get3A_10 = arith.constant 0 : index
    %get3A_11 = vector.load %arg2[%get3A_9, %get3A_10] : memref<1000x128xf32, #tpu.memory_space<vmem>>, vector<1000x128xf32>
    %add3A_12 = arith.addf %add3A, %get3A_11 : vector<1000x128xf32>
    %get3A_13 = arith.constant 0 : index
    %get3A_14 = arith.constant 0 : index
    %get3A_15 = vector.load %arg3[%get3A_13, %get3A_14] : memref<1000x1xf32, #tpu.memory_space<vmem>>, vector<1000x1xf32>
    %mul3A = vector.broadcast %get3A_15 : vector<1000x1xf32> to vector<1000x128xf32>
    %mul3A_16 = arith.mulf %add3A_12, %mul3A : vector<1000x128xf32>
    %get3A_17 = arith.constant 0 : index
    %get3A_18 = arith.constant 0 : index
    %get3A_19 = vector.load %arg4[%get3A_17, %get3A_18] : memref<1x128xf32, #tpu.memory_space<vmem>>, vector<1x128xf32>
    %add3A_20 = vector.broadcast %get3A_19 : vector<1x128xf32> to vector<1000x128xf32>
    %add3A_21 = arith.addf %mul3A_16, %add3A_20 : vector<1000x128xf32>
    %slice3A = vector.extract_strided_slice %add3A_21 {offsets = [0, 0], sizes = [1000, 40], strides = [1, 1]} : vector<1000x128xf32> to vector<1000x40xf32>
    %reduce_max3A = arith.constant dense<0xFF800000> : vector<1000xf32>
    %reduce_max3A_22 = vector.multi_reduction <maximumf>, %slice3A, %reduce_max3A [1] : vector<1000x40xf32> to vector<1000xf32>
    %broadcast_in_dim3A = vector.shape_cast %reduce_max3A_22 : vector<1000xf32> to vector<1000x1xf32>
    %sub3A = vector.broadcast %broadcast_in_dim3A : vector<1000x1xf32> to vector<1000x40xf32>
    %sub3A_23 = arith.subf %slice3A, %sub3A : vector<1000x40xf32>
    %exp3A = math.exp %sub3A_23 : vector<1000x40xf32>
    %reduce_sum3A = arith.constant dense<0.000000e+00> : vector<1000xf32>
    %reduce_sum3A_24 = vector.multi_reduction <add>, %exp3A, %reduce_sum3A [1] : vector<1000x40xf32> to vector<1000xf32>
    %broadcast_in_dim3A_25 = vector.shape_cast %reduce_sum3A_24 : vector<1000xf32> to vector<1000x1xf32>
    %div3A = vector.broadcast %broadcast_in_dim3A_25 : vector<1000x1xf32> to vector<1000x40xf32>
    %div3A_26 = arith.divf %exp3A, %div3A : vector<1000x40xf32>
    %swap3A = arith.constant 0 : index
    %swap3A_27 = arith.constant 0 : index
    %swap3A_28 = vector.load %arg5[%swap3A, %swap3A_27] : memref<1000x40xf32, #tpu.memory_space<vmem>>, vector<1000x40xf32>
    tpu.vector_store %arg5[%swap3A, %swap3A_27], %div3A_26 {strides = array<i32>} : memref<1000x40xf32, #tpu.memory_space<vmem>>, vector<1000x40xf32>,
    return
  }
  func.func @transform_0(%arg0: i32) -> (i32, i32, i32) {
    %c0_i32 = arith.constant 0 : i32
    %c0_i32_0 = arith.constant 0 : i32
    %c0_i32_1 = arith.constant 0 : i32
    return %c0_i32, %arg0, %c0_i32_0 : i32, i32, i32
  }
  func.func @transform_1(%arg0: i32) -> (i32, i32) {
    %c0_i32 = arith.constant 0 : i32
    %c0_i32_0 = arith.constant 0 : i32
    return %arg0, %c0_i32 : i32, i32
  }
  func.func @transform_2(%arg0: i32) -> (i32, i32) {
    %c0_i32 = arith.constant 0 : i32
    %c0_i32_0 = arith.constant 0 : i32
    return %arg0, %c0_i32 : i32, i32
  }
  func.func @transform_3(%arg0: i32) -> (i32, i32) {
    %c0_i32 = arith.constant 0 : i32
    %c0_i32_0 = arith.constant 0 : i32
    %c0_i32_1 = arith.constant 0 : i32
    return %c0_i32, %c0_i32_0 : i32, i32
  }
  func.func @transform_4(%arg0: i32) -> (i32, i32) {
    %c0_i32 = arith.constant 0 : i32
    %c0_i32_0 = arith.constant 0 : i32
    return %arg0, %c0_i32 : i32, i32
  }
}

</mosaic_0001>

<sc_bundles>
// kernel: kernel.11.cloned.1.call-start
scs
__scs_entry_jumppad:
0x0: {  	(pc) =	sbr.rel $0x88, $3  }
0x1: {  	(tag) =	ssettag $0x0;
	lr =	simm.s32 $0x1  }
0x2: {  	[smem:$0x3F9B] =	sst lr;
	_ =	strace $0xD0000000  }
0x3: {  	_ = 	snop  }
0x4: {  	_ = 	snop  }
0x5: {  	_ = 	snop  }
0x6: {  	_ = 	snop  }
0x7: {  	_ = 	snop  }
__scs_overlays_trampoline_lowered:
0x8: {  	[smem:$0x3FAA] =	sst s0  }
0x9: {  	[smem:$0x3FAB] =	sst s1  }
0xa: {  	[smem:$0x3FAC] =	sst s2  }
0xb: {  	[smem:$0x3FAD] =	sst s3  }
0xc: {  	[smem:$0x3FAE] =	sst s4  }
0xd: {  	[smem:$0x3FAF] =	sst s5  }
0xe: {  	[smem:$0x3FB0] =	sst s6  }
0xf: {  	[smem:$0x3FB1] =	sst s7  }
0x10: {  	[smem:$0x3FB2] =	sst s8  }
0x11: {  	[smem:$0x3FB3] =	sst s9;
	s0 =	simm.s32 @!p0 $0x0  }
0x12: {  	s1 =	sld [smem:$0x3F99];
	s0 =	simm.s32 @p0 $0x1  }
0x13: {  	[smem:$0x3FB4] =	sst s0;
	s0 =	simm.s32 @!p1 $0x0  }
0x14: {  	s2 =	sld [smem:$0x3F98];
	s0 =	simm.s32 @p1 $0x1  }
0x15: {  	[smem:$0x3FB5] =	sst s0;
	s0 =	simm.s32 @!p2 $0x0  }
0x16: {  	s3 =	sld [smem:$0x3FDB];
	s0 =	simm.s32 @p2 $0x1  }
0x17: {  	s4 =	simm.s32 $0x1BF5;
	[smem:$0x3FB7] =	sst s0  }
0x18: {  	s0 =	sld [smem:$0x3F9A];
	_ =	swait.ge [sflag:s4], $0x0  }
0x19: {  	s7 =	sld [smem:$0x3F9B]  }
0x1a: {  	s8 =	sadd.s32 $0xFFFFE003, lr  }
0x1b: {  	s9 =	sadd.s32 $0xFFFFFEF7, lr;
	s5 =	simm.s32 $0xFFFFFFFF;
	p2 =	slt.u32 s8, $0xFFFFF086  }
0x1c: {  	p1 =	slt.u32 s9, $0xF7A;
	s5 =	simm.s32 @!p2 $0x0  }
0x1d: {  	s5 =	simm.s32 @p1 $0x1;
	p0 =	seq.s32 s7, s2  }
0x1e: {  	s7 =	smul.u32 @!p0 $0xF7A, s2;
	p2 =	seq.s32 @!p0 s5, $0x0  }
0x1f: {  	s9 =	smul.u32 $0xF7A, s1;
	s8 =	simm.s32 @!p0 $0x1BF5;
	p2 =	por !p2, p0  }
0x20: {  	[sflag:s8] =	ssyncset.s32 @!p0 $0xFFFFF086;
	s6 =	sadd.s32 @!p0 s3, s7;
	s7 =	simm.s32 @!p0 $0x108  }
0x21: {  	s3 =	sadd.s32 s3, s9;
	s6 =	sadd.s32 @!p0 $0x88, s6;
	s7 =	simm.s32 @p2 $0x1082  }
0x22: {  	[simem:s7], [sflag:s8] =	dma.local @!p0 [hbm:s6], $0xF7A  }
0x23: {  	s9 =	sor.u32 $0xD0000000, s2;
	s6 =	simm.s32 $0x108;
	_ =	swait.ge @!p0 [sflag:s8], $0x0  }
0x24: {  	s3 =	sadd.s32 $0x88, s3;
	s6 =	simm.s32 @!p1 $0x1082;
	[sflag:s4] =	ssyncset.s32 $0xFFFFF086  }
0x25: {  	[simem:s6], [sflag:s4] =	dma.local [hbm:s3], $0xF7A  }
0x26: {  	[smem:$0x3F9B] =	sst s1;
	(tag) =	ssettag s2;
	_ =	strace s9  }
0x27: {  	s1 =	sld [smem:$0x3FAB]  }
0x28: {  	s2 =	sld [smem:$0x3FAC]  }
0x29: {  	s4 =	sld [smem:$0x3FAE]  }
0x2a: {  	p0 =	seq.s32 s5, $0x0;
	s5 =	sld [smem:$0x3FAF]  }
0x2b: {  	s6 =	sld [smem:$0x3FB0]  }
0x2c: {  	s7 =	sld [smem:$0x3FB1]  }
0x2d: {  	s3 =	simm.s32 $0x108;
	s8 =	sld [smem:$0x3FB2]  }
0x2e: {  	s3 =	simm.s32 @!p0 $0x1082;
	s9 =	sld [smem:$0x3FB3]  }
0x2f: {  	lr =	sadd.s32 s0, s3;
	s0 =	sld [smem:$0x3FAA]  }
0x30: {  	s3 =	sld [smem:$0x3FAD]  }
0x31: {  	[smem:$0x3FB6] =	sst s10  }
0x32: {  	s10 =	sld [smem:$0x3FB4];
	_ =	sdelay $0x3  }
0x33: {  	p0 =	seq.s32 s10, $0x1;
	s10 =	sld [smem:$0x3FB6];
	_ =	sdelay $0x3  }
0x34: {  	[smem:$0x3FB6] =	sst s10  }
0x35: {  	s10 =	sld [smem:$0x3FB5];
	_ =	sdelay $0x3  }
0x36: {  	p1 =	seq.s32 s10, $0x1;
	s10 =	sld [smem:$0x3FB6];
	_ =	sdelay $0x3  }
0x37: {  	[smem:$0x3FB6] =	sst s10  }
0x38: {  	s10 =	sld [smem:$0x3FB7]  }
0x39: {  	_ = 	snop;
	(pc) =	sbr.ind lr, $3  }
0x3a: {  	_ = 	snop  }
0x3b: {  	_ = 	snop  }
0x3c: {  	p2 =	seq.s32 s10, $0x1;
	s10 =	sld [smem:$0x3FB6]  }
0x3d: {  	_ =	shalt  }
0x3e: {  	_ =	shalt  }
0x3f: {  	_ =	shalt  }
0x40: {  	_ =	shalt  }
0x41: {  	_ =	shalt  }
0x42: {  	_ =	shalt  }
0x43: {  	_ =	shalt  }
0x44: {  	_ =	shalt  }
0x45: {  	_ =	shalt  }
0x46: {  	_ =	shalt  }
0x47: {  	_ =	shalt  }
0x48: {  	_ =	shalt  }
0x49: {  	_ =	shalt  }
0x4a: {  	_ =	shalt  }
0x4b: {  	_ =	shalt  }
0x4c: {  	_ =	shalt  }
0x4d: {  	_ =	shalt  }
0x4e: {  	_ =	shalt  }
0x4f: {  	_ =	shalt  }
0x50: {  	_ =	shalt  }
0x51: {  	_ =	shalt  }
0x52: {  	_ =	shalt  }
0x53: {  	_ =	shalt  }
0x54: {  	_ =	shalt  }
0x55: {  	_ =	shalt  }
0x56: {  	_ =	shalt  }
0x57: {  	_ =	shalt  }
0x58: {  	_ =	shalt  }
0x59: {  	_ =	shalt  }
0x5a: {  	_ =	shalt  }
0x5b: {  	_ =	shalt  }
0x5c: {  	_ =	shalt  }
0x5d: {  	_ =	shalt  }
0x5e: {  	_ =	shalt  }
0x5f: {  	_ =	shalt  }
0x60: {  	_ =	shalt  }
0x61: {  	_ =	shalt  }
0x62: {  	_ =	shalt  }
0x63: {  	_ =	shalt  }
0x64: {  	_ =	shalt  }
0x65: {  	_ =	shalt  }
0x66: {  	_ =	shalt  }
0x67: {  	_ =	shalt  }
0x68: {  	_ =	shalt  }
0x69: {  	_ =	shalt  }
0x6a: {  	_ =	shalt  }
0x6b: {  	_ =	shalt  }
0x6c: {  	_ =	shalt  }
0x6d: {  	_ =	shalt  }
0x6e: {  	_ =	shalt  }
0x6f: {  	_ =	shalt  }
0x70: {  	_ =	shalt  }
0x71: {  	_ =	shalt  }
0x72: {  	_ =	shalt  }
0x73: {  	_ =	shalt  }
0x74: {  	_ =	shalt  }
0x75: {  	_ =	shalt  }
0x76: {  	_ =	shalt  }
0x77: {  	_ =	shalt  }
0x78: {  	_ =	shalt  }
0x79: {  	_ =	shalt  }
0x7a: {  	_ =	shalt  }
0x7b: {  	_ =	shalt  }
0x7c: {  	_ =	shalt  }
0x7d: {  	_ =	shalt  }
0x7e: {  	_ =	shalt  }
0x7f: {  	_ =	shalt  }
0x80: {  	_ =	shalt  }
0x81: {  	_ =	shalt  }
0x82: {  	_ =	shalt  }
0x83: {  	_ =	shalt  }
0x84: {  	_ =	shalt  }
0x85: {  	_ =	shalt  }
0x86: {  	_ =	shalt  }
0x87: {  	_ =	shalt  }
.Lfunc_end0:
.L_simem_size_0:
called_computation.1_lowered:
.L_overlay_start_0:
0x88: {  	s2 =	sld [smem:$0x3FD9]  }
0x89: {  	s3 =	sld [smem:$0x3FFE];
	_ =	sdelay $0x1  }
0x8a: {  	s1 =	srdreg.scid  }
0x8b: {  	s0 =	sand.u32 $0x1, s1  }
0x8c: {  	s16 =	sshll.u32 s0, $0xA;
	s2 =	sadd.s32 s3, s2  }
0x8d: {  	s2 =	sadd.s32 s2, s16  }
0x8e: {  	[smem:$0x3FC2] =	sst s2  }
0x8f: {  	_ = 	snop  }
0x90: {  	(tm) =	ssettm $0x1  }
0x91: {  	s17 =	sld [smem:$0x3FFB];
	_ =	sdelay $0x3  }
0x92: {  	_ =	strace s17  }
0x93: {  	s2 =	sld [smem:$0x3FFC];
	_ =	sdelay $0x3  }
0x94: {  	_ =	strace s2  }
0x95: {  	s2 =	sld [smem:$0x3FFD];
	_ =	sdelay $0x3  }
0x96: {  	_ =	strace s2  }
0x97: {  	_ =	strace $0x8FFFFFFF  }
0x98: {  	s18 =	sld [smem:$0x3FDB];
	_ =	sdelay $0x1  }
0x99: {  	s19 =	simm.s32 $_scs_section_size  }
0x9a: {  	s4 =	simm.s32 $_size__tile_overlayer_lowered;
	s5 =	simm.s32 $_tile_overlayer_lowered  }
0x9b: {  	s22 =	simm.s32 $0x1BFF;
	s21 =	sshll.u32 s5, $0x1;
	s2 =	sadd.s32 s19, s18  }
0x9c: {  	s6 =	simm.s32 $0x0;
	s20 =	sshll.u32 s4, $0x1;
	s4 =	sadd.s32 s21, s2  }
0x9d: {  	[timem:s6], [sflag:s22] =	dma.local [hbm:s4], s20  }
0x9e: {  	_ =	swait.ge [sflag:s22], s20  }
0x9f: {  	s3 =	ssub.s32 $0x0, s20;
	[sflag:s22] =	ssyncset.done $0x0  }
0xa0: {  	[sflag:s22] =	ssyncadd.s32 s3;
	_ =	sdelay $0x1  }
0xa1: {  	s23 =	simm.s32 $0x1B8B  }
0xa2: {  	_ =	swait.ge [sflag:s23], $0x1  }
0xa3: {  	[sflag:s23] =	ssyncset.done $0x0  }
0xa4: {  	s25 =	simm.s32 $0x1B8E;
	s24 =	sld [smem:$0x3FFE];
	[sflag:s23] =	ssyncadd.s32 $0xFFFFFFFF  }
0xa5: {  	s26 =	simm.s32 $execute0_lowered;
	[smem:$0x3FD2] =	sst s25  }
0xa6: {  	s4 =	sshll.u32 s26, $0x1;
	_ =	strace $0x80000049;
	[dreg:$0x1] =	wrdreg $0xFFFFFFFF  }
0xa7: {  	s28 =	simm.s32 $_size_execute0_lowered;
	s2 =	sadd.s32 s2, s4;
	[dreg:$0x0] =	wrdreg $0x0  }
0xa8: {  	s4 =	sshll.u32 s28, $0x1;
	[dreg:$0x2] =	wrdreg s2  }
0xa9: {  	[dreg:$0x3] =	wrdreg s4  }
0xaa: {  	[dreg:$0x4] =	wrdreg $0xC0  }
0xab: {  	_ =	task [dreg:s6], $0x5FFFF  }
0xac: {  	[dreg:$0x1] =	wrdreg $0xFFFFFFFF  }
0xad: {  	[dreg:$0x0] =	wrdreg $0x60  }
0xae: {  	[dreg:$0x2] =	wrdreg s24  }
0xaf: {  	[dreg:$0x3] =	wrdreg $0xA8000  }
0xb0: {  	[dreg:$0x4] =	wrdreg $0x9  }
0xb1: {  	_ =	task.clear_ibuf [dreg:s6], $0x5FFFF;
	_ =	strace $0x90000049  }
0xb2: {  	s29 =	simm.s32 $0x9;
	_ =	strace $0x8000004B  }
0xb3: {  	_ =	swait.ge [sflag:s29], $0x1  }
0xb4: {  	[sflag:s29] =	ssyncadd.s32 $0xFFFFFFFF  }
0xb5: {  	_ =	strace $0x9000004B  }
0xb6: {  	_ =	sfence  }
0xb7: {  	s30 =	sld [smem:$0x0];
	_ =	sdelay $0x2  }
0xb8: {  	s31 =	sshll.u32 s1, $0xD;
	s1 =	sshrl.u32 s1, $0x2  }
0xb9: {  	s3 =	sand.u32 $0x4000, s31;
	s1 =	sadd.s32 s1, s30  }
0xba: {  	s0 =	sor.u32 s3, s0;
	s1 =	sshll.u32 s1, $0x11  }
0xbb: {  	s0 =	sor.u32 s1, s0  }
0xbc: {  	s0 =	sadd.s32 $0x8F2B, s0  }
0xbd: {  	[sflag:s0] =	ssyncadd.remote.s32 $0x1  }
0xbe: {  	_ =	sfence.sel $0xFFFF  }
0xbf: {  	[dreg:$0x0] =	wrdreg $0xFFFFFFFF;
	(pc) =	sbr.abs _section_cstart, $3  }
0xc0: {  	[dreg:$0x1] =	wrdreg $0xFFFFFFFF  }
0xc1: {  	_ =	task.clear_ibuf [dreg:s6], $0x2FFFF;
	_ =	strace $0x9FFFFFFF  }
0xc2: {  	(tm) =	ssettm $0x7FFFFFFF  }
0xc3: {  	_ =	shalt  }
tec
execute0_lowered:
.L_overlay_start_1:
0x0: {  	(tag) =	ssettag $0x1  }
0x1: {  	s0 =	rddreg [dreg:$0x0]  }
0x2: {  	s1 =	srdreg.scid;
	s2 =	rddreg [dreg:$0x1]  }
0x3: {  	s3 =	stileid.u32;
	s4 =	simm.s32 $0x0;
	s16 =	simm.s32 $0x6800  }
0x4: {  	s17 =	simm.s32 $0x5;
	s18 =	simm.s32 $0x20;
	s19 =	simm.s32 $0x7800  }
0x5: {  	s20 =	simm.s32 $0x8800;
	s21 =	simm.s32 $0x9800;
	s22 =	simm.s32 $0x1  }
0x6: {  	s23 =	simm.s32 $0x2;
	s24 =	simm.s32 $0x3;
	s6 =	smul.u32 $0x3400, s3  }
0x7: {  	s28 =	simm.s32 $0x80;
	s29 =	simm.s32 $0x0;
	s7 =	smul.u32 $0x50000, s3  }
0x8: {  	s1 =	sand.u32 $0x1, s1;
	[smem:$0x7FF] =	sst s4;
	s13 =	smul.u32 $0x14000, s3  }
0x9: {  	s4 =	sadd.s32 $0x1C800, s0;
	s5 =	smul.u32 $0x34000, s1;
	_ =	strace $0x8000004A  }
0xa: {  	s26 =	ssub.s32 $0x2, s1;
	p0 =	seq.s32 s1, $0x0;
	s1 =	smul.u32 $0x138800, s1  }
0xb: {  	s30 =	sshrl.u32 s26, $0x1;
	s31 =	sshrl.u32 s7, $0x2;
	s5 =	sadd.s32 s6, s5  }
0xc: {  	s15 =	ssub.s32 s26, s30;
	s6 =	sadd.s32 s31, s2;
	s13 =	sadd.s32 s13, s1  }
0xd: {  	s1 =	sshrl.u32 s1, $0x3;
	s26 =	simm.s32 $0x4;
	s5 =	sshrl.u32 s5, $0x3  }
0xe: {  	s7 =	sadd.s32 $0x4000, s6;
	s8 =	sadd.s32 $0x8000, s6;
	s9 =	sadd.s32 $0xC000, s6  }
0xf: {  	s10 =	sadd.s32 $0x10000, s6;
	s13 =	sshrl.u32 s13, $0x3;
	s15 =	smax.u32 s15, $0x1  }
0x10: {  	s12 =	sadd.s32 s5, s0;
	s0 =	sadd.s32 $0x43A00, s0;
	s5 =	simm.s32 $0x38  }
0x11: {  	s5 =	simm.s32 @!p0 $0x65;
	s11 =	sadd.s32 $0xF800, s12;
	s1 =	sadd.s32 s0, s1  }
0x12: {  	s13 =	sadd.s32 s0, s13;
	s0 =	sadd.s32 $0x12C000, s2;
	p0 =	seq.s32 s3, $0xF  }
0x13: {  	v0 =	vimm.f32 $0.0e+00;
	s12 =	sadd.s32 $0x2800, s12;
	s14 =	sadd.s32 $0x25800, s1;
	s25 =	sshrl.u32 @p0 s0, $0x3  }
.LBB2_1:
0x14: {  	s0 =	simm.s32 $0x0;
	s1 =	simm.s32 $0x200  }
.LBB2_2:
0x15: {  	p1 =	sne.s32 s1, $0xFE00;
	[tilespmem:s0+$0x6870] =	vst v0  }
0x16: {  	[tilespmem:s0+$0x6800] =	vst v0  }
0x17: {  	[tilespmem:s0+$0x6810] =	vst v0  }
.Ltmp0:
0x18: {  	[tilespmem:s0+$0x6820] =	vst v0;
	(pc) =	sbr.rel @p1 .LBB2_2-.Ltmp0, $4  }
0x19: {  	[tilespmem:s0+$0x6830] =	vst v0  }
0x1a: {  	[tilespmem:s0+$0x6840] =	vst v0  }
0x1b: {  	[tilespmem:s0+$0x6850] =	vst v0  }
0x1c: {  	[tilespmem:s0+$0x6860] =	vst v0;
	s0 =	sshra.s32 s1, $0x2;
	s1 =	sadd.s32 $0x200, s1  }
0x1d: {  	[tilespmem:s0+$0x6870] =	vst v0  }
0x1e: {  	[tilespmem:s0+$0x6800] =	vst v0  }
0x1f: {  	[tilespmem:s0+$0x6810] =	vst v0  }
0x20: {  	[tilespmem:s0+$0x6820] =	vst v0  }
0x21: {  	[tilespmem:s0+$0x6830] =	vst v0  }
0x22: {  	[tilespmem:s0+$0x6840] =	vst v0  }
0x23: {  	[tilespmem:s0+$0x6850] =	vst v0  }
0x24: {  	[tilespmem:s0+$0x6860] =	vst v0  }
0x25: {  	[spmem:s6] =	stream.linear.scatter [tilespmem:s16], [sflag:$0x5], $0x4000, $0x38;
	[tilespmem:$0x1E800] =	vst v63  }
0x26: {  	_ =	swait.ge [sflag:s17], $0x4000  }
0x27: {  	[sflag:s17] =	ssyncset.done $0x0  }
0x28: {  	[sflag:s17] =	ssyncadd.s32 $0xFFFFC000  }
0x29: {  	[spmem:s7] =	stream.linear.scatter [tilespmem:s16], [sflag:$0x5], $0x4000, $0x38;
	[tilespmem:$0x1E800] =	vst v63  }
0x2a: {  	_ =	swait.ge [sflag:s17], $0x4000  }
0x2b: {  	[sflag:s17] =	ssyncset.done $0x0  }
0x2c: {  	[sflag:s17] =	ssyncadd.s32 $0xFFFFC000  }
0x2d: {  	[spmem:s8] =	stream.linear.scatter [tilespmem:s16], [sflag:$0x5], $0x4000, $0x38;
	[tilespmem:$0x1E800] =	vst v63  }
0x2e: {  	_ =	swait.ge [sflag:s17], $0x4000  }
0x2f: {  	[sflag:s17] =	ssyncset.done $0x0  }
0x30: {  	[sflag:s17] =	ssyncadd.s32 $0xFFFFC000  }
0x31: {  	[spmem:s9] =	stream.linear.scatter [tilespmem:s16], [sflag:$0x5], $0x4000, $0x38;
	[tilespmem:$0x1E800] =	vst v63  }
0x32: {  	_ =	swait.ge [sflag:s17], $0x4000  }
0x33: {  	[sflag:s17] =	ssyncset.done $0x0  }
0x34: {  	[sflag:s17] =	ssyncadd.s32 $0xFFFFC000  }
0x35: {  	[spmem:s10] =	stream.linear.scatter [tilespmem:s16], [sflag:$0x5], $0x4000, $0x38;
	[tilespmem:$0x1E800] =	vst v63  }
0x36: {  	_ =	swait.ge [sflag:s17], $0x4000  }
0x37: {  	[sflag:s17] =	ssyncset.done $0x0  }
0x38: {  	[sflag:s17] =	ssyncadd.s32 $0xFFFFC000  }
0x39: {  	s3 =	simm.s32 $0x0;
	[bflag:$0x0] =	sbarrier.arrive $0xFFFF  }
0x3a: {  	[tilespmem:s3], [sflag:$0x5] =	stream.linear.gather [hbm4b:s11+s3], $0x3280, $0x38;
	[tilespmem:$0x1E800] =	vst v63  }
0x3b: {  	_ =	swait.ge [sflag:s17], $0x3280  }
0x3c: {  	p2 =	sne.s32 s5, $0x1;
	[sflag:s17] =	ssyncset.done $0x0  }
.Ltmp1:
0x3d: {  	s30 =	simm.s32 $0x3400;
	[sflag:s17] =	ssyncadd.s32 $0xFFFFCD80;
	(pc) =	sbr.rel @!p2 .LBB2_4-.Ltmp1, $4  }
0x3e: {  	[tilespmem:s30], [sflag:$0x5] =	stream.linear.gather [hbm4b:s12+s3], $0x3280, $0x38;
	[tilespmem:$0x1E800] =	vst v63  }
0x3f: {  	_ =	swait.ge [sflag:s17], $0x3280  }
0x40: {  	s31 =	simm.s32 $0x60;
	[sflag:s17] =	ssyncset.done $0x0  }
0x41: {  	s0 =	sadd.s32 $0xFFFFFFFF, s5;
	p1 =	por $0x0, $0x0;
	[sflag:s17] =	ssyncadd.s32 $0xFFFFCD80  }
0x42: {  	s1 =	simm.s32 $0x0  }
0x43: {  	[tilespmem:s16], [sflag:$0x1] =	stream.indirect.gather [hbm4b:s4+s18], $0x80, s1, s18, $0xb8;
	[tilespmem:$0x1E800] =	vst v63  }
0x44: {  	s3 =	simm.s32 $0x20  }
0x45: {  	[tilespmem:s19], [sflag:$0x2] =	stream.indirect.gather [hbm4b:s4+s18], $0x80, s3, s18, $0xb8;
	[tilespmem:$0x1E800] =	vst v63  }
0x46: {  	s3 =	simm.s32 $0x40  }
0x47: {  	[tilespmem:s20], [sflag:$0x3] =	stream.indirect.gather [hbm4b:s4+s18], $0x80, s3, s18, $0xb8;
	[tilespmem:$0x1E800] =	vst v63  }
0x48: {  	_ = 	snop  }
0x49: {  	[tilespmem:s21], [sflag:$0x4] =	stream.indirect.gather [hbm4b:s4+s18], $0x80, s31, s18, $0xb8;
	[tilespmem:$0x1E800] =	vst v63  }
0x4a: {  	_ =	swait.ge [sflag:s22], $0x1000  }
0x4b: {  	[sflag:s22] =	ssyncset.done $0x0  }
0x4c: {  	[sflag:s22] =	ssyncadd.s32 $0xFFFFF000  }
0x4d: {  	_ =	swait.ge [sflag:s23], $0x1000  }
0x4e: {  	[sflag:s23] =	ssyncset.done $0x0  }
0x4f: {  	[sflag:s23] =	ssyncadd.s32 $0xFFFFF000  }
0x50: {  	_ =	swait.ge [sflag:s24], $0x1000  }
0x51: {  	[sflag:s24] =	ssyncset.done $0x0  }
0x52: {  	[sflag:s24] =	ssyncadd.s32 $0xFFFFF000  }
0x53: {  	p2 =	sne.s32 s0, $0x1;
	_ =	swait.ge [sflag:s26], $0x1000  }
.Ltmp2:
0x54: {  	[sflag:s26] =	ssyncset.done $0x0;
	(pc) =	sbr.rel @!p2 .LBB2_6-.Ltmp2, $4  }
0x55: {  	[sflag:s26] =	ssyncadd.s32 $0xFFFFF000  }
0x56: {  	[spmem:s2] =	stream.indirect.scatter.add.f32 [tilespmem:s16], [sflag:$0x5], $0x80, s30, s28, $0xb8;
	[tilespmem:$0x1E800] =	vst v63  }
0x57: {  	p1 =	por $0x1, $0x1;
	s1 =	sadd.s32 $0xFFFFFFFF, s0;
	_ =	swait.ge [sflag:s17], $0x4000  }
0x58: {  	s0 =	simm.s32 $0x3400;
	s31 =	simm.s32 $0xE0;
	[sflag:s17] =	ssyncset.done $0x0  }
.LBB2_7:
0x59: {  	s3 =	sadd.s32 $0xFFFFFFA0, s31;
	[sflag:s17] =	ssyncadd.s32 $0xFFFFC000;
	s0 =	sadd.s32 $0x80, s0  }
0x5a: {  	[tilespmem:s16], [sflag:$0x1] =	stream.indirect.gather [hbm4b:s4+s18], $0x80, s3, s18, $0xb8;
	[tilespmem:$0x1E800] =	vst v63  }
0x5b: {  	p2 =	sne.s32 s1, $0x1;
	s1 =	sadd.s32 $0xFFFFFFFF, s1;
	s3 =	sadd.s32 $0xFFFFFFC0, s31  }
0x5c: {  	[tilespmem:s19], [sflag:$0x2] =	stream.indirect.gather [hbm4b:s4+s18], $0x80, s3, s18, $0xb8;
	[tilespmem:$0x1E800] =	vst v63  }
0x5d: {  	s3 =	sadd.s32 $0xFFFFFFE0, s31  }
0x5e: {  	[tilespmem:s20], [sflag:$0x3] =	stream.indirect.gather [hbm4b:s4+s18], $0x80, s3, s18, $0xb8;
	[tilespmem:$0x1E800] =	vst v63  }
0x5f: {  	_ = 	snop  }
0x60: {  	[tilespmem:s21], [sflag:$0x4] =	stream.indirect.gather [hbm4b:s4+s18], $0x80, s31, s18, $0xb8;
	[tilespmem:$0x1E800] =	vst v63  }
0x61: {  	_ =	swait.ge [sflag:s22], $0x1000  }
0x62: {  	[sflag:s22] =	ssyncset.done $0x0  }
0x63: {  	[sflag:s22] =	ssyncadd.s32 $0xFFFFF000  }
0x64: {  	_ =	swait.ge [sflag:s23], $0x1000  }
0x65: {  	[sflag:s23] =	ssyncset.done $0x0  }
0x66: {  	[sflag:s23] =	ssyncadd.s32 $0xFFFFF000  }
0x67: {  	_ =	swait.ge [sflag:s24], $0x1000  }
0x68: {  	[sflag:s24] =	ssyncset.done $0x0  }
0x69: {  	[sflag:s24] =	ssyncadd.s32 $0xFFFFF000  }
0x6a: {  	_ =	swait.ge [sflag:s26], $0x1000  }
.Ltmp3:
0x6b: {  	[sflag:s26] =	ssyncset.done $0x0;
	(pc) =	sbr.rel @p2 .LBB2_7-.Ltmp3, $4  }
0x6c: {  	[sflag:s26] =	ssyncadd.s32 $0xFFFFF000  }
0x6d: {  	[spmem:s2] =	stream.indirect.scatter.add.f32 [tilespmem:s16], [sflag:$0x5], $0x80, s0, s28, $0xb8;
	[tilespmem:$0x1E800] =	vst v63  }
0x6e: {  	_ =	swait.ge [sflag:s17], $0x4000  }
0x6f: {  	s31 =	sadd.s32 $0x80, s31;
	[sflag:s17] =	ssyncset.done $0x0  }
.LBB2_8:
0x70: {  	s1 =	sadd.s32 $0xFFFFFFA0, s31;
	[sflag:s17] =	ssyncadd.s32 @p1 $0xFFFFC000  }
0x71: {  	[tilespmem:s16], [sflag:$0x1] =	stream.indirect.gather [hbm4b:s4+s18], $0x80, s1, s18, $0xb8;
	[tilespmem:$0x1E800] =	vst v63  }
0x72: {  	s3 =	sadd.s32 $0xFFFFFFC0, s31  }
0x73: {  	[tilespmem:s19], [sflag:$0x2] =	stream.indirect.gather [hbm4b:s4+s18], $0x80, s3, s18, $0xb8;
	[tilespmem:$0x1E800] =	vst v63  }
0x74: {  	s3 =	sadd.s32 $0xFFFFFFE0, s31  }
0x75: {  	[tilespmem:s20], [sflag:$0x3] =	stream.indirect.gather [hbm4b:s4+s18], $0x80, s3, s18, $0xb8;
	[tilespmem:$0x1E800] =	vst v63  }
0x76: {  	_ = 	snop  }
0x77: {  	[tilespmem:s21], [sflag:$0x4] =	stream.indirect.gather [hbm4b:s4+s18], $0x80, s31, s18, $0xb8;
	[tilespmem:$0x1E800] =	vst v63  }
0x78: {  	_ =	swait.ge [sflag:s22], $0x1000  }
0x79: {  	[sflag:s22] =	ssyncset.done $0x0  }
0x7a: {  	[sflag:s22] =	ssyncadd.s32 $0xFFFFF000  }
0x7b: {  	_ =	swait.ge [sflag:s23], $0x1000  }
0x7c: {  	[sflag:s23] =	ssyncset.done $0x0  }
0x7d: {  	[sflag:s23] =	ssyncadd.s32 $0xFFFFF000  }
0x7e: {  	_ =	swait.ge [sflag:s24], $0x1000  }
0x7f: {  	[sflag:s24] =	ssyncset.done $0x0  }
0x80: {  	[sflag:s24] =	ssyncadd.s32 $0xFFFFF000  }
0x81: {  	_ =	swait.ge [sflag:s26], $0x1000  }
0x82: {  	s0 =	sadd.s32 @p1 $0x80, s0;
	[sflag:s26] =	ssyncset.done $0x0  }
0x83: {  	s30 =	smov.u32 @p1 s0;
	[sflag:s26] =	ssyncadd.s32 $0xFFFFF000  }
0x84: {  	[spmem:s2] =	stream.indirect.scatter.add.f32 [tilespmem:s16], [sflag:$0x5], $0x80, s30, s28, $0xb8;
	[tilespmem:$0x1E800] =	vst v63  }
0x85: {  	_ =	swait.ge [sflag:s17], $0x4000  }
0x86: {  	[sflag:s17] =	ssyncset.done $0x0  }
0x87: {  	[sflag:s17] =	ssyncadd.s32 $0xFFFFC000  }
0x88: {  	s0 =	simm.s32 @p0 $0x1FC5;
	[bflag:$0x0] =	sbarrier.arrive $0xFFFF  }
0x89: {  	[hbm:s14], [sflag:s0] =	dma.local @p0 [spmem:s25], $0x1900  }
0x8a: {  	s0 =	simm.s32 @p0 $0x5  }
0x8b: {  	s29 =	sadd.s32 $0x1, s29;
	s1 =	stileid.u32;
	_ =	swait.ge @p0 [sflag:s0], $0x1900  }
0x8c: {  	p1 =	sne.s32 s29, s15;
	s1 =	sshll.u32 @!p0 s1, $0x6;
	[sflag:s0] =	ssyncset.done @p0 $0x0  }
0x8d: {  	[sflag:s0] =	ssyncadd.s32 @p0 $0xFFFFE700;
	s0 =	sor.u32 @!p0 $0x1C05, s1;
	s1 =	sshrl.u32 @!p0 s6, $0x3  }
0x8e: {  	[hbm:s13], [sflag:s0] =	dma.local @!p0 [spmem:s1], $0x2800  }
.Ltmp4:
0x8f: {  	_ = 	snop;
	(pc) =	sbr.rel @p1 .LBB2_1-.Ltmp4, $4  }
.Ltmp5:
0x90: {  	s0 =	simm.s32 @!p0 $0x5;
	(pc) =	sbr.rel @!p1 .LBB2_9-.Ltmp5, $4  }
0x91: {  	_ =	swait.ge @!p0 [sflag:s0], $0x2800  }
0x92: {  	[sflag:s0] =	ssyncset.done @!p0 $0x0  }
0x93: {  	[sflag:s0] =	ssyncadd.s32 @!p0 $0xFFFFD800  }
0x94: {  	_ = 	snop  }
.LBB2_4:
.Ltmp6:
0x95: {  	(pc) =	sbr.rel .LBB2_8-.Ltmp6, $2  }
0x96: {  	_ =	sdelay $0x2  }
0x97: {  	s0 =	simm.s32 $0x3400  }
.LBB2_6:
.Ltmp7:
0x98: {  	(pc) =	sbr.rel .LBB2_8-.Ltmp7, $2  }
0x99: {  	_ =	sdelay $0x2  }
0x9a: {  	s0 =	simm.s32 $0x3400  }
.LBB2_9:
0x9b: {  	_ =	sfence.sel $0x180000  }
0x9c: {  	[bflag:$0x0] =	sbarrier.arrive $0xFFFF  }
0x9d: {  	_ =	strace $0x9000004A  }
0x9e: {  	s0 =	stileid.u32;
	[bflag:$0x2] =	sbarrier.arrive $0xFFFF  }
0x9f: {  	p0 =	sne.s32 s0, $0x0;
	s0 =	rddreg [dreg:$0x2]  }
0xa0: {  	s0 =	sadd.s32 @!p0 $0x100000, s0  }
0xa1: {  	[sflag:s0] =	ssyncadd.tile.s32 @!p0 $0x1;
	_ =	shalt  }
.Lfunc_end2:
_tile_overlayer_lowered:
.L_overlay_start_2:
0xa2: {  	(tag) =	ssettag $0x2  }
0xa3: {  	s0 =	rddreg [dreg:$0x0];
	s2 =	stileid.u32  }
0xa4: {  	s1 =	rddreg [dreg:$0x1];
	p0 =	sne.s32 s2, $0x0  }
0xa5: {  	s3 =	rddreg [dreg:$0x2];
	[bflag:$0x3] =	sbarrier.arrive $0xFFFF;
	s2 =	simm.s32 @!p0 $0x1C05  }
0xa6: {  	[timem:s3], [sflag:s2] =	dma.local @!p0 [hbm:s0], s1  }
0xa7: {  	s0 =	simm.s32 @!p0 $0x5  }
0xa8: {  	_ =	swait.ge @!p0 [sflag:s0], s1  }
0xa9: {  	s1 =	ssub.s32 @!p0 $0x0, s1;
	[sflag:s0] =	ssyncset.done @!p0 $0x0  }
0xaa: {  	[sflag:s0] =	ssyncadd.s32 @!p0 s1  }
0xab: {  	[bflag:$0x3] =	sbarrier.arrive $0xFFFF  }
0xac: {  	_ =	shalt  }

// kernel: kernel.14.cloned.1.call-start
scs
__scs_entry_jumppad:
0x0: {  	(pc) =	sbr.rel $0x88, $3  }
0x1: {  	(tag) =	ssettag $0x0;
	lr =	simm.s32 $0x1  }
0x2: {  	[smem:$0x3F9B] =	sst lr;
	_ =	strace $0xD0000000  }
0x3: {  	_ = 	snop  }
0x4: {  	_ = 	snop  }
0x5: {  	_ = 	snop  }
0x6: {  	_ = 	snop  }
0x7: {  	_ = 	snop  }
__scs_overlays_trampoline_lowered:
0x8: {  	[smem:$0x3FAA] =	sst s0  }
0x9: {  	[smem:$0x3FAB] =	sst s1  }
0xa: {  	[smem:$0x3FAC] =	sst s2  }
0xb: {  	[smem:$0x3FAD] =	sst s3  }
0xc: {  	[smem:$0x3FAE] =	sst s4  }
0xd: {  	[smem:$0x3FAF] =	sst s5  }
0xe: {  	[smem:$0x3FB0] =	sst s6  }
0xf: {  	[smem:$0x3FB1] =	sst s7  }
0x10: {  	[smem:$0x3FB2] =	sst s8  }
0x11: {  	[smem:$0x3FB3] =	sst s9;
	s0 =	simm.s32 @!p0 $0x0  }
0x12: {  	s1 =	sld [smem:$0x3F99];
	s0 =	simm.s32 @p0 $0x1  }
0x13: {  	[smem:$0x3FB4] =	sst s0;
	s0 =	simm.s32 @!p1 $0x0  }
0x14: {  	s2 =	sld [smem:$0x3F98];
	s0 =	simm.s32 @p1 $0x1  }
0x15: {  	[smem:$0x3FB5] =	sst s0;
	s0 =	simm.s32 @!p2 $0x0  }
0x16: {  	s3 =	sld [smem:$0x3FDB];
	s0 =	simm.s32 @p2 $0x1  }
0x17: {  	s4 =	simm.s32 $0x1BF5;
	[smem:$0x3FB7] =	sst s0  }
0x18: {  	s0 =	sld [smem:$0x3F9A];
	_ =	swait.ge [sflag:s4], $0x0  }
0x19: {  	s7 =	sld [smem:$0x3F9B]  }
0x1a: {  	s8 =	sadd.s32 $0xFFFFE003, lr  }
0x1b: {  	s9 =	sadd.s32 $0xFFFFFEF7, lr;
	s5 =	simm.s32 $0xFFFFFFFF;
	p2 =	slt.u32 s8, $0xFFFFF086  }
0x1c: {  	p1 =	slt.u32 s9, $0xF7A;
	s5 =	simm.s32 @!p2 $0x0  }
0x1d: {  	s5 =	simm.s32 @p1 $0x1;
	p0 =	seq.s32 s7, s2  }
0x1e: {  	s7 =	smul.u32 @!p0 $0xF7A, s2;
	p2 =	seq.s32 @!p0 s5, $0x0  }
0x1f: {  	s9 =	smul.u32 $0xF7A, s1;
	s8 =	simm.s32 @!p0 $0x1BF5;
	p2 =	por !p2, p0  }
0x20: {  	[sflag:s8] =	ssyncset.s32 @!p0 $0xFFFFF086;
	s6 =	sadd.s32 @!p0 s3, s7;
	s7 =	simm.s32 @!p0 $0x108  }
0x21: {  	s3 =	sadd.s32 s3, s9;
	s6 =	sadd.s32 @!p0 $0x88, s6;
	s7 =	simm.s32 @p2 $0x1082  }
0x22: {  	[simem:s7], [sflag:s8] =	dma.local @!p0 [hbm:s6], $0xF7A  }
0x23: {  	s9 =	sor.u32 $0xD0000000, s2;
	s6 =	simm.s32 $0x108;
	_ =	swait.ge @!p0 [sflag:s8], $0x0  }
0x24: {  	s3 =	sadd.s32 $0x88, s3;
	s6 =	simm.s32 @!p1 $0x1082;
	[sflag:s4] =	ssyncset.s32 $0xFFFFF086  }
0x25: {  	[simem:s6], [sflag:s4] =	dma.local [hbm:s3], $0xF7A  }
0x26: {  	[smem:$0x3F9B] =	sst s1;
	(tag) =	ssettag s2;
	_ =	strace s9  }
0x27: {  	s1 =	sld [smem:$0x3FAB]  }
0x28: {  	s2 =	sld [smem:$0x3FAC]  }
0x29: {  	s4 =	sld [smem:$0x3FAE]  }
0x2a: {  	p0 =	seq.s32 s5, $0x0;
	s5 =	sld [smem:$0x3FAF]  }
0x2b: {  	s6 =	sld [smem:$0x3FB0]  }
0x2c: {  	s7 =	sld [smem:$0x3FB1]  }
0x2d: {  	s3 =	simm.s32 $0x108;
	s8 =	sld [smem:$0x3FB2]  }
0x2e: {  	s3 =	simm.s32 @!p0 $0x1082;
	s9 =	sld [smem:$0x3FB3]  }
0x2f: {  	lr =	sadd.s32 s0, s3;
	s0 =	sld [smem:$0x3FAA]  }
0x30: {  	s3 =	sld [smem:$0x3FAD]  }
0x31: {  	[smem:$0x3FB6] =	sst s10  }
0x32: {  	s10 =	sld [smem:$0x3FB4];
	_ =	sdelay $0x3  }
0x33: {  	p0 =	seq.s32 s10, $0x1;
	s10 =	sld [smem:$0x3FB6];
	_ =	sdelay $0x3  }
0x34: {  	[smem:$0x3FB6] =	sst s10  }
0x35: {  	s10 =	sld [smem:$0x3FB5];
	_ =	sdelay $0x3  }
0x36: {  	p1 =	seq.s32 s10, $0x1;
	s10 =	sld [smem:$0x3FB6];
	_ =	sdelay $0x3  }
0x37: {  	[smem:$0x3FB6] =	sst s10  }
0x38: {  	s10 =	sld [smem:$0x3FB7]  }
0x39: {  	_ = 	snop;
	(pc) =	sbr.ind lr, $3  }
0x3a: {  	_ = 	snop  }
0x3b: {  	_ = 	snop  }
0x3c: {  	p2 =	seq.s32 s10, $0x1;
	s10 =	sld [smem:$0x3FB6]  }
0x3d: {  	_ =	shalt  }
0x3e: {  	_ =	shalt  }
0x3f: {  	_ =	shalt  }
0x40: {  	_ =	shalt  }
0x41: {  	_ =	shalt  }
0x42: {  	_ =	shalt  }
0x43: {  	_ =	shalt  }
0x44: {  	_ =	shalt  }
0x45: {  	_ =	shalt  }
0x46: {  	_ =	shalt  }
0x47: {  	_ =	shalt  }
0x48: {  	_ =	shalt  }
0x49: {  	_ =	shalt  }
0x4a: {  	_ =	shalt  }
0x4b: {  	_ =	shalt  }
0x4c: {  	_ =	shalt  }
0x4d: {  	_ =	shalt  }
0x4e: {  	_ =	shalt  }
0x4f: {  	_ =	shalt  }
0x50: {  	_ =	shalt  }
0x51: {  	_ =	shalt  }
0x52: {  	_ =	shalt  }
0x53: {  	_ =	shalt  }
0x54: {  	_ =	shalt  }
0x55: {  	_ =	shalt  }
0x56: {  	_ =	shalt  }
0x57: {  	_ =	shalt  }
0x58: {  	_ =	shalt  }
0x59: {  	_ =	shalt  }
0x5a: {  	_ =	shalt  }
0x5b: {  	_ =	shalt  }
0x5c: {  	_ =	shalt  }
0x5d: {  	_ =	shalt  }
0x5e: {  	_ =	shalt  }
0x5f: {  	_ =	shalt  }
0x60: {  	_ =	shalt  }
0x61: {  	_ =	shalt  }
0x62: {  	_ =	shalt  }
0x63: {  	_ =	shalt  }
0x64: {  	_ =	shalt  }
0x65: {  	_ =	shalt  }
0x66: {  	_ =	shalt  }
0x67: {  	_ =	shalt  }
0x68: {  	_ =	shalt  }
0x69: {  	_ =	shalt  }
0x6a: {  	_ =	shalt  }
0x6b: {  	_ =	shalt  }
0x6c: {  	_ =	shalt  }
0x6d: {  	_ =	shalt  }
0x6e: {  	_ =	shalt  }
0x6f: {  	_ =	shalt  }
0x70: {  	_ =	shalt  }
0x71: {  	_ =	shalt  }
0x72: {  	_ =	shalt  }
0x73: {  	_ =	shalt  }
0x74: {  	_ =	shalt  }
0x75: {  	_ =	shalt  }
0x76: {  	_ =	shalt  }
0x77: {  	_ =	shalt  }
0x78: {  	_ =	shalt  }
0x79: {  	_ =	shalt  }
0x7a: {  	_ =	shalt  }
0x7b: {  	_ =	shalt  }
0x7c: {  	_ =	shalt  }
0x7d: {  	_ =	shalt  }
0x7e: {  	_ =	shalt  }
0x7f: {  	_ =	shalt  }
0x80: {  	_ =	shalt  }
0x81: {  	_ =	shalt  }
0x82: {  	_ =	shalt  }
0x83: {  	_ =	shalt  }
0x84: {  	_ =	shalt  }
0x85: {  	_ =	shalt  }
0x86: {  	_ =	shalt  }
0x87: {  	_ =	shalt  }
.Lfunc_end0:
.L_simem_size_0:
called_computation.2_lowered:
.L_overlay_start_0:
0x88: {  	s2 =	sld [smem:$0x3FD9]  }
0x89: {  	s3 =	sld [smem:$0x3FFE];
	_ =	sdelay $0x1  }
0x8a: {  	s1 =	srdreg.scid  }
0x8b: {  	s0 =	sand.u32 $0x1, s1  }
0x8c: {  	s16 =	sshll.u32 s0, $0xA;
	s2 =	sadd.s32 s3, s2  }
0x8d: {  	s2 =	sadd.s32 s2, s16  }
0x8e: {  	[smem:$0x3FC2] =	sst s2  }
0x8f: {  	_ = 	snop  }
0x90: {  	(tm) =	ssettm $0x1  }
0x91: {  	s17 =	sld [smem:$0x3FFB];
	_ =	sdelay $0x3  }
0x92: {  	_ =	strace s17  }
0x93: {  	s2 =	sld [smem:$0x3FFC];
	_ =	sdelay $0x3  }
0x94: {  	_ =	strace s2  }
0x95: {  	s2 =	sld [smem:$0x3FFD];
	_ =	sdelay $0x3  }
0x96: {  	_ =	strace s2  }
0x97: {  	_ =	strace $0x8FFFFFFF  }
0x98: {  	s18 =	sld [smem:$0x3FDB];
	_ =	sdelay $0x1  }
0x99: {  	s19 =	simm.s32 $_scs_section_size  }
0x9a: {  	s4 =	simm.s32 $_size__tile_overlayer_lowered;
	s5 =	simm.s32 $_tile_overlayer_lowered  }
0x9b: {  	s22 =	simm.s32 $0x1BFF;
	s21 =	sshll.u32 s5, $0x1;
	s2 =	sadd.s32 s19, s18  }
0x9c: {  	s6 =	simm.s32 $0x0;
	s20 =	sshll.u32 s4, $0x1;
	s4 =	sadd.s32 s21, s2  }
0x9d: {  	[timem:s6], [sflag:s22] =	dma.local [hbm:s4], s20  }
0x9e: {  	_ =	swait.ge [sflag:s22], s20  }
0x9f: {  	s3 =	ssub.s32 $0x0, s20;
	[sflag:s22] =	ssyncset.done $0x0  }
0xa0: {  	[sflag:s22] =	ssyncadd.s32 s3;
	_ =	sdelay $0x1  }
0xa1: {  	s23 =	simm.s32 $0x1B8B  }
0xa2: {  	_ =	swait.ge [sflag:s23], $0x1  }
0xa3: {  	[sflag:s23] =	ssyncset.done $0x0  }
0xa4: {  	s25 =	simm.s32 $0x1B8E;
	s24 =	sld [smem:$0x3FFE];
	[sflag:s23] =	ssyncadd.s32 $0xFFFFFFFF  }
0xa5: {  	s26 =	simm.s32 $execute0_lowered;
	[smem:$0x3FD2] =	sst s25  }
0xa6: {  	s4 =	sshll.u32 s26, $0x1;
	_ =	strace $0x8000004C;
	[dreg:$0x1] =	wrdreg $0xFFFFFFFF  }
0xa7: {  	s28 =	simm.s32 $_size_execute0_lowered;
	s2 =	sadd.s32 s2, s4;
	[dreg:$0x0] =	wrdreg $0x0  }
0xa8: {  	s4 =	sshll.u32 s28, $0x1;
	[dreg:$0x2] =	wrdreg s2  }
0xa9: {  	[dreg:$0x3] =	wrdreg s4  }
0xaa: {  	[dreg:$0x4] =	wrdreg $0xC0  }
0xab: {  	_ =	task [dreg:s6], $0x5FFFF  }
0xac: {  	[dreg:$0x1] =	wrdreg $0xFFFFFFFF  }
0xad: {  	[dreg:$0x0] =	wrdreg $0x60  }
0xae: {  	[dreg:$0x2] =	wrdreg s24  }
0xaf: {  	[dreg:$0x3] =	wrdreg $0xA8000  }
0xb0: {  	[dreg:$0x4] =	wrdreg $0x9  }
0xb1: {  	_ =	task.clear_ibuf [dreg:s6], $0x5FFFF;
	_ =	strace $0x9000004C  }
0xb2: {  	s29 =	simm.s32 $0x9;
	_ =	strace $0x8000004E  }
0xb3: {  	_ =	swait.ge [sflag:s29], $0x1  }
0xb4: {  	[sflag:s29] =	ssyncadd.s32 $0xFFFFFFFF  }
0xb5: {  	_ =	strace $0x9000004E  }
0xb6: {  	_ =	sfence  }
0xb7: {  	s30 =	sld [smem:$0x0];
	_ =	sdelay $0x2  }
0xb8: {  	s31 =	sshll.u32 s1, $0xD;
	s1 =	sshrl.u32 s1, $0x2  }
0xb9: {  	s3 =	sand.u32 $0x4000, s31;
	s1 =	sadd.s32 s1, s30  }
0xba: {  	s0 =	sor.u32 s3, s0;
	s1 =	sshll.u32 s1, $0x11  }
0xbb: {  	s0 =	sor.u32 s1, s0  }
0xbc: {  	s0 =	sadd.s32 $0x8F2B, s0  }
0xbd: {  	[sflag:s0] =	ssyncadd.remote.s32 $0x1  }
0xbe: {  	_ =	sfence.sel $0xFFFF  }
0xbf: {  	[dreg:$0x0] =	wrdreg $0xFFFFFFFF;
	(pc) =	sbr.abs _section_cstart, $3  }
0xc0: {  	[dreg:$0x1] =	wrdreg $0xFFFFFFFF  }
0xc1: {  	_ =	task.clear_ibuf [dreg:s6], $0x2FFFF;
	_ =	strace $0x9FFFFFFF  }
0xc2: {  	(tm) =	ssettm $0x7FFFFFFF  }
0xc3: {  	_ =	shalt  }
tec
execute0_lowered:
.L_overlay_start_1:
0x0: {  	(tag) =	ssettag $0x1  }
0x1: {  	s0 =	rddreg [dreg:$0x0]  }
0x2: {  	s1 =	srdreg.scid;
	s2 =	rddreg [dreg:$0x1]  }
0x3: {  	s3 =	stileid.u32;
	s4 =	simm.s32 $0x0;
	s16 =	simm.s32 $0x6800  }
0x4: {  	s17 =	simm.s32 $0x5;
	s18 =	simm.s32 $0x20;
	s19 =	simm.s32 $0x7800  }
0x5: {  	s20 =	simm.s32 $0x8800;
	s21 =	simm.s32 $0x9800;
	s22 =	simm.s32 $0x1  }
0x6: {  	s23 =	simm.s32 $0x2;
	s24 =	simm.s32 $0x3;
	s6 =	smul.u32 $0x3400, s3  }
0x7: {  	s28 =	simm.s32 $0x80;
	s29 =	simm.s32 $0x0;
	s7 =	smul.u32 $0x50000, s3  }
0x8: {  	s1 =	sand.u32 $0x1, s1;
	[smem:$0x7FF] =	sst s4;
	s13 =	smul.u32 $0x14000, s3  }
0x9: {  	s4 =	sadd.s32 $0x1C800, s0;
	s5 =	smul.u32 $0x34000, s1;
	_ =	strace $0x8000004D  }
0xa: {  	s26 =	ssub.s32 $0x2, s1;
	p0 =	seq.s32 s1, $0x0;
	s1 =	smul.u32 $0x138800, s1  }
0xb: {  	s30 =	sshrl.u32 s26, $0x1;
	s31 =	sshrl.u32 s7, $0x2;
	s5 =	sadd.s32 s6, s5  }
0xc: {  	s15 =	ssub.s32 s26, s30;
	s6 =	sadd.s32 s31, s2;
	s13 =	sadd.s32 s13, s1  }
0xd: {  	s1 =	sshrl.u32 s1, $0x3;
	s26 =	simm.s32 $0x4;
	s5 =	sshrl.u32 s5, $0x3  }
0xe: {  	s7 =	sadd.s32 $0x4000, s6;
	s8 =	sadd.s32 $0x8000, s6;
	s9 =	sadd.s32 $0xC000, s6  }
0xf: {  	s10 =	sadd.s32 $0x10000, s6;
	s13 =	sshrl.u32 s13, $0x3;
	s15 =	smax.u32 s15, $0x1  }
0x10: {  	s12 =	sadd.s32 s5, s0;
	s0 =	sadd.s32 $0x43A00, s0;
	s5 =	simm.s32 $0x38  }
0x11: {  	s5 =	simm.s32 @!p0 $0x65;
	s11 =	sadd.s32 $0xF800, s12;
	s1 =	sadd.s32 s0, s1  }
0x12: {  	s13 =	sadd.s32 s0, s13;
	s0 =	sadd.s32 $0x12C000, s2;
	p0 =	seq.s32 s3, $0xF  }
0x13: {  	v0 =	vimm.f32 $0.0e+00;
	s12 =	sadd.s32 $0x2800, s12;
	s14 =	sadd.s32 $0x25800, s1;
	s25 =	sshrl.u32 @p0 s0, $0x3  }
.LBB2_1:
0x14: {  	s0 =	simm.s32 $0x0;
	s1 =	simm.s32 $0x200  }
.LBB2_2:
0x15: {  	p1 =	sne.s32 s1, $0xFE00;
	[tilespmem:s0+$0x6870] =	vst v0  }
0x16: {  	[tilespmem:s0+$0x6800] =	vst v0  }
0x17: {  	[tilespmem:s0+$0x6810] =	vst v0  }
.Ltmp0:
0x18: {  	[tilespmem:s0+$0x6820] =	vst v0;
	(pc) =	sbr.rel @p1 .LBB2_2-.Ltmp0, $4  }
0x19: {  	[tilespmem:s0+$0x6830] =	vst v0  }
0x1a: {  	[tilespmem:s0+$0x6840] =	vst v0  }
0x1b: {  	[tilespmem:s0+$0x6850] =	vst v0  }
0x1c: {  	[tilespmem:s0+$0x6860] =	vst v0;
	s0 =	sshra.s32 s1, $0x2;
	s1 =	sadd.s32 $0x200, s1  }
0x1d: {  	[tilespmem:s0+$0x6870] =	vst v0  }
0x1e: {  	[tilespmem:s0+$0x6800] =	vst v0  }
0x1f: {  	[tilespmem:s0+$0x6810] =	vst v0  }
0x20: {  	[tilespmem:s0+$0x6820] =	vst v0  }
0x21: {  	[tilespmem:s0+$0x6830] =	vst v0  }
0x22: {  	[tilespmem:s0+$0x6840] =	vst v0  }
0x23: {  	[tilespmem:s0+$0x6850] =	vst v0  }
0x24: {  	[tilespmem:s0+$0x6860] =	vst v0  }
0x25: {  	[spmem:s6] =	stream.linear.scatter [tilespmem:s16], [sflag:$0x5], $0x4000, $0x38;
	[tilespmem:$0x1E800] =	vst v63  }
0x26: {  	_ =	swait.ge [sflag:s17], $0x4000  }
0x27: {  	[sflag:s17] =	ssyncset.done $0x0  }
0x28: {  	[sflag:s17] =	ssyncadd.s32 $0xFFFFC000  }
0x29: {  	[spmem:s7] =	stream.linear.scatter [tilespmem:s16], [sflag:$0x5], $0x4000, $0x38;
	[tilespmem:$0x1E800] =	vst v63  }
0x2a: {  	_ =	swait.ge [sflag:s17], $0x4000  }
0x2b: {  	[sflag:s17] =	ssyncset.done $0x0  }
0x2c: {  	[sflag:s17] =	ssyncadd.s32 $0xFFFFC000  }
0x2d: {  	[spmem:s8] =	stream.linear.scatter [tilespmem:s16], [sflag:$0x5], $0x4000, $0x38;
	[tilespmem:$0x1E800] =	vst v63  }
0x2e: {  	_ =	swait.ge [sflag:s17], $0x4000  }
0x2f: {  	[sflag:s17] =	ssyncset.done $0x0  }
0x30: {  	[sflag:s17] =	ssyncadd.s32 $0xFFFFC000  }
0x31: {  	[spmem:s9] =	stream.linear.scatter [tilespmem:s16], [sflag:$0x5], $0x4000, $0x38;
	[tilespmem:$0x1E800] =	vst v63  }
0x32: {  	_ =	swait.ge [sflag:s17], $0x4000  }
0x33: {  	[sflag:s17] =	ssyncset.done $0x0  }
0x34: {  	[sflag:s17] =	ssyncadd.s32 $0xFFFFC000  }
0x35: {  	[spmem:s10] =	stream.linear.scatter [tilespmem:s16], [sflag:$0x5], $0x4000, $0x38;
	[tilespmem:$0x1E800] =	vst v63  }
0x36: {  	_ =	swait.ge [sflag:s17], $0x4000  }
0x37: {  	[sflag:s17] =	ssyncset.done $0x0  }
0x38: {  	[sflag:s17] =	ssyncadd.s32 $0xFFFFC000  }
0x39: {  	s3 =	simm.s32 $0x0;
	[bflag:$0x0] =	sbarrier.arrive $0xFFFF  }
0x3a: {  	[tilespmem:s3], [sflag:$0x5] =	stream.linear.gather [hbm4b:s11+s3], $0x3280, $0x38;
	[tilespmem:$0x1E800] =	vst v63  }
0x3b: {  	_ =	swait.ge [sflag:s17], $0x3280  }
0x3c: {  	p2 =	sne.s32 s5, $0x1;
	[sflag:s17] =	ssyncset.done $0x0  }
.Ltmp1:
0x3d: {  	s30 =	simm.s32 $0x3400;
	[sflag:s17] =	ssyncadd.s32 $0xFFFFCD80;
	(pc) =	sbr.rel @!p2 .LBB2_4-.Ltmp1, $4  }
0x3e: {  	[tilespmem:s30], [sflag:$0x5] =	stream.linear.gather [hbm4b:s12+s3], $0x3280, $0x38;
	[tilespmem:$0x1E800] =	vst v63  }
0x3f: {  	_ =	swait.ge [sflag:s17], $0x3280  }
0x40: {  	s31 =	simm.s32 $0x60;
	[sflag:s17] =	ssyncset.done $0x0  }
0x41: {  	s0 =	sadd.s32 $0xFFFFFFFF, s5;
	p1 =	por $0x0, $0x0;
	[sflag:s17] =	ssyncadd.s32 $0xFFFFCD80  }
0x42: {  	s1 =	simm.s32 $0x0  }
0x43: {  	[tilespmem:s16], [sflag:$0x1] =	stream.indirect.gather [hbm4b:s4+s18], $0x80, s1, s18, $0xb8;
	[tilespmem:$0x1E800] =	vst v63  }
0x44: {  	s3 =	simm.s32 $0x20  }
0x45: {  	[tilespmem:s19], [sflag:$0x2] =	stream.indirect.gather [hbm4b:s4+s18], $0x80, s3, s18, $0xb8;
	[tilespmem:$0x1E800] =	vst v63  }
0x46: {  	s3 =	simm.s32 $0x40  }
0x47: {  	[tilespmem:s20], [sflag:$0x3] =	stream.indirect.gather [hbm4b:s4+s18], $0x80, s3, s18, $0xb8;
	[tilespmem:$0x1E800] =	vst v63  }
0x48: {  	_ = 	snop  }
0x49: {  	[tilespmem:s21], [sflag:$0x4] =	stream.indirect.gather [hbm4b:s4+s18], $0x80, s31, s18, $0xb8;
	[tilespmem:$0x1E800] =	vst v63  }
0x4a: {  	_ =	swait.ge [sflag:s22], $0x1000  }
0x4b: {  	[sflag:s22] =	ssyncset.done $0x0  }
0x4c: {  	[sflag:s22] =	ssyncadd.s32 $0xFFFFF000  }
0x4d: {  	_ =	swait.ge [sflag:s23], $0x1000  }
0x4e: {  	[sflag:s23] =	ssyncset.done $0x0  }
0x4f: {  	[sflag:s23] =	ssyncadd.s32 $0xFFFFF000  }
0x50: {  	_ =	swait.ge [sflag:s24], $0x1000  }
0x51: {  	[sflag:s24] =	ssyncset.done $0x0  }
0x52: {  	[sflag:s24] =	ssyncadd.s32 $0xFFFFF000  }
0x53: {  	p2 =	sne.s32 s0, $0x1;
	_ =	swait.ge [sflag:s26], $0x1000  }
.Ltmp2:
0x54: {  	[sflag:s26] =	ssyncset.done $0x0;
	(pc) =	sbr.rel @!p2 .LBB2_6-.Ltmp2, $4  }
0x55: {  	[sflag:s26] =	ssyncadd.s32 $0xFFFFF000  }
0x56: {  	[spmem:s2] =	stream.indirect.scatter.add.f32 [tilespmem:s16], [sflag:$0x5], $0x80, s30, s28, $0xb8;
	[tilespmem:$0x1E800] =	vst v63  }
0x57: {  	p1 =	por $0x1, $0x1;
	s1 =	sadd.s32 $0xFFFFFFFF, s0;
	_ =	swait.ge [sflag:s17], $0x4000  }
0x58: {  	s0 =	simm.s32 $0x3400;
	s31 =	simm.s32 $0xE0;
	[sflag:s17] =	ssyncset.done $0x0  }
.LBB2_7:
0x59: {  	s3 =	sadd.s32 $0xFFFFFFA0, s31;
	[sflag:s17] =	ssyncadd.s32 $0xFFFFC000;
	s0 =	sadd.s32 $0x80, s0  }
0x5a: {  	[tilespmem:s16], [sflag:$0x1] =	stream.indirect.gather [hbm4b:s4+s18], $0x80, s3, s18, $0xb8;
	[tilespmem:$0x1E800] =	vst v63  }
0x5b: {  	p2 =	sne.s32 s1, $0x1;
	s1 =	sadd.s32 $0xFFFFFFFF, s1;
	s3 =	sadd.s32 $0xFFFFFFC0, s31  }
0x5c: {  	[tilespmem:s19], [sflag:$0x2] =	stream.indirect.gather [hbm4b:s4+s18], $0x80, s3, s18, $0xb8;
	[tilespmem:$0x1E800] =	vst v63  }
0x5d: {  	s3 =	sadd.s32 $0xFFFFFFE0, s31  }
0x5e: {  	[tilespmem:s20], [sflag:$0x3] =	stream.indirect.gather [hbm4b:s4+s18], $0x80, s3, s18, $0xb8;
	[tilespmem:$0x1E800] =	vst v63  }
0x5f: {  	_ = 	snop  }
0x60: {  	[tilespmem:s21], [sflag:$0x4] =	stream.indirect.gather [hbm4b:s4+s18], $0x80, s31, s18, $0xb8;
	[tilespmem:$0x1E800] =	vst v63  }
0x61: {  	_ =	swait.ge [sflag:s22], $0x1000  }
0x62: {  	[sflag:s22] =	ssyncset.done $0x0  }
0x63: {  	[sflag:s22] =	ssyncadd.s32 $0xFFFFF000  }
0x64: {  	_ =	swait.ge [sflag:s23], $0x1000  }
0x65: {  	[sflag:s23] =	ssyncset.done $0x0  }
0x66: {  	[sflag:s23] =	ssyncadd.s32 $0xFFFFF000  }
0x67: {  	_ =	swait.ge [sflag:s24], $0x1000  }
0x68: {  	[sflag:s24] =	ssyncset.done $0x0  }
0x69: {  	[sflag:s24] =	ssyncadd.s32 $0xFFFFF000  }
0x6a: {  	_ =	swait.ge [sflag:s26], $0x1000  }
.Ltmp3:
0x6b: {  	[sflag:s26] =	ssyncset.done $0x0;
	(pc) =	sbr.rel @p2 .LBB2_7-.Ltmp3, $4  }
0x6c: {  	[sflag:s26] =	ssyncadd.s32 $0xFFFFF000  }
0x6d: {  	[spmem:s2] =	stream.indirect.scatter.add.f32 [tilespmem:s16], [sflag:$0x5], $0x80, s0, s28, $0xb8;
	[tilespmem:$0x1E800] =	vst v63  }
0x6e: {  	_ =	swait.ge [sflag:s17], $0x4000  }
0x6f: {  	s31 =	sadd.s32 $0x80, s31;
	[sflag:s17] =	ssyncset.done $0x0  }
.LBB2_8:
0x70: {  	s1 =	sadd.s32 $0xFFFFFFA0, s31;
	[sflag:s17] =	ssyncadd.s32 @p1 $0xFFFFC000  }
0x71: {  	[tilespmem:s16], [sflag:$0x1] =	stream.indirect.gather [hbm4b:s4+s18], $0x80, s1, s18, $0xb8;
	[tilespmem:$0x1E800] =	vst v63  }
0x72: {  	s3 =	sadd.s32 $0xFFFFFFC0, s31  }
0x73: {  	[tilespmem:s19], [sflag:$0x2] =	stream.indirect.gather [hbm4b:s4+s18], $0x80, s3, s18, $0xb8;
	[tilespmem:$0x1E800] =	vst v63  }
0x74: {  	s3 =	sadd.s32 $0xFFFFFFE0, s31  }
0x75: {  	[tilespmem:s20], [sflag:$0x3] =	stream.indirect.gather [hbm4b:s4+s18], $0x80, s3, s18, $0xb8;
	[tilespmem:$0x1E800] =	vst v63  }
0x76: {  	_ = 	snop  }
0x77: {  	[tilespmem:s21], [sflag:$0x4] =	stream.indirect.gather [hbm4b:s4+s18], $0x80, s31, s18, $0xb8;
	[tilespmem:$0x1E800] =	vst v63  }
0x78: {  	_ =	swait.ge [sflag:s22], $0x1000  }
0x79: {  	[sflag:s22] =	ssyncset.done $0x0  }
0x7a: {  	[sflag:s22] =	ssyncadd.s32 $0xFFFFF000  }
0x7b: {  	_ =	swait.ge [sflag:s23], $0x1000  }
0x7c: {  	[sflag:s23] =	ssyncset.done $0x0  }
0x7d: {  	[sflag:s23] =	ssyncadd.s32 $0xFFFFF000  }
0x7e: {  	_ =	swait.ge [sflag:s24], $0x1000  }
0x7f: {  	[sflag:s24] =	ssyncset.done $0x0  }
0x80: {  	[sflag:s24] =	ssyncadd.s32 $0xFFFFF000  }
0x81: {  	_ =	swait.ge [sflag:s26], $0x1000  }
0x82: {  	s0 =	sadd.s32 @p1 $0x80, s0;
	[sflag:s26] =	ssyncset.done $0x0  }
0x83: {  	s30 =	smov.u32 @p1 s0;
	[sflag:s26] =	ssyncadd.s32 $0xFFFFF000  }
0x84: {  	[spmem:s2] =	stream.indirect.scatter.add.f32 [tilespmem:s16], [sflag:$0x5], $0x80, s30, s28, $0xb8;
	[tilespmem:$0x1E800] =	vst v63  }
0x85: {  	_ =	swait.ge [sflag:s17], $0x4000  }
0x86: {  	[sflag:s17] =	ssyncset.done $0x0  }
0x87: {  	[sflag:s17] =	ssyncadd.s32 $0xFFFFC000  }
0x88: {  	s0 =	simm.s32 @p0 $0x1FC5;
	[bflag:$0x0] =	sbarrier.arrive $0xFFFF  }
0x89: {  	[hbm:s14], [sflag:s0] =	dma.local @p0 [spmem:s25], $0x1900  }
0x8a: {  	s0 =	simm.s32 @p0 $0x5  }
0x8b: {  	s29 =	sadd.s32 $0x1, s29;
	s1 =	stileid.u32;
	_ =	swait.ge @p0 [sflag:s0], $0x1900  }
0x8c: {  	p1 =	sne.s32 s29, s15;
	s1 =	sshll.u32 @!p0 s1, $0x6;
	[sflag:s0] =	ssyncset.done @p0 $0x0  }
0x8d: {  	[sflag:s0] =	ssyncadd.s32 @p0 $0xFFFFE700;
	s0 =	sor.u32 @!p0 $0x1C05, s1;
	s1 =	sshrl.u32 @!p0 s6, $0x3  }
0x8e: {  	[hbm:s13], [sflag:s0] =	dma.local @!p0 [spmem:s1], $0x2800  }
.Ltmp4:
0x8f: {  	_ = 	snop;
	(pc) =	sbr.rel @p1 .LBB2_1-.Ltmp4, $4  }
.Ltmp5:
0x90: {  	s0 =	simm.s32 @!p0 $0x5;
	(pc) =	sbr.rel @!p1 .LBB2_9-.Ltmp5, $4  }
0x91: {  	_ =	swait.ge @!p0 [sflag:s0], $0x2800  }
0x92: {  	[sflag:s0] =	ssyncset.done @!p0 $0x0  }
0x93: {  	[sflag:s0] =	ssyncadd.s32 @!p0 $0xFFFFD800  }
0x94: {  	_ = 	snop  }
.LBB2_4:
.Ltmp6:
0x95: {  	(pc) =	sbr.rel .LBB2_8-.Ltmp6, $2  }
0x96: {  	_ =	sdelay $0x2  }
0x97: {  	s0 =	simm.s32 $0x3400  }
.LBB2_6:
.Ltmp7:
0x98: {  	(pc) =	sbr.rel .LBB2_8-.Ltmp7, $2  }
0x99: {  	_ =	sdelay $0x2  }
0x9a: {  	s0 =	simm.s32 $0x3400  }
.LBB2_9:
0x9b: {  	_ =	sfence.sel $0x180000  }
0x9c: {  	[bflag:$0x0] =	sbarrier.arrive $0xFFFF  }
0x9d: {  	_ =	strace $0x9000004D  }
0x9e: {  	s0 =	stileid.u32;
	[bflag:$0x2] =	sbarrier.arrive $0xFFFF  }
0x9f: {  	p0 =	sne.s32 s0, $0x0;
	s0 =	rddreg [dreg:$0x2]  }
0xa0: {  	s0 =	sadd.s32 @!p0 $0x100000, s0  }
0xa1: {  	[sflag:s0] =	ssyncadd.tile.s32 @!p0 $0x1;
	_ =	shalt  }
.Lfunc_end2:
_tile_overlayer_lowered:
.L_overlay_start_2:
0xa2: {  	(tag) =	ssettag $0x2  }
0xa3: {  	s0 =	rddreg [dreg:$0x0];
	s2 =	stileid.u32  }
0xa4: {  	s1 =	rddreg [dreg:$0x1];
	p0 =	sne.s32 s2, $0x0  }
0xa5: {  	s3 =	rddreg [dreg:$0x2];
	[bflag:$0x3] =	sbarrier.arrive $0xFFFF;
	s2 =	simm.s32 @!p0 $0x1C05  }
0xa6: {  	[timem:s3], [sflag:s2] =	dma.local @!p0 [hbm:s0], s1  }
0xa7: {  	s0 =	simm.s32 @!p0 $0x5  }
0xa8: {  	_ =	swait.ge @!p0 [sflag:s0], s1  }
0xa9: {  	s1 =	ssub.s32 @!p0 $0x0, s1;
	[sflag:s0] =	ssyncset.done @!p0 $0x0  }
0xaa: {  	[sflag:s0] =	ssyncadd.s32 @!p0 s1  }
0xab: {  	[bflag:$0x3] =	sbarrier.arrive $0xFFFF  }
0xac: {  	_ =	shalt  }

// kernel: kernel.8.cloned.1.call-start
scs
__scs_entry_jumppad:
0x0: {  	(pc) =	sbr.rel $0x88, $3  }
0x1: {  	(tag) =	ssettag $0x0;
	lr =	simm.s32 $0x1  }
0x2: {  	[smem:$0x3F9B] =	sst lr;
	_ =	strace $0xD0000000  }
0x3: {  	_ = 	snop  }
0x4: {  	_ = 	snop  }
0x5: {  	_ = 	snop  }
0x6: {  	_ = 	snop  }
0x7: {  	_ = 	snop  }
__scs_overlays_trampoline_lowered:
0x8: {  	[smem:$0x3FAA] =	sst s0  }
0x9: {  	[smem:$0x3FAB] =	sst s1  }
0xa: {  	[smem:$0x3FAC] =	sst s2  }
0xb: {  	[smem:$0x3FAD] =	sst s3  }
0xc: {  	[smem:$0x3FAE] =	sst s4  }
0xd: {  	[smem:$0x3FAF] =	sst s5  }
0xe: {  	[smem:$0x3FB0] =	sst s6  }
0xf: {  	[smem:$0x3FB1] =	sst s7  }
0x10: {  	[smem:$0x3FB2] =	sst s8  }
0x11: {  	[smem:$0x3FB3] =	sst s9;
	s0 =	simm.s32 @!p0 $0x0  }
0x12: {  	s1 =	sld [smem:$0x3F99];
	s0 =	simm.s32 @p0 $0x1  }
0x13: {  	[smem:$0x3FB4] =	sst s0;
	s0 =	simm.s32 @!p1 $0x0  }
0x14: {  	s2 =	sld [smem:$0x3F98];
	s0 =	simm.s32 @p1 $0x1  }
0x15: {  	[smem:$0x3FB5] =	sst s0;
	s0 =	simm.s32 @!p2 $0x0  }
0x16: {  	s3 =	sld [smem:$0x3FDB];
	s0 =	simm.s32 @p2 $0x1  }
0x17: {  	s4 =	simm.s32 $0x1BF5;
	[smem:$0x3FB7] =	sst s0  }
0x18: {  	s0 =	sld [smem:$0x3F9A];
	_ =	swait.ge [sflag:s4], $0x0  }
0x19: {  	s7 =	sld [smem:$0x3F9B]  }
0x1a: {  	s8 =	sadd.s32 $0xFFFFE003, lr  }
0x1b: {  	s9 =	sadd.s32 $0xFFFFFEF7, lr;
	s5 =	simm.s32 $0xFFFFFFFF;
	p2 =	slt.u32 s8, $0xFFFFF086  }
0x1c: {  	p1 =	slt.u32 s9, $0xF7A;
	s5 =	simm.s32 @!p2 $0x0  }
0x1d: {  	s5 =	simm.s32 @p1 $0x1;
	p0 =	seq.s32 s7, s2  }
0x1e: {  	s7 =	smul.u32 @!p0 $0xF7A, s2;
	p2 =	seq.s32 @!p0 s5, $0x0  }
0x1f: {  	s9 =	smul.u32 $0xF7A, s1;
	s8 =	simm.s32 @!p0 $0x1BF5;
	p2 =	por !p2, p0  }
0x20: {  	[sflag:s8] =	ssyncset.s32 @!p0 $0xFFFFF086;
	s6 =	sadd.s32 @!p0 s3, s7;
	s7 =	simm.s32 @!p0 $0x108  }
0x21: {  	s3 =	sadd.s32 s3, s9;
	s6 =	sadd.s32 @!p0 $0x88, s6;
	s7 =	simm.s32 @p2 $0x1082  }
0x22: {  	[simem:s7], [sflag:s8] =	dma.local @!p0 [hbm:s6], $0xF7A  }
0x23: {  	s9 =	sor.u32 $0xD0000000, s2;
	s6 =	simm.s32 $0x108;
	_ =	swait.ge @!p0 [sflag:s8], $0x0  }
0x24: {  	s3 =	sadd.s32 $0x88, s3;
	s6 =	simm.s32 @!p1 $0x1082;
	[sflag:s4] =	ssyncset.s32 $0xFFFFF086  }
0x25: {  	[simem:s6], [sflag:s4] =	dma.local [hbm:s3], $0xF7A  }
0x26: {  	[smem:$0x3F9B] =	sst s1;
	(tag) =	ssettag s2;
	_ =	strace s9  }
0x27: {  	s1 =	sld [smem:$0x3FAB]  }
0x28: {  	s2 =	sld [smem:$0x3FAC]  }
0x29: {  	s4 =	sld [smem:$0x3FAE]  }
0x2a: {  	p0 =	seq.s32 s5, $0x0;
	s5 =	sld [smem:$0x3FAF]  }
0x2b: {  	s6 =	sld [smem:$0x3FB0]  }
0x2c: {  	s7 =	sld [smem:$0x3FB1]  }
0x2d: {  	s3 =	simm.s32 $0x108;
	s8 =	sld [smem:$0x3FB2]  }
0x2e: {  	s3 =	simm.s32 @!p0 $0x1082;
	s9 =	sld [smem:$0x3FB3]  }
0x2f: {  	lr =	sadd.s32 s0, s3;
	s0 =	sld [smem:$0x3FAA]  }
0x30: {  	s3 =	sld [smem:$0x3FAD]  }
0x31: {  	[smem:$0x3FB6] =	sst s10  }
0x32: {  	s10 =	sld [smem:$0x3FB4];
	_ =	sdelay $0x3  }
0x33: {  	p0 =	seq.s32 s10, $0x1;
	s10 =	sld [smem:$0x3FB6];
	_ =	sdelay $0x3  }
0x34: {  	[smem:$0x3FB6] =	sst s10  }
0x35: {  	s10 =	sld [smem:$0x3FB5];
	_ =	sdelay $0x3  }
0x36: {  	p1 =	seq.s32 s10, $0x1;
	s10 =	sld [smem:$0x3FB6];
	_ =	sdelay $0x3  }
0x37: {  	[smem:$0x3FB6] =	sst s10  }
0x38: {  	s10 =	sld [smem:$0x3FB7]  }
0x39: {  	_ = 	snop;
	(pc) =	sbr.ind lr, $3  }
0x3a: {  	_ = 	snop  }
0x3b: {  	_ = 	snop  }
0x3c: {  	p2 =	seq.s32 s10, $0x1;
	s10 =	sld [smem:$0x3FB6]  }
0x3d: {  	_ =	shalt  }
0x3e: {  	_ =	shalt  }
0x3f: {  	_ =	shalt  }
0x40: {  	_ =	shalt  }
0x41: {  	_ =	shalt  }
0x42: {  	_ =	shalt  }
0x43: {  	_ =	shalt  }
0x44: {  	_ =	shalt  }
0x45: {  	_ =	shalt  }
0x46: {  	_ =	shalt  }
0x47: {  	_ =	shalt  }
0x48: {  	_ =	shalt  }
0x49: {  	_ =	shalt  }
0x4a: {  	_ =	shalt  }
0x4b: {  	_ =	shalt  }
0x4c: {  	_ =	shalt  }
0x4d: {  	_ =	shalt  }
0x4e: {  	_ =	shalt  }
0x4f: {  	_ =	shalt  }
0x50: {  	_ =	shalt  }
0x51: {  	_ =	shalt  }
0x52: {  	_ =	shalt  }
0x53: {  	_ =	shalt  }
0x54: {  	_ =	shalt  }
0x55: {  	_ =	shalt  }
0x56: {  	_ =	shalt  }
0x57: {  	_ =	shalt  }
0x58: {  	_ =	shalt  }
0x59: {  	_ =	shalt  }
0x5a: {  	_ =	shalt  }
0x5b: {  	_ =	shalt  }
0x5c: {  	_ =	shalt  }
0x5d: {  	_ =	shalt  }
0x5e: {  	_ =	shalt  }
0x5f: {  	_ =	shalt  }
0x60: {  	_ =	shalt  }
0x61: {  	_ =	shalt  }
0x62: {  	_ =	shalt  }
0x63: {  	_ =	shalt  }
0x64: {  	_ =	shalt  }
0x65: {  	_ =	shalt  }
0x66: {  	_ =	shalt  }
0x67: {  	_ =	shalt  }
0x68: {  	_ =	shalt  }
0x69: {  	_ =	shalt  }
0x6a: {  	_ =	shalt  }
0x6b: {  	_ =	shalt  }
0x6c: {  	_ =	shalt  }
0x6d: {  	_ =	shalt  }
0x6e: {  	_ =	shalt  }
0x6f: {  	_ =	shalt  }
0x70: {  	_ =	shalt  }
0x71: {  	_ =	shalt  }
0x72: {  	_ =	shalt  }
0x73: {  	_ =	shalt  }
0x74: {  	_ =	shalt  }
0x75: {  	_ =	shalt  }
0x76: {  	_ =	shalt  }
0x77: {  	_ =	shalt  }
0x78: {  	_ =	shalt  }
0x79: {  	_ =	shalt  }
0x7a: {  	_ =	shalt  }
0x7b: {  	_ =	shalt  }
0x7c: {  	_ =	shalt  }
0x7d: {  	_ =	shalt  }
0x7e: {  	_ =	shalt  }
0x7f: {  	_ =	shalt  }
0x80: {  	_ =	shalt  }
0x81: {  	_ =	shalt  }
0x82: {  	_ =	shalt  }
0x83: {  	_ =	shalt  }
0x84: {  	_ =	shalt  }
0x85: {  	_ =	shalt  }
0x86: {  	_ =	shalt  }
0x87: {  	_ =	shalt  }
.Lfunc_end0:
.L_simem_size_0:
called_computation_lowered:
.L_overlay_start_0:
0x88: {  	s2 =	sld [smem:$0x3FD9]  }
0x89: {  	s3 =	sld [smem:$0x3FFE];
	_ =	sdelay $0x1  }
0x8a: {  	s1 =	srdreg.scid  }
0x8b: {  	s0 =	sand.u32 $0x1, s1  }
0x8c: {  	s16 =	sshll.u32 s0, $0xA;
	s2 =	sadd.s32 s3, s2  }
0x8d: {  	s2 =	sadd.s32 s2, s16  }
0x8e: {  	[smem:$0x3FC2] =	sst s2  }
0x8f: {  	_ = 	snop  }
0x90: {  	(tm) =	ssettm $0x1  }
0x91: {  	s17 =	sld [smem:$0x3FFB];
	_ =	sdelay $0x3  }
0x92: {  	_ =	strace s17  }
0x93: {  	s2 =	sld [smem:$0x3FFC];
	_ =	sdelay $0x3  }
0x94: {  	_ =	strace s2  }
0x95: {  	s2 =	sld [smem:$0x3FFD];
	_ =	sdelay $0x3  }
0x96: {  	_ =	strace s2  }
0x97: {  	_ =	strace $0x8FFFFFFF  }
0x98: {  	s18 =	sld [smem:$0x3FDB];
	_ =	sdelay $0x1  }
0x99: {  	s19 =	simm.s32 $_scs_section_size  }
0x9a: {  	s4 =	simm.s32 $_size__tile_overlayer_lowered;
	s5 =	simm.s32 $_tile_overlayer_lowered  }
0x9b: {  	s22 =	simm.s32 $0x1BFF;
	s21 =	sshll.u32 s5, $0x1;
	s2 =	sadd.s32 s19, s18  }
0x9c: {  	s6 =	simm.s32 $0x0;
	s20 =	sshll.u32 s4, $0x1;
	s4 =	sadd.s32 s21, s2  }
0x9d: {  	[timem:s6], [sflag:s22] =	dma.local [hbm:s4], s20  }
0x9e: {  	_ =	swait.ge [sflag:s22], s20  }
0x9f: {  	s3 =	ssub.s32 $0x0, s20;
	[sflag:s22] =	ssyncset.done $0x0  }
0xa0: {  	[sflag:s22] =	ssyncadd.s32 s3;
	_ =	sdelay $0x1  }
0xa1: {  	s23 =	simm.s32 $0x1B8B  }
0xa2: {  	_ =	swait.ge [sflag:s23], $0x1  }
0xa3: {  	[sflag:s23] =	ssyncset.done $0x0  }
0xa4: {  	s25 =	simm.s32 $0x1B8E;
	s24 =	sld [smem:$0x3FFE];
	[sflag:s23] =	ssyncadd.s32 $0xFFFFFFFF  }
0xa5: {  	s26 =	simm.s32 $execute0_lowered;
	[smem:$0x3FD2] =	sst s25  }
0xa6: {  	s4 =	sshll.u32 s26, $0x1;
	_ =	strace $0x80000046;
	[dreg:$0x1] =	wrdreg $0xFFFFFFFF  }
0xa7: {  	s28 =	simm.s32 $_size_execute0_lowered;
	s2 =	sadd.s32 s2, s4;
	[dreg:$0x0] =	wrdreg $0x0  }
0xa8: {  	s4 =	sshll.u32 s28, $0x1;
	[dreg:$0x2] =	wrdreg s2  }
0xa9: {  	[dreg:$0x3] =	wrdreg s4  }
0xaa: {  	[dreg:$0x4] =	wrdreg $0xC0  }
0xab: {  	_ =	task [dreg:s6], $0x5FFFF  }
0xac: {  	[dreg:$0x1] =	wrdreg $0xFFFFFFFF  }
0xad: {  	[dreg:$0x0] =	wrdreg $0x60  }
0xae: {  	[dreg:$0x2] =	wrdreg s24  }
0xaf: {  	[dreg:$0x3] =	wrdreg $0x74000  }
0xb0: {  	[dreg:$0x4] =	wrdreg $0x9  }
0xb1: {  	_ =	task.clear_ibuf [dreg:s6], $0x5FFFF;
	_ =	strace $0x90000046  }
0xb2: {  	s29 =	simm.s32 $0x9;
	_ =	strace $0x80000048  }
0xb3: {  	_ =	swait.ge [sflag:s29], $0x1  }
0xb4: {  	[sflag:s29] =	ssyncadd.s32 $0xFFFFFFFF  }
0xb5: {  	_ =	strace $0x90000048  }
0xb6: {  	_ =	sfence  }
0xb7: {  	s30 =	sld [smem:$0x0];
	_ =	sdelay $0x2  }
0xb8: {  	s31 =	sshll.u32 s1, $0xD;
	s1 =	sshrl.u32 s1, $0x2  }
0xb9: {  	s3 =	sand.u32 $0x4000, s31;
	s1 =	sadd.s32 s1, s30  }
0xba: {  	s0 =	sor.u32 s3, s0;
	s1 =	sshll.u32 s1, $0x11  }
0xbb: {  	s0 =	sor.u32 s1, s0  }
0xbc: {  	s0 =	sadd.s32 $0x8F2B, s0  }
0xbd: {  	[sflag:s0] =	ssyncadd.remote.s32 $0x1  }
0xbe: {  	_ =	sfence.sel $0xFFFF  }
0xbf: {  	[dreg:$0x0] =	wrdreg $0xFFFFFFFF;
	(pc) =	sbr.abs _section_cstart, $3  }
0xc0: {  	[dreg:$0x1] =	wrdreg $0xFFFFFFFF  }
0xc1: {  	_ =	task.clear_ibuf [dreg:s6], $0x2FFFF;
	_ =	strace $0x9FFFFFFF  }
0xc2: {  	(tm) =	ssettm $0x7FFFFFFF  }
0xc3: {  	_ =	shalt  }
tec
execute0_lowered:
.L_overlay_start_1:
0x0: {  	(tag) =	ssettag $0x1  }
0x1: {  	s4 =	rddreg [dreg:$0x0];
	s0 =	srdreg.scid  }
0x2: {  	s2 =	rddreg [dreg:$0x1];
	s1 =	stileid.u32  }
0x3: {  	s3 =	simm.s32 $0x0;
	s15 =	simm.s32 $0x1;
	s7 =	smul.u32 $0x3400, s1  }
0x4: {  	s5 =	sand.u32 $0x1, s0;
	s0 =	rddreg [dreg:$0x2];
	s9 =	smul.u32 $0x50000, s1  }
0x5: {  	s16 =	simm.s32 $0x80;
	[smem:$0x7FF] =	sst s3;
	s12 =	smul.u32 $0x14000, s1  }
0x6: {  	s11 =	sadd.s32 $0x1C800, s4;
	s17 =	sadd.s32 $0x12C000, s2;
	s6 =	smul.u32 $0x34000, s5  }
0x7: {  	_ =	strace $0x80000047;
	s29 =	ssub.s32 $0x2, s5;
	p0 =	seq.s32 s5, $0x0  }
0x8: {  	s31 =	smul.u32 $0x138800, s5;
	s8 =	sshrl.u32 s29, $0x1;
	s30 =	sshrl.u32 s9, $0x2  }
0x9: {  	s6 =	sadd.s32 s7, s6;
	s13 =	ssub.s32 s29, s8;
	s5 =	sadd.s32 s30, s2  }
0xa: {  	s12 =	sadd.s32 s12, s31;
	s14 =	sshrl.u32 s31, $0x3;
	s6 =	sshrl.u32 s6, $0x3  }
0xb: {  	s7 =	sadd.s32 $0x8000, s5;
	s8 =	sadd.s32 $0xC000, s5;
	s9 =	sadd.s32 $0x10000, s5  }
0xc: {  	s12 =	sshrl.u32 s12, $0x3;
	s14 =	sadd.s32 s11, s14;
	s13 =	smax.u32 s13, $0x1  }
0xd: {  	s10 =	sadd.s32 s6, s4;
	s4 =	simm.s32 $0x38;
	s6 =	sadd.s32 $0x4000, s5  }
0xe: {  	s11 =	sadd.s32 s11, s12;
	s4 =	simm.s32 @!p0 $0x65;
	p0 =	seq.s32 s1, $0xF  }
0xf: {  	s12 =	sadd.s32 $0x25800, s14;
	s14 =	simm.s32 $0x3400;
	s18 =	sshll.u32 @!p0 s1, $0x6  }
0x10: {  	v0 =	vimm.f32 $0.0e+00;
	v1 =	vimm.f32 $1.000000000e+00;
	s10 =	sadd.s32 $0x2800, s10;
	s17 =	sshrl.u32 @p0 s17, $0x3;
	s18 =	sor.u32 @!p0 $0x1C01, s18  }
.LBB2_1:
0x11: {  	s19 =	simm.s32 $0x0;
	s20 =	simm.s32 $0x200  }
.LBB2_2:
0x12: {  	p1 =	sne.s32 s20, $0xFE00;
	[tilespmem:s19+$0x3470] =	vst v0  }
0x13: {  	[tilespmem:s19+$0x3400] =	vst v0  }
0x14: {  	[tilespmem:s19+$0x3410] =	vst v0  }
.Ltmp0:
0x15: {  	[tilespmem:s19+$0x3420] =	vst v0;
	(pc) =	sbr.rel @p1 .LBB2_2-.Ltmp0, $4  }
0x16: {  	[tilespmem:s19+$0x3430] =	vst v0  }
0x17: {  	[tilespmem:s19+$0x3440] =	vst v0  }
0x18: {  	[tilespmem:s19+$0x3450] =	vst v0  }
0x19: {  	[tilespmem:s19+$0x3460] =	vst v0;
	s19 =	sshra.s32 s20, $0x2;
	s20 =	sadd.s32 $0x200, s20  }
0x1a: {  	[tilespmem:s19+$0x3470] =	vst v0  }
0x1b: {  	[tilespmem:s19+$0x3400] =	vst v0  }
0x1c: {  	[tilespmem:s19+$0x3410] =	vst v0  }
0x1d: {  	[tilespmem:s19+$0x3420] =	vst v0  }
0x1e: {  	[tilespmem:s19+$0x3430] =	vst v0  }
0x1f: {  	[tilespmem:s19+$0x3440] =	vst v0  }
0x20: {  	[tilespmem:s19+$0x3450] =	vst v0  }
0x21: {  	[tilespmem:s19+$0x3460] =	vst v0  }
0x22: {  	[spmem:s5] =	stream.linear.scatter [tilespmem:s14], [sflag:$0x1], $0x4000, $0x38;
	[tilespmem:$0x1B400] =	vst v63  }
0x23: {  	_ =	swait.ge [sflag:s15], $0x4000  }
0x24: {  	[sflag:s15] =	ssyncset.done $0x0  }
0x25: {  	[sflag:s15] =	ssyncadd.s32 $0xFFFFC000  }
0x26: {  	[spmem:s6] =	stream.linear.scatter [tilespmem:s14], [sflag:$0x1], $0x4000, $0x38;
	[tilespmem:$0x1B400] =	vst v63  }
0x27: {  	_ =	swait.ge [sflag:s15], $0x4000  }
0x28: {  	[sflag:s15] =	ssyncset.done $0x0  }
0x29: {  	[sflag:s15] =	ssyncadd.s32 $0xFFFFC000  }
0x2a: {  	[spmem:s7] =	stream.linear.scatter [tilespmem:s14], [sflag:$0x1], $0x4000, $0x38;
	[tilespmem:$0x1B400] =	vst v63  }
0x2b: {  	_ =	swait.ge [sflag:s15], $0x4000  }
0x2c: {  	[sflag:s15] =	ssyncset.done $0x0  }
0x2d: {  	[sflag:s15] =	ssyncadd.s32 $0xFFFFC000  }
0x2e: {  	[spmem:s8] =	stream.linear.scatter [tilespmem:s14], [sflag:$0x1], $0x4000, $0x38;
	[tilespmem:$0x1B400] =	vst v63  }
0x2f: {  	_ =	swait.ge [sflag:s15], $0x4000  }
0x30: {  	[sflag:s15] =	ssyncset.done $0x0  }
0x31: {  	[sflag:s15] =	ssyncadd.s32 $0xFFFFC000  }
0x32: {  	[spmem:s9] =	stream.linear.scatter [tilespmem:s14], [sflag:$0x1], $0x4000, $0x38;
	[tilespmem:$0x1B400] =	vst v63  }
0x33: {  	_ =	swait.ge [sflag:s15], $0x4000  }
0x34: {  	[sflag:s15] =	ssyncset.done $0x0  }
0x35: {  	[sflag:s15] =	ssyncadd.s32 $0xFFFFC000  }
0x36: {  	s19 =	simm.s32 $0x200;
	s20 =	simm.s32 $0x0;
	[bflag:$0x0] =	sbarrier.arrive $0xFFFF  }
.LBB2_4:
0x37: {  	p1 =	sne.s32 s19, $0xFE00;
	[tilespmem:s20+$0x3400] =	vst v1;
	s20 =	smov.u32 s19;
	s19 =	sadd.s32 $0x200, s19  }
.Ltmp1:
0x38: {  	(pc) =	sbr.rel @p1 .LBB2_4-.Ltmp1, $2  }
0x39: {  	_ =	sdelay $0x2  }
0x3a: {  	s20 =	sshra.s32 s20, $0x2  }
0x3b: {  	[tilespmem:s20+$0x3400] =	vst v1;
	s19 =	simm.s32 $0x0  }
0x3c: {  	[tilespmem:s19], [sflag:$0x1] =	stream.linear.gather [hbm4b:s10+s19], $0x3280, $0x38;
	[tilespmem:$0x1B400] =	vst v63  }
0x3d: {  	p1 =	sne.s32 s4, $0x1;
	_ =	swait.ge [sflag:s15], $0x3280  }
.Ltmp2:
0x3e: {  	[sflag:s15] =	ssyncset.done $0x0;
	(pc) =	sbr.rel @!p1 .LBB2_7-.Ltmp2, $4  }
0x3f: {  	[sflag:s15] =	ssyncadd.s32 $0xFFFFCD80  }
0x40: {  	[spmem:s2] =	stream.indirect.scatter.add.f32 [tilespmem:s14], [sflag:$0x1], $0x80, s19, s16, $0xb8;
	[tilespmem:$0x1B400] =	vst v63  }
0x41: {  	_ =	swait.ge [sflag:s15], $0x4000  }
0x42: {  	s20 =	sadd.s32 $0xFFFFFFFF, s4;
	[sflag:s15] =	ssyncset.done $0x0  }
.LBB2_6:
0x43: {  	p1 =	sne.s32 s20, $0x1;
	[sflag:s15] =	ssyncadd.s32 $0xFFFFC000;
	s19 =	sadd.s32 $0x80, s19  }
.Ltmp3:
0x44: {  	s20 =	sadd.s32 $0xFFFFFFFF, s20;
	(pc) =	sbr.rel @p1 .LBB2_6-.Ltmp3, $4  }
0x45: {  	_ = 	snop  }
0x46: {  	[spmem:s2] =	stream.indirect.scatter.add.f32 [tilespmem:s14], [sflag:$0x1], $0x80, s19, s16, $0xb8;
	[tilespmem:$0x1B400] =	vst v63  }
0x47: {  	_ =	swait.ge [sflag:s15], $0x4000  }
0x48: {  	[sflag:s15] =	ssyncset.done $0x0  }
.LBB2_7:
0x49: {  	[sflag:s15] =	ssyncadd.s32 $0xFFFFC000  }
0x4a: {  	s19 =	simm.s32 @p0 $0x1FC1;
	[bflag:$0x0] =	sbarrier.arrive $0xFFFF  }
0x4b: {  	[hbm:s12], [sflag:s19] =	dma.local @p0 [spmem:s17], $0x1900  }
0x4c: {  	s19 =	simm.s32 @p0 $0x1  }
0x4d: {  	_ =	swait.ge @p0 [sflag:s19], $0x1900  }
0x4e: {  	s3 =	sadd.s32 $0x1, s3;
	[sflag:s19] =	ssyncset.done @p0 $0x0  }
0x4f: {  	p1 =	sne.s32 s3, s13;
	[sflag:s19] =	ssyncadd.s32 @p0 $0xFFFFE700;
	s19 =	sshrl.u32 @!p0 s5, $0x3  }
0x50: {  	[hbm:s11], [sflag:s18] =	dma.local @!p0 [spmem:s19], $0x2800  }
.Ltmp4:
0x51: {  	_ = 	snop;
	(pc) =	sbr.rel @p1 .LBB2_1-.Ltmp4, $4  }
0x52: {  	s19 =	simm.s32 @!p0 $0x1  }
0x53: {  	_ =	swait.ge @!p0 [sflag:s19], $0x2800  }
0x54: {  	[sflag:s19] =	ssyncset.done @!p0 $0x0  }
0x55: {  	[sflag:s19] =	ssyncadd.s32 @!p0 $0xFFFFD800  }
0x56: {  	_ =	sfence.sel $0x180000  }
0x57: {  	[bflag:$0x0] =	sbarrier.arrive $0xFFFF  }
0x58: {  	p0 =	sne.s32 s1, $0x0;
	_ =	strace $0x90000047  }
0x59: {  	s0 =	sadd.s32 @!p0 $0x100000, s0;
	[bflag:$0x2] =	sbarrier.arrive $0xFFFF  }
0x5a: {  	[sflag:s0] =	ssyncadd.tile.s32 @!p0 $0x1;
	_ =	shalt  }
.Lfunc_end2:
_tile_overlayer_lowered:
.L_overlay_start_2:
0x5b: {  	(tag) =	ssettag $0x2  }
0x5c: {  	s0 =	rddreg [dreg:$0x0];
	s2 =	stileid.u32  }
0x5d: {  	s1 =	rddreg [dreg:$0x1];
	p0 =	sne.s32 s2, $0x0  }
0x5e: {  	s3 =	rddreg [dreg:$0x2];
	[bflag:$0x3] =	sbarrier.arrive $0xFFFF;
	s2 =	simm.s32 @!p0 $0x1C01  }
0x5f: {  	[timem:s3], [sflag:s2] =	dma.local @!p0 [hbm:s0], s1  }
0x60: {  	s0 =	simm.s32 @!p0 $0x1  }
0x61: {  	_ =	swait.ge @!p0 [sflag:s0], s1  }
0x62: {  	s1 =	ssub.s32 @!p0 $0x0, s1;
	[sflag:s0] =	ssyncset.done @!p0 $0x0  }
0x63: {  	[sflag:s0] =	ssyncadd.s32 @!p0 s1  }
0x64: {  	[bflag:$0x3] =	sbarrier.arrive $0xFFFF  }
0x65: {  	_ =	shalt  }

</sc_bundles>
